<compile_context>
chip_gen: v7x
topology: tpu7x:2x2x1
jax: 0.10.2.dev20260603
libtpu: 0.0.44.dev20260713+nightly
codegen_flags: <defaults>
</compile_context>

<pallas_src>
import functools

import jax
import jax.numpy as jnp
from jax import lax
from jax.experimental import pallas as pl
from jax.experimental.pallas import tpu as pltpu
from jax.experimental.pallas import tpu_sc as plsc

NC, NS, LANES = 2, 16, 16
NW = NC * NS

COARSE = 128
FINAL = 10
KEY_BLOCK = 1024
N_KEYS = 100000
N_PAD = 100352
NEG_LARGE = -3.0e38
BIG = 3.0e38
BIGI = 2**30
GROUP = 128
N_GROUPS = N_PAD // GROUP
GPB = KEY_BLOCK // GROUP
SUB = 16
N_SUB = COARSE * GROUP // SUB
CAND = COARSE * SUB


def _score_block_kernel(q_ref, w_ref, k_ref, s_ref, gm_ref):
    i = pl.program_id(0)
    processed = jax.lax.dot(q_ref[...], w_ref[...],
                            preferred_element_type=jnp.float32)
    s = jax.lax.dot_general(processed, k_ref[...],
                            (((1,), (1,)), ((), ())),
                            preferred_element_type=jnp.float32)
    col = i * KEY_BLOCK + jax.lax.broadcasted_iota(jnp.int32, s.shape, 1)
    s = jnp.where(col < N_KEYS, s, NEG_LARGE)
    s_ref[...] = s
    nq = s.shape[0]
    gm_ref[0] = jnp.max(s.reshape(nq, GPB, GROUP), axis=-1)


def _scores(queries, keys, W):
    nq = queries.shape[0]
    keys_p = jnp.pad(keys, ((0, N_PAD - N_KEYS), (0, 0)))
    grid = N_PAD // KEY_BLOCK
    scores, gm3 = pl.pallas_call(
        _score_block_kernel,
        grid=(grid,),
        in_specs=[
            pl.BlockSpec((nq, 64), lambda i: (0, 0)),
            pl.BlockSpec((64, 64), lambda i: (0, 0)),
            pl.BlockSpec((KEY_BLOCK, 64), lambda i: (i, 0)),
        ],
        out_specs=[
            pl.BlockSpec((nq, KEY_BLOCK), lambda i: (0, i)),
            pl.BlockSpec((1, nq, GPB), lambda i: (i, 0, 0)),
        ],
        out_shape=[
            jax.ShapeDtypeStruct((nq, N_PAD), jnp.float32),
            jax.ShapeDtypeStruct((grid, nq, GPB), jnp.float32),
        ],
    )(queries, W, keys_p)
    gmax = gm3.transpose(1, 0, 2).reshape(nq, N_GROUPS)
    return scores, gmax


def _select_kernel(gm_ref, gsel_ref, m_scr):
    m_scr[...] = gm_ref[...]
    giota = jax.lax.broadcasted_iota(jnp.int32, m_scr.shape, 1)
    kiota = jax.lax.broadcasted_iota(jnp.int32, gsel_ref.shape, 1)
    wpad = m_scr.shape[1]

    def body(k, _):
        m = m_scr[...]
        best = jnp.max(m, axis=1)
        sel = m == best[:, None]
        pos = jnp.min(jnp.where(sel, giota, wpad), axis=1)
        hit = giota == pos[:, None]
        gsel_ref[...] = jnp.where(kiota == k, pos[:, None], gsel_ref[...])
        m_scr[...] = jnp.where(hit, NEG_LARGE, m)
        return 0

    jax.lax.fori_loop(0, COARSE, body, 0)


def _select(m, qb=256):
    nq, w = m.shape
    wpad = ((w + 127) // 128) * 128
    if wpad != w:
        m = jnp.pad(m, ((0, 0), (0, wpad - w)), constant_values=NEG_LARGE)
    return pl.pallas_call(
        _select_kernel,
        grid=(nq // qb,),
        in_specs=[pl.BlockSpec((qb, wpad), lambda i: (i, 0))],
        out_specs=pl.BlockSpec((qb, COARSE), lambda i: (i, 0)),
        out_shape=jax.ShapeDtypeStruct((nq, COARSE), jnp.int32),
        scratch_shapes=[pltpu.VMEM((qb, wpad), jnp.float32)],
    )(m)


def _sc_gather_pairs(vals2d, kidx2d, sel, stride_v, stride_k, width):
    nq = sel.shape[0]
    qpw = nq // NW
    mesh = plsc.VectorSubcoreMesh(core_axis_name="c", subcore_axis_name="s",
                                  num_cores=NC, num_subcores=NS)

    @functools.partial(
        pl.kernel,
        out_type=[
            jax.ShapeDtypeStruct((nq, COARSE, width), jnp.float32),
            jax.ShapeDtypeStruct((nq, COARSE, width), jnp.int32),
        ],
        mesh=mesh,
        scratch_types=[
            pltpu.VMEM((COARSE,), jnp.int32),
            pltpu.VMEM((COARSE,), jnp.int32),
            pltpu.VMEM((COARSE,), jnp.int32),
            pltpu.VMEM((COARSE, width), jnp.float32),
            pltpu.VMEM((COARSE, width), jnp.int32),
            pltpu.SemaphoreType.DMA,
        ],
    )
    def body(v_hbm, k_hbm, sel_hbm, vout, kout,
             sel_v, fv_v, fk_v, vrow, krow, sem):
        wid = lax.axis_index("s") * NC + lax.axis_index("c")

        def per_query(qi, _):
            q = wid * qpw + qi
            pltpu.sync_copy(sel_hbm.at[q], sel_v)
            for v in range(COARSE // LANES):
                g = sel_v[pl.ds(v * LANES, LANES)]
                fv_v[pl.ds(v * LANES, LANES)] = g + q * stride_v
                fk_v[pl.ds(v * LANES, LANES)] = g + q * stride_k
            pltpu.async_copy(v_hbm.at[fv_v], vrow, sem).wait()
            pltpu.async_copy(k_hbm.at[fk_v], krow, sem).wait()
            pltpu.sync_copy(vrow, vout.at[q])
            pltpu.sync_copy(krow, kout.at[q])
            return 0

        lax.fori_loop(0, qpw, per_query, 0)

    return body(vals2d, kidx2d, sel)


CB = 8


def _compact_kernel(g_ref, ki_ref, sel_ref, cv_ref, ck_ref):
    sel = sel_ref[...]
    oh_iota = jax.lax.broadcasted_iota(jnp.int32, (CB, COARSE, N_SUB), 2)
    onehot = (sel[:, :, None] == oh_iota).astype(jnp.float32)
    for b in range(CB):
        cv_ref[b] = jax.lax.dot(onehot[b], g_ref[b],
                                preferred_element_type=jnp.float32)
        ck = jax.lax.dot(onehot[b], ki_ref[b],
                         preferred_element_type=jnp.float32)
        ck_ref[b] = ck.astype(jnp.int32)


def _compact_sub(grouped3, gkidxf3, gsel2):
    nq = grouped3.shape[0]
    return pl.pallas_call(
        _compact_kernel,
        grid=(nq // CB,),
        in_specs=[
            pl.BlockSpec((CB, N_SUB, SUB), lambda i: (i, 0, 0)),
            pl.BlockSpec((CB, N_SUB, SUB), lambda i: (i, 0, 0)),
            pl.BlockSpec((CB, COARSE), lambda i: (i, 0)),
        ],
        out_specs=[
            pl.BlockSpec((CB, COARSE, SUB), lambda i: (i, 0, 0)),
            pl.BlockSpec((CB, COARSE, SUB), lambda i: (i, 0, 0)),
        ],
        out_shape=[
            jax.ShapeDtypeStruct((nq, COARSE, SUB), jnp.float32),
            jax.ShapeDtypeStruct((nq, COARSE, SUB), jnp.int32),
        ],
    )(grouped3, gkidxf3, gsel2)


SB = 32


def _submax_kernel(g_ref, o_ref):
    g = g_ref[...]
    o_ref[...] = jnp.max(g.reshape(g.shape[0], N_SUB, SUB), axis=-1)


def _submax(grouped):
    nq = grouped.shape[0]
    return pl.pallas_call(
        _submax_kernel,
        grid=(nq // SB,),
        in_specs=[pl.BlockSpec((SB, COARSE * GROUP), lambda i: (i, 0))],
        out_specs=pl.BlockSpec((SB, N_SUB), lambda i: (i, 0)),
        out_shape=jax.ShapeDtypeStruct((nq, N_SUB), jnp.float32),
    )(grouped)


def _extract_kernel(v_ref, ki_ref, out_ref, v_scr):
    v_scr[...] = v_ref[...]
    kidx = ki_ref[...]
    kiota = jax.lax.broadcasted_iota(jnp.int32, out_ref.shape, 1)

    def body(k, _):
        v = v_scr[...]
        best = jnp.max(v, axis=1)
        sel = v == best[:, None]
        ci = jnp.min(jnp.where(sel, kidx, BIGI), axis=1)
        out_ref[...] = jnp.where(kiota == k, ci[:, None], out_ref[...])
        v_scr[...] = jnp.where(kidx == ci[:, None], NEG_LARGE, v)
        return 0

    jax.lax.fori_loop(0, COARSE, body, 0)


def _extract_coarse(cvals, ckidx, qb=256):
    nq = cvals.shape[0]
    return pl.pallas_call(
        _extract_kernel,
        grid=(nq // qb,),
        in_specs=[
            pl.BlockSpec((qb, CAND), lambda i: (i, 0)),
            pl.BlockSpec((qb, CAND), lambda i: (i, 0)),
        ],
        out_specs=pl.BlockSpec((qb, COARSE), lambda i: (i, 0)),
        out_shape=jax.ShapeDtypeStruct((nq, COARSE), jnp.int32),
        scratch_shapes=[pltpu.VMEM((qb, CAND), jnp.float32)],
    )(cvals, ckidx)


def _sc_gather_keys(keys128, cidx):
    nq = cidx.shape[0]
    qpw = nq // NW
    mesh = plsc.VectorSubcoreMesh(core_axis_name="c", subcore_axis_name="s",
                                  num_cores=NC, num_subcores=NS)

    @functools.partial(
        pl.kernel,
        out_type=jax.ShapeDtypeStruct((nq, COARSE, 128), jnp.float32),
        mesh=mesh,
        scratch_types=[
            pltpu.VMEM((COARSE,), jnp.int32),
            pltpu.VMEM((COARSE, 128), jnp.float32),
            pltpu.SemaphoreType.DMA,
        ],
    )
    def body(keys_hbm, cidx_hbm, out_hbm, idx_v, rows_v, sem):
        wid = lax.axis_index("s") * NC + lax.axis_index("c")

        def per_query(qi, _):
            q = wid * qpw + qi
            pltpu.sync_copy(cidx_hbm.at[q], idx_v)
            pltpu.async_copy(keys_hbm.at[idx_v], rows_v, sem).wait()
            pltpu.sync_copy(rows_v, out_hbm.at[q])
            return 0

        lax.fori_loop(0, qpw, per_query, 0)

    return body(keys128, cidx)


QB = 128


def _refine_kernel(p_ref, cand_ref, cidx_ref, dist_ref, idx_ref):
    p = p_ref[...]
    cand = cand_ref[...][:, :, :64]
    diff = p[:, None, :] - cand
    d2 = jnp.sum(diff * diff, axis=-1)
    cidx = cidx_ref[...]
    pos_iota = jax.lax.broadcasted_iota(jnp.int32, d2.shape, 1)
    for k in range(FINAL):
        m = jnp.min(d2, axis=1)
        sel = d2 == m[:, None]
        pos = jnp.min(jnp.where(sel, pos_iota, COARSE), axis=1)
        hit = pos_iota == pos[:, None]
        dist_ref[:, k] = m
        idx_ref[:, k] = jnp.sum(jnp.where(hit, cidx, 0), axis=1)
        d2 = jnp.where(hit, BIG, d2)


def _refine(processed, cand, cidx):
    nq = processed.shape[0]
    return pl.pallas_call(
        _refine_kernel,
        grid=(nq // QB,),
        in_specs=[
            pl.BlockSpec((QB, 64), lambda i: (i, 0)),
            pl.BlockSpec((QB, COARSE, 128), lambda i: (i, 0, 0)),
            pl.BlockSpec((QB, COARSE), lambda i: (i, 0)),
        ],
        out_specs=[
            pl.BlockSpec((QB, FINAL), lambda i: (i, 0)),
            pl.BlockSpec((QB, FINAL), lambda i: (i, 0)),
        ],
        out_shape=[
            jax.ShapeDtypeStruct((nq, FINAL), jnp.float32),
            jax.ShapeDtypeStruct((nq, FINAL), jnp.int32),
        ],
    )(processed, cand, cidx)


def kernel(queries, keys, W):
    nq = queries.shape[0]
    scores, gmax = _scores(queries, keys, W)
    gsel = _select(gmax)
    scores2d = scores.reshape(nq * N_GROUPS, GROUP)
    kidxg = jnp.arange(N_GROUPS * GROUP, dtype=jnp.int32).reshape(
        N_GROUPS, GROUP)
    grouped, gkidx = _sc_gather_pairs(scores2d, kidxg, gsel,
                                      N_GROUPS, 0, GROUP)
    if True:
        sub = jnp.max(grouped.reshape(nq, N_SUB, SUB), axis=-1)
        gsel2 = _select(sub)
        cand = jnp.take_along_axis(grouped.reshape(nq, N_SUB, SUB),
                                   gsel2[:, :, None], axis=1)
        ckidx = jnp.take_along_axis(gkidx.reshape(nq, N_SUB, SUB),
                                    gsel2[:, :, None], axis=1)
    else:
        sub = _submax(grouped.reshape(nq, COARSE * GROUP))
        gsel2 = _select(sub)
        gkidxf = gkidx.reshape(nq, N_SUB, SUB).astype(jnp.float32)
        cand, ckidx = _compact_sub(grouped.reshape(nq, N_SUB, SUB),
                                   gkidxf, gsel2)
    coarse_idx = _extract_coarse(cand.reshape(nq, CAND),
                                 ckidx.reshape(nq, CAND))
    keys128 = jnp.pad(keys, ((0, 0), (0, 64)))
    cand_keys = _sc_gather_keys(keys128, coarse_idx)
    processed = queries @ W
    return _refine(processed, cand_keys, coarse_idx)

# --- scband reference (transcript-rebuilt; emitter-appended) ---
"""Pipeline reference for scband-recommender-search-pipeline-64707977281804 (READ-ONLY COPY).

The authoritative reference and input builder live on the scoring server;
editing this copy changes nothing except your own understanding.
"""

import jax, jax.numpy as jnp
import numpy as np

COARSE_K = 128
FINAL_K = 10


def setup_inputs(seed: int = 0) -> dict:
    key = jax.random.key(seed)
    k1, k2, k3 = jax.random.split(key, 3)
    queries = jax.random.normal(k1, (1024, 64), dtype=jnp.float32)
    keys = jax.random.normal(k2, (100000, 64), dtype=jnp.float32)
    W = jax.random.normal(k3, (64, 64), dtype=jnp.float32) / np.sqrt(64.0)
    return {"queries": queries, "keys": keys, "W": W}


def reference(queries, keys, W):
    # 1) init_transform: learned linear vector transform (faiss.VectorTransform analogue)
    processed = queries @ W  # [Q, d]
    # 2) search_index: inner-product similarity search over the full database -> coarse top-k
    scores = processed @ keys.T  # [Q, K]
    coarse_scores, coarse_idx = jax.lax.top_k(scores, COARSE_K)  # [Q, COARSE_K]
    # 3) refiner (faiss.IndexRefine analogue): gather candidate vectors and re-rank
    #    with exact L2 distances, keep FINAL_K best
    cand = jnp.take(keys, coarse_idx, axis=0)  # [Q, COARSE_K, d]
    diff = processed[:, None, :] - cand
    d2 = jnp.sum(diff * diff, axis=-1)  # [Q, COARSE_K]
    neg_top, pos = jax.lax.top_k(-d2, FINAL_K)  # [Q, FINAL_K]
    final_idx = jnp.take_along_axis(coarse_idx, pos, axis=1)  # refined db indices
    final_dist = -neg_top
    # output: refined indices into the metadata table (the pandas .iloc lookup is
    # host-side bookkeeping; the device computation ends at the refined indices)
    return (final_dist, final_idx)

if __name__ == "__main__":
    import jax
    _d = setup_inputs()
    print(jax.jit(kernel)(*tuple(_d.values())))

</pallas_src>

<mosaic_0001>
#map = affine_map<(d0, d1) -> (0, 0)>
#map1 = affine_map<(d0, d1) -> (0, 0, 0)>
module attributes {stable_mosaic.version = 14 : i64} {
  func.func @body(%arg0: i32, %arg1: i32, %arg2: memref<802816x128xf32, #tpu.memory_space<hbm>>, %arg3: memref<784x128xi32, #tpu.memory_space<hbm>>, %arg4: memref<1024x128xi32, #tpu.memory_space<hbm>>, %arg5: memref<1024x128x128xf32, #tpu.memory_space<hbm>>, %arg6: memref<1024x128x128xi32, #tpu.memory_space<hbm>>, %arg7: memref<128xi32, #tpu.memory_space<vmem>>, %arg8: memref<128xi32, #tpu.memory_space<vmem>>, %arg9: memref<128xi32, #tpu.memory_space<vmem>>, %arg10: memref<128x128xf32, #tpu.memory_space<vmem>>, %arg11: memref<128x128xi32, #tpu.memory_space<vmem>>, %arg12: memref<!tpu.dma_semaphore, #tpu.memory_space<semaphore_mem>>) attributes {dimension_semantics = [#tpu.dimension_semantics<core_parallel>, #tpu.dimension_semantics<subcore_parallel>], iteration_bounds = array<i64: 2, 16>, scalar_prefetch = 0 : i64, scratch_operands = 6 : i64, tpu.core_type = #tpu.core_type<sc_vector_subcore>, window_params = [{transform_indices = #map}, {transform_indices = #map}, {transform_indices = #map}, {transform_indices = #map1}, {transform_indices = #map1}]} {
    %mul3A = arith.constant 2 : i32
    %mul3A_0 = arith.muli %arg1, %mul3A : i32
    %add3A = arith.addi %mul3A_0, %arg0 : i32
    %scan3A = arith.constant 0 : i32
    %scan3A_1 = arith.constant 0 : i32
    %scan3A_2 = arith.constant 32 : i32
    %scan3A_3 = arith.addi %scan3A_1, %scan3A_2 : i32
    %scan3A_4 = arith.constant 1 : i32
    %scan3A_5 = scf.for %scan3A_7 = %scan3A_1 to %scan3A_3 step %scan3A_4 iter_args(%scan3A_8 = %scan3A) -> (i32)  : i32 {
      %mul3A_9 = arith.constant 32 : i32
      %mul3A_10 = arith.muli %add3A, %mul3A_9 : i32
      %add3A_11 = arith.addi %mul3A_10, %scan3A_7 : i32
      "tpu.region"() ({
        %run_scoped3A = tpu.sem_alloc : memref<!tpu.dma_semaphore, #tpu.memory_space<semaphore_mem>>
        %dma_start3A_173 = arith.constant 0 : i32
        %dma_start3A_174 = tpu.memref_slice %arg4[%add3A_11, %dma_start3A_173] : memref<1024x128xi32, #tpu.memory_space<hbm>> -> memref<1x128xi32, #tpu.memory_space<hbm>>
        %dma_start3A_175 = tpu.memref_squeeze %dma_start3A_174 : memref<1x128xi32, #tpu.memory_space<hbm>> -> memref<128xi32, #tpu.memory_space<hbm>>
        %dma_start3A_176 = arith.constant 0 : i32
        %dma_start3A_177 = tpu.memref_slice %arg4[%add3A_11, %dma_start3A_176] : memref<1024x128xi32, #tpu.memory_space<hbm>> -> memref<1x128xi32, #tpu.memory_space<hbm>>
        %dma_start3A_178 = tpu.memref_squeeze %dma_start3A_177 : memref<1x128xi32, #tpu.memory_space<hbm>> -> memref<128xi32, #tpu.memory_space<hbm>>
        tpu.enqueue_dma source(%dma_start3A_178 : memref<128xi32, #tpu.memory_space<hbm>>) target(%arg7 : memref<128xi32, #tpu.memory_space<vmem>>) target_semaphore(%run_scoped3A : memref<!tpu.dma_semaphore, #tpu.memory_space<semaphore_mem>>)
        %dma_wait3A_179 = arith.constant 0 : i32
        %dma_wait3A_180 = tpu.memref_slice %arg4[%add3A_11, %dma_wait3A_179] : memref<1024x128xi32, #tpu.memory_space<hbm>> -> memref<1x128xi32, #tpu.memory_space<hbm>>
        %dma_wait3A_181 = tpu.memref_squeeze %dma_wait3A_180 : memref<1x128xi32, #tpu.memory_space<hbm>> -> memref<128xi32, #tpu.memory_space<hbm>>
        %dma_wait3A_182 = arith.constant 0 : i32
        %dma_wait3A_183 = tpu.memref_slice %arg4[%add3A_11, %dma_wait3A_182] : memref<1024x128xi32, #tpu.memory_space<hbm>> -> memref<1x128xi32, #tpu.memory_space<hbm>>
        %dma_wait3A_184 = tpu.memref_squeeze %dma_wait3A_183 : memref<1x128xi32, #tpu.memory_space<hbm>> -> memref<128xi32, #tpu.memory_space<hbm>>
        tpu.wait_dma2 semaphore(%run_scoped3A : memref<!tpu.dma_semaphore, #tpu.memory_space<semaphore_mem>>) src(%dma_wait3A_184 : memref<128xi32, #tpu.memory_space<hbm>>) dst(%arg7 : memref<128xi32, #tpu.memory_space<vmem>>)
        tpu.yield
      }) : () -> ()
      %get3A = arith.constant 0 : index
      %get3A_12 = tpu.vector_load %arg7[%get3A] {strides = array<i32>} : memref<128xi32, #tpu.memory_space<vmem>>, vector<16xi32>,
      %get3A_13 = vector.shape_cast %get3A_12 : vector<16xi32> to vector<16xi32>
      %mul3A_14 = arith.constant 784 : i32
      %mul3A_15 = arith.muli %add3A_11, %mul3A_14 : i32
      %add3A_16 = vector.broadcast %mul3A_15 : i32 to vector<16xi32>
      %add3A_17 = arith.addi %get3A_13, %add3A_16 : vector<16xi32>
      %swap3A = arith.constant 0 : index
      %swap3A_18 = tpu.vector_load %arg8[%swap3A] {strides = array<i32>} : memref<128xi32, #tpu.memory_space<vmem>>, vector<16xi32>,
      %swap3A_19 = vector.shape_cast %swap3A_18 : vector<16xi32> to vector<16xi32>
      %swap3A_20 = vector.shape_cast %add3A_17 : vector<16xi32> to vector<16xi32>
      tpu.vector_store %arg8[%swap3A], %swap3A_20 {strides = array<i32>} : memref<128xi32, #tpu.memory_space<vmem>>, vector<16xi32>,
      %mul3A_21 = arith.constant 0 : i32
      %mul3A_22 = arith.muli %add3A_11, %mul3A_21 : i32
      %add3A_23 = vector.broadcast %mul3A_22 : i32 to vector<16xi32>
      %add3A_24 = arith.addi %get3A_13, %add3A_23 : vector<16xi32>
      %swap3A_25 = arith.constant 0 : index
      %swap3A_26 = tpu.vector_load %arg9[%swap3A_25] {strides = array<i32>} : memref<128xi32, #tpu.memory_space<vmem>>, vector<16xi32>,
      %swap3A_27 = vector.shape_cast %swap3A_26 : vector<16xi32> to vector<16xi32>
      %swap3A_28 = vector.shape_cast %add3A_24 : vector<16xi32> to vector<16xi32>
      tpu.vector_store %arg9[%swap3A_25], %swap3A_28 {strides = array<i32>} : memref<128xi32, #tpu.memory_space<vmem>>, vector<16xi32>,
      %get3A_29 = arith.constant 16 : index
      %get3A_30 = tpu.vector_load %arg7[%get3A_29] {strides = array<i32>} : memref<128xi32, #tpu.memory_space<vmem>>, vector<16xi32>,
      %get3A_31 = vector.shape_cast %get3A_30 : vector<16xi32> to vector<16xi32>
      %mul3A_32 = arith.constant 784 : i32
      %mul3A_33 = arith.muli %add3A_11, %mul3A_32 : i32
      %add3A_34 = vector.broadcast %mul3A_33 : i32 to vector<16xi32>
      %add3A_35 = arith.addi %get3A_31, %add3A_34 : vector<16xi32>
      %swap3A_36 = arith.constant 16 : index
      %swap3A_37 = tpu.vector_load %arg8[%swap3A_36] {strides = array<i32>} : memref<128xi32, #tpu.memory_space<vmem>>, vector<16xi32>,
      %swap3A_38 = vector.shape_cast %swap3A_37 : vector<16xi32> to vector<16xi32>
      %swap3A_39 = vector.shape_cast %add3A_35 : vector<16xi32> to vector<16xi32>
      tpu.vector_store %arg8[%swap3A_36], %swap3A_39 {strides = array<i32>} : memref<128xi32, #tpu.memory_space<vmem>>, vector<16xi32>,
      %mul3A_40 = arith.constant 0 : i32
      %mul3A_41 = arith.muli %add3A_11, %mul3A_40 : i32
      %add3A_42 = vector.broadcast %mul3A_41 : i32 to vector<16xi32>
      %add3A_43 = arith.addi %get3A_31, %add3A_42 : vector<16xi32>
      %swap3A_44 = arith.constant 16 : index
      %swap3A_45 = tpu.vector_load %arg9[%swap3A_44] {strides = array<i32>} : memref<128xi32, #tpu.memory_space<vmem>>, vector<16xi32>,
      %swap3A_46 = vector.shape_cast %swap3A_45 : vector<16xi32> to vector<16xi32>
      %swap3A_47 = vector.shape_cast %add3A_43 : vector<16xi32> to vector<16xi32>
      tpu.vector_store %arg9[%swap3A_44], %swap3A_47 {strides = array<i32>} : memref<128xi32, #tpu.memory_space<vmem>>, vector<16xi32>,
      %get3A_48 = arith.constant 32 : index
      %get3A_49 = tpu.vector_load %arg7[%get3A_48] {strides = array<i32>} : memref<128xi32, #tpu.memory_space<vmem>>, vector<16xi32>,
      %get3A_50 = vector.shape_cast %get3A_49 : vector<16xi32> to vector<16xi32>
      %mul3A_51 = arith.constant 784 : i32
      %mul3A_52 = arith.muli %add3A_11, %mul3A_51 : i32
      %add3A_53 = vector.broadcast %mul3A_52 : i32 to vector<16xi32>
      %add3A_54 = arith.addi %get3A_50, %add3A_53 : vector<16xi32>
      %swap3A_55 = arith.constant 32 : index
      %swap3A_56 = tpu.vector_load %arg8[%swap3A_55] {strides = array<i32>} : memref<128xi32, #tpu.memory_space<vmem>>, vector<16xi32>,
      %swap3A_57 = vector.shape_cast %swap3A_56 : vector<16xi32> to vector<16xi32>
      %swap3A_58 = vector.shape_cast %add3A_54 : vector<16xi32> to vector<16xi32>
      tpu.vector_store %arg8[%swap3A_55], %swap3A_58 {strides = array<i32>} : memref<128xi32, #tpu.memory_space<vmem>>, vector<16xi32>,
      %mul3A_59 = arith.constant 0 : i32
      %mul3A_60 = arith.muli %add3A_11, %mul3A_59 : i32
      %add3A_61 = vector.broadcast %mul3A_60 : i32 to vector<16xi32>
      %add3A_62 = arith.addi %get3A_50, %add3A_61 : vector<16xi32>
      %swap3A_63 = arith.constant 32 : index
      %swap3A_64 = tpu.vector_load %arg9[%swap3A_63] {strides = array<i32>} : memref<128xi32, #tpu.memory_space<vmem>>, vector<16xi32>,
      %swap3A_65 = vector.shape_cast %swap3A_64 : vector<16xi32> to vector<16xi32>
      %swap3A_66 = vector.shape_cast %add3A_62 : vector<16xi32> to vector<16xi32>
      tpu.vector_store %arg9[%swap3A_63], %swap3A_66 {strides = array<i32>} : memref<128xi32, #tpu.memory_space<vmem>>, vector<16xi32>,
      %get3A_67 = arith.constant 48 : index
      %get3A_68 = tpu.vector_load %arg7[%get3A_67] {strides = array<i32>} : memref<128xi32, #tpu.memory_space<vmem>>, vector<16xi32>,
      %get3A_69 = vector.shape_cast %get3A_68 : vector<16xi32> to vector<16xi32>
      %mul3A_70 = arith.constant 784 : i32
      %mul3A_71 = arith.muli %add3A_11, %mul3A_70 : i32
      %add3A_72 = vector.broadcast %mul3A_71 : i32 to vector<16xi32>
      %add3A_73 = arith.addi %get3A_69, %add3A_72 : vector<16xi32>
      %swap3A_74 = arith.constant 48 : index
      %swap3A_75 = tpu.vector_load %arg8[%swap3A_74] {strides = array<i32>} : memref<128xi32, #tpu.memory_space<vmem>>, vector<16xi32>,
      %swap3A_76 = vector.shape_cast %swap3A_75 : vector<16xi32> to vector<16xi32>
      %swap3A_77 = vector.shape_cast %add3A_73 : vector<16xi32> to vector<16xi32>
      tpu.vector_store %arg8[%swap3A_74], %swap3A_77 {strides = array<i32>} : memref<128xi32, #tpu.memory_space<vmem>>, vector<16xi32>,
      %mul3A_78 = arith.constant 0 : i32
      %mul3A_79 = arith.muli %add3A_11, %mul3A_78 : i32
      %add3A_80 = vector.broadcast %mul3A_79 : i32 to vector<16xi32>
      %add3A_81 = arith.addi %get3A_69, %add3A_80 : vector<16xi32>
      %swap3A_82 = arith.constant 48 : index
      %swap3A_83 = tpu.vector_load %arg9[%swap3A_82] {strides = array<i32>} : memref<128xi32, #tpu.memory_space<vmem>>, vector<16xi32>,
      %swap3A_84 = vector.shape_cast %swap3A_83 : vector<16xi32> to vector<16xi32>
      %swap3A_85 = vector.shape_cast %add3A_81 : vector<16xi32> to vector<16xi32>
      tpu.vector_store %arg9[%swap3A_82], %swap3A_85 {strides = array<i32>} : memref<128xi32, #tpu.memory_space<vmem>>, vector<16xi32>,
      %get3A_86 = arith.constant 64 : index
      %get3A_87 = tpu.vector_load %arg7[%get3A_86] {strides = array<i32>} : memref<128xi32, #tpu.memory_space<vmem>>, vector<16xi32>,
      %get3A_88 = vector.shape_cast %get3A_87 : vector<16xi32> to vector<16xi32>
      %mul3A_89 = arith.constant 784 : i32
      %mul3A_90 = arith.muli %add3A_11, %mul3A_89 : i32
      %add3A_91 = vector.broadcast %mul3A_90 : i32 to vector<16xi32>
      %add3A_92 = arith.addi %get3A_88, %add3A_91 : vector<16xi32>
      %swap3A_93 = arith.constant 64 : index
      %swap3A_94 = tpu.vector_load %arg8[%swap3A_93] {strides = array<i32>} : memref<128xi32, #tpu.memory_space<vmem>>, vector<16xi32>,
      %swap3A_95 = vector.shape_cast %swap3A_94 : vector<16xi32> to vector<16xi32>
      %swap3A_96 = vector.shape_cast %add3A_92 : vector<16xi32> to vector<16xi32>
      tpu.vector_store %arg8[%swap3A_93], %swap3A_96 {strides = array<i32>} : memref<128xi32, #tpu.memory_space<vmem>>, vector<16xi32>,
      %mul3A_97 = arith.constant 0 : i32
      %mul3A_98 = arith.muli %add3A_11, %mul3A_97 : i32
      %add3A_99 = vector.broadcast %mul3A_98 : i32 to vector<16xi32>
      %add3A_100 = arith.addi %get3A_88, %add3A_99 : vector<16xi32>
      %swap3A_101 = arith.constant 64 : index
      %swap3A_102 = tpu.vector_load %arg9[%swap3A_101] {strides = array<i32>} : memref<128xi32, #tpu.memory_space<vmem>>, vector<16xi32>,
      %swap3A_103 = vector.shape_cast %swap3A_102 : vector<16xi32> to vector<16xi32>
      %swap3A_104 = vector.shape_cast %add3A_100 : vector<16xi32> to vector<16xi32>
      tpu.vector_store %arg9[%swap3A_101], %swap3A_104 {strides = array<i32>} : memref<128xi32, #tpu.memory_space<vmem>>, vector<16xi32>,
      %get3A_105 = arith.constant 80 : index
      %get3A_106 = tpu.vector_load %arg7[%get3A_105] {strides = array<i32>} : memref<128xi32, #tpu.memory_space<vmem>>, vector<16xi32>,
      %get3A_107 = vector.shape_cast %get3A_106 : vector<16xi32> to vector<16xi32>
      %mul3A_108 = arith.constant 784 : i32
      %mul3A_109 = arith.muli %add3A_11, %mul3A_108 : i32
      %add3A_110 = vector.broadcast %mul3A_109 : i32 to vector<16xi32>
      %add3A_111 = arith.addi %get3A_107, %add3A_110 : vector<16xi32>
      %swap3A_112 = arith.constant 80 : index
      %swap3A_113 = tpu.vector_load %arg8[%swap3A_112] {strides = array<i32>} : memref<128xi32, #tpu.memory_space<vmem>>, vector<16xi32>,
      %swap3A_114 = vector.shape_cast %swap3A_113 : vector<16xi32> to vector<16xi32>
      %swap3A_115 = vector.shape_cast %add3A_111 : vector<16xi32> to vector<16xi32>
      tpu.vector_store %arg8[%swap3A_112], %swap3A_115 {strides = array<i32>} : memref<128xi32, #tpu.memory_space<vmem>>, vector<16xi32>,
      %mul3A_116 = arith.constant 0 : i32
      %mul3A_117 = arith.muli %add3A_11, %mul3A_116 : i32
      %add3A_118 = vector.broadcast %mul3A_117 : i32 to vector<16xi32>
      %add3A_119 = arith.addi %get3A_107, %add3A_118 : vector<16xi32>
      %swap3A_120 = arith.constant 80 : index
      %swap3A_121 = tpu.vector_load %arg9[%swap3A_120] {strides = array<i32>} : memref<128xi32, #tpu.memory_space<vmem>>, vector<16xi32>,
      %swap3A_122 = vector.shape_cast %swap3A_121 : vector<16xi32> to vector<16xi32>
      %swap3A_123 = vector.shape_cast %add3A_119 : vector<16xi32> to vector<16xi32>
      tpu.vector_store %arg9[%swap3A_120], %swap3A_123 {strides = array<i32>} : memref<128xi32, #tpu.memory_space<vmem>>, vector<16xi32>,
      %get3A_124 = arith.constant 96 : index
      %get3A_125 = tpu.vector_load %arg7[%get3A_124] {strides = array<i32>} : memref<128xi32, #tpu.memory_space<vmem>>, vector<16xi32>,
      %get3A_126 = vector.shape_cast %get3A_125 : vector<16xi32> to vector<16xi32>
      %mul3A_127 = arith.constant 784 : i32
      %mul3A_128 = arith.muli %add3A_11, %mul3A_127 : i32
      %add3A_129 = vector.broadcast %mul3A_128 : i32 to vector<16xi32>
      %add3A_130 = arith.addi %get3A_126, %add3A_129 : vector<16xi32>
      %swap3A_131 = arith.constant 96 : index
      %swap3A_132 = tpu.vector_load %arg8[%swap3A_131] {strides = array<i32>} : memref<128xi32, #tpu.memory_space<vmem>>, vector<16xi32>,
      %swap3A_133 = vector.shape_cast %swap3A_132 : vector<16xi32> to vector<16xi32>
      %swap3A_134 = vector.shape_cast %add3A_130 : vector<16xi32> to vector<16xi32>
      tpu.vector_store %arg8[%swap3A_131], %swap3A_134 {strides = array<i32>} : memref<128xi32, #tpu.memory_space<vmem>>, vector<16xi32>,
      %mul3A_135 = arith.constant 0 : i32
      %mul3A_136 = arith.muli %add3A_11, %mul3A_135 : i32
      %add3A_137 = vector.broadcast %mul3A_136 : i32 to vector<16xi32>
      %add3A_138 = arith.addi %get3A_126, %add3A_137 : vector<16xi32>
      %swap3A_139 = arith.constant 96 : index
      %swap3A_140 = tpu.vector_load %arg9[%swap3A_139] {strides = array<i32>} : memref<128xi32, #tpu.memory_space<vmem>>, vector<16xi32>,
      %swap3A_141 = vector.shape_cast %swap3A_140 : vector<16xi32> to vector<16xi32>
      %swap3A_142 = vector.shape_cast %add3A_138 : vector<16xi32> to vector<16xi32>
      tpu.vector_store %arg9[%swap3A_139], %swap3A_142 {strides = array<i32>} : memref<128xi32, #tpu.memory_space<vmem>>, vector<16xi32>,
      %get3A_143 = arith.constant 112 : index
      %get3A_144 = tpu.vector_load %arg7[%get3A_143] {strides = array<i32>} : memref<128xi32, #tpu.memory_space<vmem>>, vector<16xi32>,
      %get3A_145 = vector.shape_cast %get3A_144 : vector<16xi32> to vector<16xi32>
      %mul3A_146 = arith.constant 784 : i32
      %mul3A_147 = arith.muli %add3A_11, %mul3A_146 : i32
      %add3A_148 = vector.broadcast %mul3A_147 : i32 to vector<16xi32>
      %add3A_149 = arith.addi %get3A_145, %add3A_148 : vector<16xi32>
      %swap3A_150 = arith.constant 112 : index
      %swap3A_151 = tpu.vector_load %arg8[%swap3A_150] {strides = array<i32>} : memref<128xi32, #tpu.memory_space<vmem>>, vector<16xi32>,
      %swap3A_152 = vector.shape_cast %swap3A_151 : vector<16xi32> to vector<16xi32>
      %swap3A_153 = vector.shape_cast %add3A_149 : vector<16xi32> to vector<16xi32>
      tpu.vector_store %arg8[%swap3A_150], %swap3A_153 {strides = array<i32>} : memref<128xi32, #tpu.memory_space<vmem>>, vector<16xi32>,
      %mul3A_154 = arith.constant 0 : i32
      %mul3A_155 = arith.muli %add3A_11, %mul3A_154 : i32
      %add3A_156 = vector.broadcast %mul3A_155 : i32 to vector<16xi32>
      %add3A_157 = arith.addi %get3A_145, %add3A_156 : vector<16xi32>
      %swap3A_158 = arith.constant 112 : index
      %swap3A_159 = tpu.vector_load %arg9[%swap3A_158] {strides = array<i32>} : memref<128xi32, #tpu.memory_space<vmem>>, vector<16xi32>,
      %swap3A_160 = vector.shape_cast %swap3A_159 : vector<16xi32> to vector<16xi32>
      %swap3A_161 = vector.shape_cast %add3A_157 : vector<16xi32> to vector<16xi32>
      tpu.vector_store %arg9[%swap3A_158], %swap3A_161 {strides = array<i32>} : memref<128xi32, #tpu.memory_space<vmem>>, vector<16xi32>,
      %dma_start3A = arith.constant 0 : i32
      %dma_start3A_162 = arith.constant 0 : i32
      %dma_start3A_163 = tpu.memref_slice %arg2[%dma_start3A, %dma_start3A_162] : memref<802816x128xf32, #tpu.memory_space<hbm>> -> memref<802816x128xf32, #tpu.memory_space<hbm>>
      tpu.enqueue_indirect_dma source(%dma_start3A_163 : memref<802816x128xf32, #tpu.memory_space<hbm>>) target(%arg10 : memref<128x128xf32, #tpu.memory_space<vmem>>) offsets(%arg8 : memref<128xi32, #tpu.memory_space<vmem>>) semaphore(%arg12 : memref<!tpu.dma_semaphore, #tpu.memory_space<semaphore_mem>>)
      %dma_wait3A = arith.constant 0 : i32
      %dma_wait3A_164 = arith.constant 0 : i32
      %dma_wait3A_165 = tpu.memref_slice %arg2[%dma_wait3A, %dma_wait3A_164] : memref<802816x128xf32, #tpu.memory_space<hbm>> -> memref<802816x128xf32, #tpu.memory_space<hbm>>
      tpu.wait_indirect_dma semaphore(%arg12 : memref<!tpu.dma_semaphore, #tpu.memory_space<semaphore_mem>>) src(%dma_wait3A_165 : memref<802816x128xf32, #tpu.memory_space<hbm>>) dst(%arg10 : memref<128x128xf32, #tpu.memory_space<vmem>>)
      %dma_start3A_166 = arith.constant 0 : i32
      %dma_start3A_167 = arith.constant 0 : i32
      %dma_start3A_168 = tpu.memref_slice %arg3[%dma_start3A_166, %dma_start3A_167] : memref<784x128xi32, #tpu.memory_space<hbm>> -> memref<784x128xi32, #tpu.memory_space<hbm>>
      tpu.enqueue_indirect_dma source(%dma_start3A_168 : memref<784x128xi32, #tpu.memory_space<hbm>>) target(%arg11 : memref<128x128xi32, #tpu.memory_space<vmem>>) offsets(%arg9 : memref<128xi32, #tpu.memory_space<vmem>>) semaphore(%arg12 : memref<!tpu.dma_semaphore, #tpu.memory_space<semaphore_mem>>)
      %dma_wait3A_169 = arith.constant 0 : i32
      %dma_wait3A_170 = arith.constant 0 : i32
      %dma_wait3A_171 = tpu.memref_slice %arg3[%dma_wait3A_169, %dma_wait3A_170] : memref<784x128xi32, #tpu.memory_space<hbm>> -> memref<784x128xi32, #tpu.memory_space<hbm>>
      tpu.wait_indirect_dma semaphore(%arg12 : memref<!tpu.dma_semaphore, #tpu.memory_space<semaphore_mem>>) src(%dma_wait3A_171 : memref<784x128xi32, #tpu.memory_space<hbm>>) dst(%arg11 : memref<128x128xi32, #tpu.memory_space<vmem>>)
      "tpu.region"() ({
        %run_scoped3A = tpu.sem_alloc : memref<!tpu.dma_semaphore, #tpu.memory_space<semaphore_mem>>
        %dma_start3A_173 = arith.constant 0 : i32
        %dma_start3A_174 = arith.constant 0 : i32
        %dma_start3A_175 = tpu.memref_slice %arg5[%add3A_11, %dma_start3A_173, %dma_start3A_174] : memref<1024x128x128xf32, #tpu.memory_space<hbm>> -> memref<1x128x128xf32, #tpu.memory_space<hbm>>
        %dma_start3A_176 = tpu.memref_squeeze %dma_start3A_175 : memref<1x128x128xf32, #tpu.memory_space<hbm>> -> memref<128x128xf32, #tpu.memory_space<hbm>>
        %dma_start3A_177 = arith.constant 0 : i32
        %dma_start3A_178 = arith.constant 0 : i32
        %dma_start3A_179 = tpu.memref_slice %arg5[%add3A_11, %dma_start3A_177, %dma_start3A_178] : memref<1024x128x128xf32, #tpu.memory_space<hbm>> -> memref<1x128x128xf32, #tpu.memory_space<hbm>>
        %dma_start3A_180 = tpu.memref_squeeze %dma_start3A_179 : memref<1x128x128xf32, #tpu.memory_space<hbm>> -> memref<128x128xf32, #tpu.memory_space<hbm>>
        tpu.enqueue_dma source(%arg10 : memref<128x128xf32, #tpu.memory_space<vmem>>) target(%dma_start3A_180 : memref<128x128xf32, #tpu.memory_space<hbm>>) target_semaphore(%run_scoped3A : memref<!tpu.dma_semaphore, #tpu.memory_space<semaphore_mem>>)
        %dma_wait3A_181 = arith.constant 0 : i32
        %dma_wait3A_182 = arith.constant 0 : i32
        %dma_wait3A_183 = tpu.memref_slice %arg5[%add3A_11, %dma_wait3A_181, %dma_wait3A_182] : memref<1024x128x128xf32, #tpu.memory_space<hbm>> -> memref<1x128x128xf32, #tpu.memory_space<hbm>>
        %dma_wait3A_184 = tpu.memref_squeeze %dma_wait3A_183 : memref<1x128x128xf32, #tpu.memory_space<hbm>> -> memref<128x128xf32, #tpu.memory_space<hbm>>
        %dma_wait3A_185 = arith.constant 0 : i32
        %dma_wait3A_186 = arith.constant 0 : i32
        %dma_wait3A_187 = tpu.memref_slice %arg5[%add3A_11, %dma_wait3A_185, %dma_wait3A_186] : memref<1024x128x128xf32, #tpu.memory_space<hbm>> -> memref<1x128x128xf32, #tpu.memory_space<hbm>>
        %dma_wait3A_188 = tpu.memref_squeeze %dma_wait3A_187 : memref<1x128x128xf32, #tpu.memory_space<hbm>> -> memref<128x128xf32, #tpu.memory_space<hbm>>
        tpu.wait_dma2 semaphore(%run_scoped3A : memref<!tpu.dma_semaphore, #tpu.memory_space<semaphore_mem>>) src(%arg10 : memref<128x128xf32, #tpu.memory_space<vmem>>) dst(%dma_wait3A_188 : memref<128x128xf32, #tpu.memory_space<hbm>>)
        tpu.yield
      }) : () -> ()
      "tpu.region"() ({
        %run_scoped3A = tpu.sem_alloc : memref<!tpu.dma_semaphore, #tpu.memory_space<semaphore_mem>>
        %dma_start3A_173 = arith.constant 0 : i32
        %dma_start3A_174 = arith.constant 0 : i32
        %dma_start3A_175 = tpu.memref_slice %arg6[%add3A_11, %dma_start3A_173, %dma_start3A_174] : memref<1024x128x128xi32, #tpu.memory_space<hbm>> -> memref<1x128x128xi32, #tpu.memory_space<hbm>>
        %dma_start3A_176 = tpu.memref_squeeze %dma_start3A_175 : memref<1x128x128xi32, #tpu.memory_space<hbm>> -> memref<128x128xi32, #tpu.memory_space<hbm>>
        %dma_start3A_177 = arith.constant 0 : i32
        %dma_start3A_178 = arith.constant 0 : i32
        %dma_start3A_179 = tpu.memref_slice %arg6[%add3A_11, %dma_start3A_177, %dma_start3A_178] : memref<1024x128x128xi32, #tpu.memory_space<hbm>> -> memref<1x128x128xi32, #tpu.memory_space<hbm>>
        %dma_start3A_180 = tpu.memref_squeeze %dma_start3A_179 : memref<1x128x128xi32, #tpu.memory_space<hbm>> -> memref<128x128xi32, #tpu.memory_space<hbm>>
        tpu.enqueue_dma source(%arg11 : memref<128x128xi32, #tpu.memory_space<vmem>>) target(%dma_start3A_180 : memref<128x128xi32, #tpu.memory_space<hbm>>) target_semaphore(%run_scoped3A : memref<!tpu.dma_semaphore, #tpu.memory_space<semaphore_mem>>)
        %dma_wait3A_181 = arith.constant 0 : i32
        %dma_wait3A_182 = arith.constant 0 : i32
        %dma_wait3A_183 = tpu.memref_slice %arg6[%add3A_11, %dma_wait3A_181, %dma_wait3A_182] : memref<1024x128x128xi32, #tpu.memory_space<hbm>> -> memref<1x128x128xi32, #tpu.memory_space<hbm>>
        %dma_wait3A_184 = tpu.memref_squeeze %dma_wait3A_183 : memref<1x128x128xi32, #tpu.memory_space<hbm>> -> memref<128x128xi32, #tpu.memory_space<hbm>>
        %dma_wait3A_185 = arith.constant 0 : i32
        %dma_wait3A_186 = arith.constant 0 : i32
        %dma_wait3A_187 = tpu.memref_slice %arg6[%add3A_11, %dma_wait3A_185, %dma_wait3A_186] : memref<1024x128x128xi32, #tpu.memory_space<hbm>> -> memref<1x128x128xi32, #tpu.memory_space<hbm>>
        %dma_wait3A_188 = tpu.memref_squeeze %dma_wait3A_187 : memref<1x128x128xi32, #tpu.memory_space<hbm>> -> memref<128x128xi32, #tpu.memory_space<hbm>>
        tpu.wait_dma2 semaphore(%run_scoped3A : memref<!tpu.dma_semaphore, #tpu.memory_space<semaphore_mem>>) src(%arg11 : memref<128x128xi32, #tpu.memory_space<vmem>>) dst(%dma_wait3A_188 : memref<128x128xi32, #tpu.memory_space<hbm>>)
        tpu.yield
      }) : () -> ()
      %scan3A_172 = arith.constant 0 : i32
      scf.yield %scan3A_172 : i32
    }
    %scan3A_6 = arith.constant 32 : i32
    return
  }
}

#map = affine_map<(d0, d1) -> (0, 0)>
#map1 = affine_map<(d0, d1) -> (0, 0, 0)>
module attributes {stable_mosaic.version = 14 : i64} {
  func.func @body(%arg0: i32, %arg1: i32, %arg2: memref<100000x128xf32, #tpu.memory_space<hbm>>, %arg3: memref<1024x128xi32, #tpu.memory_space<hbm>>, %arg4: memref<1024x128x128xf32, #tpu.memory_space<hbm>>, %arg5: memref<128xi32, #tpu.memory_space<vmem>>, %arg6: memref<128x128xf32, #tpu.memory_space<vmem>>, %arg7: memref<!tpu.dma_semaphore, #tpu.memory_space<semaphore_mem>>) attributes {dimension_semantics = [#tpu.dimension_semantics<core_parallel>, #tpu.dimension_semantics<subcore_parallel>], iteration_bounds = array<i64: 2, 16>, scalar_prefetch = 0 : i64, scratch_operands = 3 : i64, tpu.core_type = #tpu.core_type<sc_vector_subcore>, window_params = [{transform_indices = #map}, {transform_indices = #map}, {transform_indices = #map1}]} {
    %mul3A = arith.constant 2 : i32
    %mul3A_0 = arith.muli %arg1, %mul3A : i32
    %add3A = arith.addi %mul3A_0, %arg0 : i32
    %scan3A = arith.constant 0 : i32
    %scan3A_1 = arith.constant 0 : i32
    %scan3A_2 = arith.constant 32 : i32
    %scan3A_3 = arith.addi %scan3A_1, %scan3A_2 : i32
    %scan3A_4 = arith.constant 1 : i32
    %scan3A_5 = scf.for %scan3A_7 = %scan3A_1 to %scan3A_3 step %scan3A_4 iter_args(%scan3A_8 = %scan3A) -> (i32)  : i32 {
      %mul3A_9 = arith.constant 32 : i32
      %mul3A_10 = arith.muli %add3A, %mul3A_9 : i32
      %add3A_11 = arith.addi %mul3A_10, %scan3A_7 : i32
      "tpu.region"() ({
        %run_scoped3A = tpu.sem_alloc : memref<!tpu.dma_semaphore, #tpu.memory_space<semaphore_mem>>
        %dma_start3A_17 = arith.constant 0 : i32
        %dma_start3A_18 = tpu.memref_slice %arg3[%add3A_11, %dma_start3A_17] : memref<1024x128xi32, #tpu.memory_space<hbm>> -> memref<1x128xi32, #tpu.memory_space<hbm>>
        %dma_start3A_19 = tpu.memref_squeeze %dma_start3A_18 : memref<1x128xi32, #tpu.memory_space<hbm>> -> memref<128xi32, #tpu.memory_space<hbm>>
        %dma_start3A_20 = arith.constant 0 : i32
        %dma_start3A_21 = tpu.memref_slice %arg3[%add3A_11, %dma_start3A_20] : memref<1024x128xi32, #tpu.memory_space<hbm>> -> memref<1x128xi32, #tpu.memory_space<hbm>>
        %dma_start3A_22 = tpu.memref_squeeze %dma_start3A_21 : memref<1x128xi32, #tpu.memory_space<hbm>> -> memref<128xi32, #tpu.memory_space<hbm>>
        tpu.enqueue_dma source(%dma_start3A_22 : memref<128xi32, #tpu.memory_space<hbm>>) target(%arg5 : memref<128xi32, #tpu.memory_space<vmem>>) target_semaphore(%run_scoped3A : memref<!tpu.dma_semaphore, #tpu.memory_space<semaphore_mem>>)
        %dma_wait3A_23 = arith.constant 0 : i32
        %dma_wait3A_24 = tpu.memref_slice %arg3[%add3A_11, %dma_wait3A_23] : memref<1024x128xi32, #tpu.memory_space<hbm>> -> memref<1x128xi32, #tpu.memory_space<hbm>>
        %dma_wait3A_25 = tpu.memref_squeeze %dma_wait3A_24 : memref<1x128xi32, #tpu.memory_space<hbm>> -> memref<128xi32, #tpu.memory_space<hbm>>
        %dma_wait3A_26 = arith.constant 0 : i32
        %dma_wait3A_27 = tpu.memref_slice %arg3[%add3A_11, %dma_wait3A_26] : memref<1024x128xi32, #tpu.memory_space<hbm>> -> memref<1x128xi32, #tpu.memory_space<hbm>>
        %dma_wait3A_28 = tpu.memref_squeeze %dma_wait3A_27 : memref<1x128xi32, #tpu.memory_space<hbm>> -> memref<128xi32, #tpu.memory_space<hbm>>
        tpu.wait_dma2 semaphore(%run_scoped3A : memref<!tpu.dma_semaphore, #tpu.memory_space<semaphore_mem>>) src(%dma_wait3A_28 : memref<128xi32, #tpu.memory_space<hbm>>) dst(%arg5 : memref<128xi32, #tpu.memory_space<vmem>>)
        tpu.yield
      }) : () -> ()
      %dma_start3A = arith.constant 0 : i32
      %dma_start3A_12 = arith.constant 0 : i32
      %dma_start3A_13 = tpu.memref_slice %arg2[%dma_start3A, %dma_start3A_12] : memref<100000x128xf32, #tpu.memory_space<hbm>> -> memref<100000x128xf32, #tpu.memory_space<hbm>>
      tpu.enqueue_indirect_dma source(%dma_start3A_13 : memref<100000x128xf32, #tpu.memory_space<hbm>>) target(%arg6 : memref<128x128xf32, #tpu.memory_space<vmem>>) offsets(%arg5 : memref<128xi32, #tpu.memory_space<vmem>>) semaphore(%arg7 : memref<!tpu.dma_semaphore, #tpu.memory_space<semaphore_mem>>)
      %dma_wait3A = arith.constant 0 : i32
      %dma_wait3A_14 = arith.constant 0 : i32
      %dma_wait3A_15 = tpu.memref_slice %arg2[%dma_wait3A, %dma_wait3A_14] : memref<100000x128xf32, #tpu.memory_space<hbm>> -> memref<100000x128xf32, #tpu.memory_space<hbm>>
      tpu.wait_indirect_dma semaphore(%arg7 : memref<!tpu.dma_semaphore, #tpu.memory_space<semaphore_mem>>) src(%dma_wait3A_15 : memref<100000x128xf32, #tpu.memory_space<hbm>>) dst(%arg6 : memref<128x128xf32, #tpu.memory_space<vmem>>)
      "tpu.region"() ({
        %run_scoped3A = tpu.sem_alloc : memref<!tpu.dma_semaphore, #tpu.memory_space<semaphore_mem>>
        %dma_start3A_17 = arith.constant 0 : i32
        %dma_start3A_18 = arith.constant 0 : i32
        %dma_start3A_19 = tpu.memref_slice %arg4[%add3A_11, %dma_start3A_17, %dma_start3A_18] : memref<1024x128x128xf32, #tpu.memory_space<hbm>> -> memref<1x128x128xf32, #tpu.memory_space<hbm>>
        %dma_start3A_20 = tpu.memref_squeeze %dma_start3A_19 : memref<1x128x128xf32, #tpu.memory_space<hbm>> -> memref<128x128xf32, #tpu.memory_space<hbm>>
        %dma_start3A_21 = arith.constant 0 : i32
        %dma_start3A_22 = arith.constant 0 : i32
        %dma_start3A_23 = tpu.memref_slice %arg4[%add3A_11, %dma_start3A_21, %dma_start3A_22] : memref<1024x128x128xf32, #tpu.memory_space<hbm>> -> memref<1x128x128xf32, #tpu.memory_space<hbm>>
        %dma_start3A_24 = tpu.memref_squeeze %dma_start3A_23 : memref<1x128x128xf32, #tpu.memory_space<hbm>> -> memref<128x128xf32, #tpu.memory_space<hbm>>
        tpu.enqueue_dma source(%arg6 : memref<128x128xf32, #tpu.memory_space<vmem>>) target(%dma_start3A_24 : memref<128x128xf32, #tpu.memory_space<hbm>>) target_semaphore(%run_scoped3A : memref<!tpu.dma_semaphore, #tpu.memory_space<semaphore_mem>>)
        %dma_wait3A_25 = arith.constant 0 : i32
        %dma_wait3A_26 = arith.constant 0 : i32
        %dma_wait3A_27 = tpu.memref_slice %arg4[%add3A_11, %dma_wait3A_25, %dma_wait3A_26] : memref<1024x128x128xf32, #tpu.memory_space<hbm>> -> memref<1x128x128xf32, #tpu.memory_space<hbm>>
        %dma_wait3A_28 = tpu.memref_squeeze %dma_wait3A_27 : memref<1x128x128xf32, #tpu.memory_space<hbm>> -> memref<128x128xf32, #tpu.memory_space<hbm>>
        %dma_wait3A_29 = arith.constant 0 : i32
        %dma_wait3A_30 = arith.constant 0 : i32
        %dma_wait3A_31 = tpu.memref_slice %arg4[%add3A_11, %dma_wait3A_29, %dma_wait3A_30] : memref<1024x128x128xf32, #tpu.memory_space<hbm>> -> memref<1x128x128xf32, #tpu.memory_space<hbm>>
        %dma_wait3A_32 = tpu.memref_squeeze %dma_wait3A_31 : memref<1x128x128xf32, #tpu.memory_space<hbm>> -> memref<128x128xf32, #tpu.memory_space<hbm>>
        tpu.wait_dma2 semaphore(%run_scoped3A : memref<!tpu.dma_semaphore, #tpu.memory_space<semaphore_mem>>) src(%arg6 : memref<128x128xf32, #tpu.memory_space<vmem>>) dst(%dma_wait3A_32 : memref<128x128xf32, #tpu.memory_space<hbm>>)
        tpu.yield
      }) : () -> ()
      %scan3A_16 = arith.constant 0 : i32
      scf.yield %scan3A_16 : i32
    }
    %scan3A_6 = arith.constant 32 : i32
    return
  }
}

module attributes {stable_mosaic.version = 14 : i64} {
  func.func @_score_block_kernel(%arg0: i32, %arg1: memref<1024x64xf32, #tpu.memory_space<vmem>>, %arg2: memref<64x64xf32, #tpu.memory_space<vmem>>, %arg3: memref<1024x64xf32, #tpu.memory_space<vmem>>, %arg4: memref<1024x1024xf32, #tpu.memory_space<vmem>>, %arg5: memref<1x1024x8xf32, #tpu.memory_space<vmem>>) attributes {dimension_semantics = [#tpu.dimension_semantics<arbitrary>], iteration_bounds = array<i64: 98>, scalar_prefetch = 0 : i64, scratch_operands = 0 : i64, tpu.core_type = #tpu.core_type<tc>, window_params = [{pipeline_mode = #tpu.pipeline_mode<synchronous>, transform_indices = @transform_0, window_bounds = array<i64: 1024, 64>}, {pipeline_mode = #tpu.pipeline_mode<synchronous>, transform_indices = @transform_1, window_bounds = array<i64: 64, 64>}, {transform_indices = @transform_2, window_bounds = array<i64: 1024, 64>}, {transform_indices = @transform_3, window_bounds = array<i64: 1024, 1024>}, {transform_indices = @transform_4, window_bounds = array<i64: 1, 1024, 8>}]} {
    %get3A = arith.constant 0 : index
    %get3A_0 = arith.constant 0 : index
    %get3A_1 = vector.load %arg1[%get3A, %get3A_0] : memref<1024x64xf32, #tpu.memory_space<vmem>>, vector<1024x64xf32>
    %get3A_2 = arith.constant 0 : index
    %get3A_3 = arith.constant 0 : index
    %get3A_4 = vector.load %arg2[%get3A_2, %get3A_3] : memref<64x64xf32, #tpu.memory_space<vmem>>, vector<64x64xf32>
    %dot_general3A = arith.constant dense<0.000000e+00> : vector<1024x64xf32>
    %dot_general3A_5 = tpu.matmul %get3A_1, %get3A_4, %dot_general3A {dimension_numbers = #tpu.dot_dimension_numbers<[1], [0], [0], [1], [0, 0, 1, 1], [], []>, transpose_lhs_hint = false} : vector<1024x64xf32>, vector<64x64xf32>, vector<1024x64xf32> -> vector<1024x64xf32>
    %get3A_6 = arith.constant 0 : index
    %get3A_7 = arith.constant 0 : index
    %get3A_8 = vector.load %arg3[%get3A_6, %get3A_7] : memref<1024x64xf32, #tpu.memory_space<vmem>>, vector<1024x64xf32>
    %dot_general3A_9 = arith.constant dense<0.000000e+00> : vector<1024x1024xf32>
    %dot_general3A_10 = tpu.matmul %dot_general3A_5, %get3A_8, %dot_general3A_9 {dimension_numbers = #tpu.dot_dimension_numbers<[1], [1], [0], [0], [0, 0, 1, 0], [], []>, transpose_lhs_hint = false} : vector<1024x64xf32>, vector<1024x64xf32>, vector<1024x1024xf32> -> vector<1024x1024xf32>
    %mul3A = arith.constant 1024 : i32
    %mul3A_11 = arith.muli %arg0, %mul3A : i32
    %iota3A = tpu.iota {dimensions = array<i32: 1>} : vector<1024x1024xi32>
    %add3A = vector.broadcast %mul3A_11 : i32 to vector<1024x1024xi32>
    %add3A_12 = arith.addi %add3A, %iota3A : vector<1024x1024xi32>
    %lt3A = arith.constant 100000 : i32
    %lt3A_13 = vector.broadcast %lt3A : i32 to vector<1024x1024xi32>
    %lt3A_14 = arith.cmpi slt, %add3A_12, %lt3A_13 : vector<1024x1024xi32>
    %jit3A = arith.constant -3.000000e+38 : f32
    %broadcast_in_dim3A = vector.broadcast %jit3A : f32 to vector<1024x1024xf32>
    %select_n3A = arith.select %lt3A_14, %dot_general3A_10, %broadcast_in_dim3A : vector<1024x1024xi1>, vector<1024x1024xf32>
    %swap3A = arith.constant 0 : index
    %swap3A_15 = arith.constant 0 : index
    %swap3A_16 = vector.load %arg4[%swap3A, %swap3A_15] : memref<1024x1024xf32, #tpu.memory_space<vmem>>, vector<1024x1024xf32>
    tpu.vector_store %arg4[%swap3A, %swap3A_15], %select_n3A {strides = array<i32>} : memref<1024x1024xf32, #tpu.memory_space<vmem>>, vector<1024x1024xf32>,
    %reshape3A = vector.shape_cast %select_n3A : vector<1024x1024xf32> to vector<1024x8x128xf32>
    %reduce_max3A = arith.constant dense<0xFF800000> : vector<1024x8xf32>
    %reduce_max3A_17 = vector.multi_reduction <maximumf>, %reshape3A, %reduce_max3A [2] : vector<1024x8x128xf32> to vector<1024x8xf32>
    %swap3A_18 = arith.constant 0 : index
    %swap3A_19 = arith.constant 0 : index
    %swap3A_20 = arith.constant 0 : index
    %swap3A_21 = vector.load %arg5[%swap3A_18, %swap3A_19, %swap3A_20] : memref<1x1024x8xf32, #tpu.memory_space<vmem>>, vector<1x1024x8xf32>
    %swap3A_22 = vector.shape_cast %swap3A_21 : vector<1x1024x8xf32> to vector<1024x8xf32>
    %swap3A_23 = vector.shape_cast %reduce_max3A_17 : vector<1024x8xf32> to vector<1x1024x8xf32>
    tpu.vector_store %arg5[%swap3A_18, %swap3A_19, %swap3A_20], %swap3A_23 {strides = array<i32>} : memref<1x1024x8xf32, #tpu.memory_space<vmem>>, vector<1x1024x8xf32>,
    return
  }
  func.func @transform_0(%arg0: i32) -> (i32, i32) {
    %c0_i32 = arith.constant 0 : i32
    %c0_i32_0 = arith.constant 0 : i32
    %c0_i32_1 = arith.constant 0 : i32
    return %c0_i32, %c0_i32_0 : i32, i32
  }
  func.func @transform_1(%arg0: i32) -> (i32, i32) {
    %c0_i32 = arith.constant 0 : i32
    %c0_i32_0 = arith.constant 0 : i32
    %c0_i32_1 = arith.constant 0 : i32
    return %c0_i32, %c0_i32_0 : i32, i32
  }
  func.func @transform_2(%arg0: i32) -> (i32, i32) {
    %c0_i32 = arith.constant 0 : i32
    %c0_i32_0 = arith.constant 0 : i32
    return %arg0, %c0_i32 : i32, i32
  }
  func.func @transform_3(%arg0: i32) -> (i32, i32) {
    %c0_i32 = arith.constant 0 : i32
    %c0_i32_0 = arith.constant 0 : i32
    return %c0_i32, %arg0 : i32, i32
  }
  func.func @transform_4(%arg0: i32) -> (i32, i32, i32) {
    %c0_i32 = arith.constant 0 : i32
    %c0_i32_0 = arith.constant 0 : i32
    %c0_i32_1 = arith.constant 0 : i32
    return %arg0, %c0_i32, %c0_i32_0 : i32, i32, i32
  }
}

module attributes {stable_mosaic.version = 14 : i64} {
  func.func @_select_kernel(%arg0: i32, %arg1: memref<256x896xf32, #tpu.memory_space<vmem>>, %arg2: memref<256x128xi32, #tpu.memory_space<vmem>>, %arg3: memref<256x896xf32, #tpu.memory_space<vmem>>) attributes {dimension_semantics = [#tpu.dimension_semantics<arbitrary>], iteration_bounds = array<i64: 4>, scalar_prefetch = 0 : i64, scratch_operands = 1 : i64, tpu.core_type = #tpu.core_type<tc>, window_params = [{transform_indices = @transform_0, window_bounds = array<i64: 256, 896>}, {transform_indices = @transform_1, window_bounds = array<i64: 256, 128>}]} {
    %get3A = arith.constant 0 : index
    %get3A_0 = arith.constant 0 : index
    %get3A_1 = vector.load %arg1[%get3A, %get3A_0] : memref<256x896xf32, #tpu.memory_space<vmem>>, vector<256x896xf32>
    %swap3A = arith.constant 0 : index
    %swap3A_2 = arith.constant 0 : index
    %swap3A_3 = vector.load %arg3[%swap3A, %swap3A_2] : memref<256x896xf32, #tpu.memory_space<vmem>>, vector<256x896xf32>
    tpu.vector_store %arg3[%swap3A, %swap3A_2], %get3A_1 {strides = array<i32>} : memref<256x896xf32, #tpu.memory_space<vmem>>, vector<256x896xf32>,
    %iota3A = tpu.iota {dimensions = array<i32: 1>} : vector<256x896xi32>
    %iota3A_4 = tpu.iota {dimensions = array<i32: 1>} : vector<256x128xi32>
    %scan3A = arith.constant 0 : i32
    %scan3A_5 = arith.constant 128 : i32
    %scan3A_6 = arith.addi %scan3A, %scan3A_5 : i32
    %scan3A_7 = arith.constant 1 : i32
    scf.for %scan3A_9 = %scan3A to %scan3A_6 step %scan3A_7  : i32 {
      %get3A_10 = arith.constant 0 : index
      %get3A_11 = arith.constant 0 : index
      %get3A_12 = vector.load %arg3[%get3A_10, %get3A_11] : memref<256x896xf32, #tpu.memory_space<vmem>>, vector<256x896xf32>
      %reduce_max3A = arith.constant dense<0xFF800000> : vector<256xf32>
      %reduce_max3A_13 = vector.multi_reduction <maximumf>, %get3A_12, %reduce_max3A [1] : vector<256x896xf32> to vector<256xf32>
      %broadcast_in_dim3A = vector.shape_cast %reduce_max3A_13 : vector<256xf32> to vector<256x1xf32>
      %eq3A = vector.broadcast %broadcast_in_dim3A : vector<256x1xf32> to vector<256x896xf32>
      %eq3A_14 = arith.cmpf oeq, %get3A_12, %eq3A : vector<256x896xf32>
      %jit3A = arith.constant 896 : i32
      %broadcast_in_dim3A_15 = vector.broadcast %jit3A : i32 to vector<256x896xi32>
      %select_n3A = arith.select %eq3A_14, %iota3A, %broadcast_in_dim3A_15 : vector<256x896xi1>, vector<256x896xi32>
      %reduce_min3A = arith.constant dense<2147483647> : vector<256xi32>
      %reduce_min3A_16 = vector.multi_reduction <minsi>, %select_n3A, %reduce_min3A [1] : vector<256x896xi32> to vector<256xi32>
      %broadcast_in_dim3A_17 = vector.shape_cast %reduce_min3A_16 : vector<256xi32> to vector<256x1xi32>
      %eq3A_18 = vector.broadcast %broadcast_in_dim3A_17 : vector<256x1xi32> to vector<256x896xi32>
      %eq3A_19 = arith.cmpi eq, %iota3A, %eq3A_18 : vector<256x896xi32>
      %eq3A_20 = vector.broadcast %scan3A_9 : i32 to vector<256x128xi32>
      %eq3A_21 = arith.cmpi eq, %iota3A_4, %eq3A_20 : vector<256x128xi32>
      %broadcast_in_dim3A_22 = vector.shape_cast %reduce_min3A_16 : vector<256xi32> to vector<256x1xi32>
      %get3A_23 = arith.constant 0 : index
      %get3A_24 = arith.constant 0 : index
      %get3A_25 = vector.load %arg2[%get3A_23, %get3A_24] : memref<256x128xi32, #tpu.memory_space<vmem>>, vector<256x128xi32>
      %broadcast_in_dim3A_26 = vector.shape_cast %broadcast_in_dim3A_22 : vector<256x1xi32> to vector<256x1xi32>
      %broadcast_in_dim3A_27 = vector.broadcast %broadcast_in_dim3A_26 : vector<256x1xi32> to vector<256x128xi32>
      %select_n3A_28 = arith.select %eq3A_21, %broadcast_in_dim3A_27, %get3A_25 : vector<256x128xi1>, vector<256x128xi32>
      %swap3A_29 = arith.constant 0 : index
      %swap3A_30 = arith.constant 0 : index
      %swap3A_31 = vector.load %arg2[%swap3A_29, %swap3A_30] : memref<256x128xi32, #tpu.memory_space<vmem>>, vector<256x128xi32>
      tpu.vector_store %arg2[%swap3A_29, %swap3A_30], %select_n3A_28 {strides = array<i32>} : memref<256x128xi32, #tpu.memory_space<vmem>>, vector<256x128xi32>,
      %jit3A_32 = arith.constant -3.000000e+38 : f32
      %broadcast_in_dim3A_33 = vector.broadcast %jit3A_32 : f32 to vector<256x896xf32>
      %select_n3A_34 = arith.select %eq3A_19, %broadcast_in_dim3A_33, %get3A_12 : vector<256x896xi1>, vector<256x896xf32>
      %swap3A_35 = arith.constant 0 : index
      %swap3A_36 = arith.constant 0 : index
      %swap3A_37 = vector.load %arg3[%swap3A_35, %swap3A_36] : memref<256x896xf32, #tpu.memory_space<vmem>>, vector<256x896xf32>
      tpu.vector_store %arg3[%swap3A_35, %swap3A_36], %select_n3A_34 {strides = array<i32>} : memref<256x896xf32, #tpu.memory_space<vmem>>, vector<256x896xf32>,
    }
    %scan3A_8 = arith.constant 128 : i32
    return
  }
  func.func @transform_0(%arg0: i32) -> (i32, i32) {
    %c0_i32 = arith.constant 0 : i32
    %c0_i32_0 = arith.constant 0 : i32
    return %arg0, %c0_i32 : i32, i32
  }
  func.func @transform_1(%arg0: i32) -> (i32, i32) {
    %c0_i32 = arith.constant 0 : i32
    %c0_i32_0 = arith.constant 0 : i32
    return %arg0, %c0_i32 : i32, i32
  }
}

module attributes {stable_mosaic.version = 14 : i64} {
  func.func @_select_kernel(%arg0: i32, %arg1: memref<256x1024xf32, #tpu.memory_space<vmem>>, %arg2: memref<256x128xi32, #tpu.memory_space<vmem>>, %arg3: memref<256x1024xf32, #tpu.memory_space<vmem>>) attributes {dimension_semantics = [#tpu.dimension_semantics<arbitrary>], iteration_bounds = array<i64: 4>, scalar_prefetch = 0 : i64, scratch_operands = 1 : i64, tpu.core_type = #tpu.core_type<tc>, window_params = [{transform_indices = @transform_0, window_bounds = array<i64: 256, 1024>}, {transform_indices = @transform_1, window_bounds = array<i64: 256, 128>}]} {
    %get3A = arith.constant 0 : index
    %get3A_0 = arith.constant 0 : index
    %get3A_1 = vector.load %arg1[%get3A, %get3A_0] : memref<256x1024xf32, #tpu.memory_space<vmem>>, vector<256x1024xf32>
    %swap3A = arith.constant 0 : index
    %swap3A_2 = arith.constant 0 : index
    %swap3A_3 = vector.load %arg3[%swap3A, %swap3A_2] : memref<256x1024xf32, #tpu.memory_space<vmem>>, vector<256x1024xf32>
    tpu.vector_store %arg3[%swap3A, %swap3A_2], %get3A_1 {strides = array<i32>} : memref<256x1024xf32, #tpu.memory_space<vmem>>, vector<256x1024xf32>,
    %iota3A = tpu.iota {dimensions = array<i32: 1>} : vector<256x1024xi32>
    %iota3A_4 = tpu.iota {dimensions = array<i32: 1>} : vector<256x128xi32>
    %scan3A = arith.constant 0 : i32
    %scan3A_5 = arith.constant 128 : i32
    %scan3A_6 = arith.addi %scan3A, %scan3A_5 : i32
    %scan3A_7 = arith.constant 1 : i32
    scf.for %scan3A_9 = %scan3A to %scan3A_6 step %scan3A_7  : i32 {
      %get3A_10 = arith.constant 0 : index
      %get3A_11 = arith.constant 0 : index
      %get3A_12 = vector.load %arg3[%get3A_10, %get3A_11] : memref<256x1024xf32, #tpu.memory_space<vmem>>, vector<256x1024xf32>
      %reduce_max3A = arith.constant dense<0xFF800000> : vector<256xf32>
      %reduce_max3A_13 = vector.multi_reduction <maximumf>, %get3A_12, %reduce_max3A [1] : vector<256x1024xf32> to vector<256xf32>
      %broadcast_in_dim3A = vector.shape_cast %reduce_max3A_13 : vector<256xf32> to vector<256x1xf32>
      %eq3A = vector.broadcast %broadcast_in_dim3A : vector<256x1xf32> to vector<256x1024xf32>
      %eq3A_14 = arith.cmpf oeq, %get3A_12, %eq3A : vector<256x1024xf32>
      %jit3A = arith.constant 1024 : i32
      %broadcast_in_dim3A_15 = vector.broadcast %jit3A : i32 to vector<256x1024xi32>
      %select_n3A = arith.select %eq3A_14, %iota3A, %broadcast_in_dim3A_15 : vector<256x1024xi1>, vector<256x1024xi32>
      %reduce_min3A = arith.constant dense<2147483647> : vector<256xi32>
      %reduce_min3A_16 = vector.multi_reduction <minsi>, %select_n3A, %reduce_min3A [1] : vector<256x1024xi32> to vector<256xi32>
      %broadcast_in_dim3A_17 = vector.shape_cast %reduce_min3A_16 : vector<256xi32> to vector<256x1xi32>
      %eq3A_18 = vector.broadcast %broadcast_in_dim3A_17 : vector<256x1xi32> to vector<256x1024xi32>
      %eq3A_19 = arith.cmpi eq, %iota3A, %eq3A_18 : vector<256x1024xi32>
      %eq3A_20 = vector.broadcast %scan3A_9 : i32 to vector<256x128xi32>
      %eq3A_21 = arith.cmpi eq, %iota3A_4, %eq3A_20 : vector<256x128xi32>
      %broadcast_in_dim3A_22 = vector.shape_cast %reduce_min3A_16 : vector<256xi32> to vector<256x1xi32>
      %get3A_23 = arith.constant 0 : index
      %get3A_24 = arith.constant 0 : index
      %get3A_25 = vector.load %arg2[%get3A_23, %get3A_24] : memref<256x128xi32, #tpu.memory_space<vmem>>, vector<256x128xi32>
      %broadcast_in_dim3A_26 = vector.shape_cast %broadcast_in_dim3A_22 : vector<256x1xi32> to vector<256x1xi32>
      %broadcast_in_dim3A_27 = vector.broadcast %broadcast_in_dim3A_26 : vector<256x1xi32> to vector<256x128xi32>
      %select_n3A_28 = arith.select %eq3A_21, %broadcast_in_dim3A_27, %get3A_25 : vector<256x128xi1>, vector<256x128xi32>
      %swap3A_29 = arith.constant 0 : index
      %swap3A_30 = arith.constant 0 : index
      %swap3A_31 = vector.load %arg2[%swap3A_29, %swap3A_30] : memref<256x128xi32, #tpu.memory_space<vmem>>, vector<256x128xi32>
      tpu.vector_store %arg2[%swap3A_29, %swap3A_30], %select_n3A_28 {strides = array<i32>} : memref<256x128xi32, #tpu.memory_space<vmem>>, vector<256x128xi32>,
      %jit3A_32 = arith.constant -3.000000e+38 : f32
      %broadcast_in_dim3A_33 = vector.broadcast %jit3A_32 : f32 to vector<256x1024xf32>
      %select_n3A_34 = arith.select %eq3A_19, %broadcast_in_dim3A_33, %get3A_12 : vector<256x1024xi1>, vector<256x1024xf32>
      %swap3A_35 = arith.constant 0 : index
      %swap3A_36 = arith.constant 0 : index
      %swap3A_37 = vector.load %arg3[%swap3A_35, %swap3A_36] : memref<256x1024xf32, #tpu.memory_space<vmem>>, vector<256x1024xf32>
      tpu.vector_store %arg3[%swap3A_35, %swap3A_36], %select_n3A_34 {strides = array<i32>} : memref<256x1024xf32, #tpu.memory_space<vmem>>, vector<256x1024xf32>,
    }
    %scan3A_8 = arith.constant 128 : i32
    return
  }
  func.func @transform_0(%arg0: i32) -> (i32, i32) {
    %c0_i32 = arith.constant 0 : i32
    %c0_i32_0 = arith.constant 0 : i32
    return %arg0, %c0_i32 : i32, i32
  }
  func.func @transform_1(%arg0: i32) -> (i32, i32) {
    %c0_i32 = arith.constant 0 : i32
    %c0_i32_0 = arith.constant 0 : i32
    return %arg0, %c0_i32 : i32, i32
  }
}

module attributes {stable_mosaic.version = 14 : i64} {
  func.func @_extract_kernel(%arg0: i32, %arg1: memref<256x2048xf32, #tpu.memory_space<vmem>>, %arg2: memref<256x2048xi32, #tpu.memory_space<vmem>>, %arg3: memref<256x128xi32, #tpu.memory_space<vmem>>, %arg4: memref<256x2048xf32, #tpu.memory_space<vmem>>) attributes {dimension_semantics = [#tpu.dimension_semantics<arbitrary>], iteration_bounds = array<i64: 4>, scalar_prefetch = 0 : i64, scratch_operands = 1 : i64, tpu.core_type = #tpu.core_type<tc>, window_params = [{transform_indices = @transform_0, window_bounds = array<i64: 256, 2048>}, {transform_indices = @transform_1, window_bounds = array<i64: 256, 2048>}, {transform_indices = @transform_2, window_bounds = array<i64: 256, 128>}]} {
    %get3A = arith.constant 0 : index
    %get3A_0 = arith.constant 0 : index
    %get3A_1 = vector.load %arg1[%get3A, %get3A_0] : memref<256x2048xf32, #tpu.memory_space<vmem>>, vector<256x2048xf32>
    %swap3A = arith.constant 0 : index
    %swap3A_2 = arith.constant 0 : index
    %swap3A_3 = vector.load %arg4[%swap3A, %swap3A_2] : memref<256x2048xf32, #tpu.memory_space<vmem>>, vector<256x2048xf32>
    tpu.vector_store %arg4[%swap3A, %swap3A_2], %get3A_1 {strides = array<i32>} : memref<256x2048xf32, #tpu.memory_space<vmem>>, vector<256x2048xf32>,
    %get3A_4 = arith.constant 0 : index
    %get3A_5 = arith.constant 0 : index
    %get3A_6 = vector.load %arg2[%get3A_4, %get3A_5] : memref<256x2048xi32, #tpu.memory_space<vmem>>, vector<256x2048xi32>
    %iota3A = tpu.iota {dimensions = array<i32: 1>} : vector<256x128xi32>
    %scan3A = arith.constant 0 : i32
    %scan3A_7 = arith.constant 128 : i32
    %scan3A_8 = arith.addi %scan3A, %scan3A_7 : i32
    %scan3A_9 = arith.constant 1 : i32
    scf.for %scan3A_11 = %scan3A to %scan3A_8 step %scan3A_9  : i32 {
      %get3A_12 = arith.constant 0 : index
      %get3A_13 = arith.constant 0 : index
      %get3A_14 = vector.load %arg4[%get3A_12, %get3A_13] : memref<256x2048xf32, #tpu.memory_space<vmem>>, vector<256x2048xf32>
      %reduce_max3A = arith.constant dense<0xFF800000> : vector<256xf32>
      %reduce_max3A_15 = vector.multi_reduction <maximumf>, %get3A_14, %reduce_max3A [1] : vector<256x2048xf32> to vector<256xf32>
      %broadcast_in_dim3A = vector.shape_cast %reduce_max3A_15 : vector<256xf32> to vector<256x1xf32>
      %eq3A = vector.broadcast %broadcast_in_dim3A : vector<256x1xf32> to vector<256x2048xf32>
      %eq3A_16 = arith.cmpf oeq, %get3A_14, %eq3A : vector<256x2048xf32>
      %jit3A = arith.constant 1073741824 : i32
      %broadcast_in_dim3A_17 = vector.broadcast %jit3A : i32 to vector<256x2048xi32>
      %select_n3A = arith.select %eq3A_16, %get3A_6, %broadcast_in_dim3A_17 : vector<256x2048xi1>, vector<256x2048xi32>
      %reduce_min3A = arith.constant dense<2147483647> : vector<256xi32>
      %reduce_min3A_18 = vector.multi_reduction <minsi>, %select_n3A, %reduce_min3A [1] : vector<256x2048xi32> to vector<256xi32>
      %eq3A_19 = vector.broadcast %scan3A_11 : i32 to vector<256x128xi32>
      %eq3A_20 = arith.cmpi eq, %iota3A, %eq3A_19 : vector<256x128xi32>
      %broadcast_in_dim3A_21 = vector.shape_cast %reduce_min3A_18 : vector<256xi32> to vector<256x1xi32>
      %get3A_22 = arith.constant 0 : index
      %get3A_23 = arith.constant 0 : index
      %get3A_24 = vector.load %arg3[%get3A_22, %get3A_23] : memref<256x128xi32, #tpu.memory_space<vmem>>, vector<256x128xi32>
      %broadcast_in_dim3A_25 = vector.shape_cast %broadcast_in_dim3A_21 : vector<256x1xi32> to vector<256x1xi32>
      %broadcast_in_dim3A_26 = vector.broadcast %broadcast_in_dim3A_25 : vector<256x1xi32> to vector<256x128xi32>
      %select_n3A_27 = arith.select %eq3A_20, %broadcast_in_dim3A_26, %get3A_24 : vector<256x128xi1>, vector<256x128xi32>
      %swap3A_28 = arith.constant 0 : index
      %swap3A_29 = arith.constant 0 : index
      %swap3A_30 = vector.load %arg3[%swap3A_28, %swap3A_29] : memref<256x128xi32, #tpu.memory_space<vmem>>, vector<256x128xi32>
      tpu.vector_store %arg3[%swap3A_28, %swap3A_29], %select_n3A_27 {strides = array<i32>} : memref<256x128xi32, #tpu.memory_space<vmem>>, vector<256x128xi32>,
      %broadcast_in_dim3A_31 = vector.shape_cast %reduce_min3A_18 : vector<256xi32> to vector<256x1xi32>
      %eq3A_32 = vector.broadcast %broadcast_in_dim3A_31 : vector<256x1xi32> to vector<256x2048xi32>
      %eq3A_33 = arith.cmpi eq, %get3A_6, %eq3A_32 : vector<256x2048xi32>
      %jit3A_34 = arith.constant -3.000000e+38 : f32
      %broadcast_in_dim3A_35 = vector.broadcast %jit3A_34 : f32 to vector<256x2048xf32>
      %select_n3A_36 = arith.select %eq3A_33, %broadcast_in_dim3A_35, %get3A_14 : vector<256x2048xi1>, vector<256x2048xf32>
      %swap3A_37 = arith.constant 0 : index
      %swap3A_38 = arith.constant 0 : index
      %swap3A_39 = vector.load %arg4[%swap3A_37, %swap3A_38] : memref<256x2048xf32, #tpu.memory_space<vmem>>, vector<256x2048xf32>
      tpu.vector_store %arg4[%swap3A_37, %swap3A_38], %select_n3A_36 {strides = array<i32>} : memref<256x2048xf32, #tpu.memory_space<vmem>>, vector<256x2048xf32>,
    }
    %scan3A_10 = arith.constant 128 : i32
    return
  }
  func.func @transform_0(%arg0: i32) -> (i32, i32) {
    %c0_i32 = arith.constant 0 : i32
    %c0_i32_0 = arith.constant 0 : i32
    return %arg0, %c0_i32 : i32, i32
  }
  func.func @transform_1(%arg0: i32) -> (i32, i32) {
    %c0_i32 = arith.constant 0 : i32
    %c0_i32_0 = arith.constant 0 : i32
    return %arg0, %c0_i32 : i32, i32
  }
  func.func @transform_2(%arg0: i32) -> (i32, i32) {
    %c0_i32 = arith.constant 0 : i32
    %c0_i32_0 = arith.constant 0 : i32
    return %arg0, %c0_i32 : i32, i32
  }
}

module attributes {stable_mosaic.version = 14 : i64} {
  func.func @_refine_kernel(%arg0: i32, %arg1: memref<128x64xf32, #tpu.memory_space<vmem>>, %arg2: memref<128x128x128xf32, #tpu.memory_space<vmem>>, %arg3: memref<128x128xi32, #tpu.memory_space<vmem>>, %arg4: memref<128x10xf32, #tpu.memory_space<vmem>>, %arg5: memref<128x10xi32, #tpu.memory_space<vmem>>) attributes {dimension_semantics = [#tpu.dimension_semantics<arbitrary>], iteration_bounds = array<i64: 8>, scalar_prefetch = 0 : i64, scratch_operands = 0 : i64, tpu.core_type = #tpu.core_type<tc>, window_params = [{transform_indices = @transform_0, window_bounds = array<i64: 128, 64>}, {transform_indices = @transform_1, window_bounds = array<i64: 128, 128, 128>}, {transform_indices = @transform_2, window_bounds = array<i64: 128, 128>}, {transform_indices = @transform_3, window_bounds = array<i64: 128, 10>}, {transform_indices = @transform_4, window_bounds = array<i64: 128, 10>}]} {
    %get3A = arith.constant 0 : index
    %get3A_0 = arith.constant 0 : index
    %get3A_1 = vector.load %arg1[%get3A, %get3A_0] : memref<128x64xf32, #tpu.memory_space<vmem>>, vector<128x64xf32>
    %get3A_2 = arith.constant 0 : index
    %get3A_3 = arith.constant 0 : index
    %get3A_4 = arith.constant 0 : index
    %get3A_5 = vector.load %arg2[%get3A_2, %get3A_3, %get3A_4] : memref<128x128x128xf32, #tpu.memory_space<vmem>>, vector<128x128x128xf32>
    %slice3A = vector.extract_strided_slice %get3A_5 {offsets = [0, 0, 0], sizes = [128, 128, 64], strides = [1, 1, 1]} : vector<128x128x128xf32> to vector<128x128x64xf32>
    %broadcast_in_dim3A = vector.shape_cast %get3A_1 : vector<128x64xf32> to vector<128x1x64xf32>
    %sub3A = vector.broadcast %broadcast_in_dim3A : vector<128x1x64xf32> to vector<128x128x64xf32>
    %sub3A_6 = arith.subf %sub3A, %slice3A : vector<128x128x64xf32>
    %mul3A = arith.mulf %sub3A_6, %sub3A_6 : vector<128x128x64xf32>
    %reduce_sum3A = arith.constant dense<0.000000e+00> : vector<128x128xf32>
    %reduce_sum3A_7 = vector.multi_reduction <add>, %mul3A, %reduce_sum3A [2] : vector<128x128x64xf32> to vector<128x128xf32>
    %get3A_8 = arith.constant 0 : index
    %get3A_9 = arith.constant 0 : index
    %get3A_10 = vector.load %arg3[%get3A_8, %get3A_9] : memref<128x128xi32, #tpu.memory_space<vmem>>, vector<128x128xi32>
    %iota3A = tpu.iota {dimensions = array<i32: 1>} : vector<128x128xi32>
    %reduce_min3A = arith.constant dense<0x7F800000> : vector<128xf32>
    %reduce_min3A_11 = vector.multi_reduction <minimumf>, %reduce_sum3A_7, %reduce_min3A [1] : vector<128x128xf32> to vector<128xf32>
    %broadcast_in_dim3A_12 = vector.shape_cast %reduce_min3A_11 : vector<128xf32> to vector<128x1xf32>
    %eq3A = vector.broadcast %broadcast_in_dim3A_12 : vector<128x1xf32> to vector<128x128xf32>
    %eq3A_13 = arith.cmpf oeq, %reduce_sum3A_7, %eq3A : vector<128x128xf32>
    %jit3A = arith.constant 128 : i32
    %broadcast_in_dim3A_14 = vector.broadcast %jit3A : i32 to vector<128x128xi32>
    %select_n3A = arith.select %eq3A_13, %iota3A, %broadcast_in_dim3A_14 : vector<128x128xi1>, vector<128x128xi32>
    %reduce_min3A_15 = arith.constant dense<2147483647> : vector<128xi32>
    %reduce_min3A_16 = vector.multi_reduction <minsi>, %select_n3A, %reduce_min3A_15 [1] : vector<128x128xi32> to vector<128xi32>
    %broadcast_in_dim3A_17 = vector.shape_cast %reduce_min3A_16 : vector<128xi32> to vector<128x1xi32>
    %eq3A_18 = vector.broadcast %broadcast_in_dim3A_17 : vector<128x1xi32> to vector<128x128xi32>
    %eq3A_19 = arith.cmpi eq, %iota3A, %eq3A_18 : vector<128x128xi32>
    %swap3A = arith.constant 0 : index
    %swap3A_20 = arith.constant 0 : index
    %swap3A_21 = vector.load %arg4[%swap3A, %swap3A_20] : memref<128x10xf32, #tpu.memory_space<vmem>>, vector<128x1xf32>
    %swap3A_22 = vector.shape_cast %swap3A_21 : vector<128x1xf32> to vector<128xf32>
    %swap3A_23 = vector.shape_cast %reduce_min3A_11 : vector<128xf32> to vector<128x1xf32>
    tpu.vector_store %arg4[%swap3A, %swap3A_20], %swap3A_23 {strides = array<i32>} : memref<128x10xf32, #tpu.memory_space<vmem>>, vector<128x1xf32>,
    %jit3A_24 = arith.constant 0 : i32
    %broadcast_in_dim3A_25 = vector.broadcast %jit3A_24 : i32 to vector<128x128xi32>
    %select_n3A_26 = arith.select %eq3A_19, %get3A_10, %broadcast_in_dim3A_25 : vector<128x128xi1>, vector<128x128xi32>
    %reduce_sum3A_27 = arith.constant dense<0> : vector<128xi32>
    %reduce_sum3A_28 = vector.multi_reduction <add>, %select_n3A_26, %reduce_sum3A_27 [1] : vector<128x128xi32> to vector<128xi32>
    %swap3A_29 = arith.constant 0 : index
    %swap3A_30 = arith.constant 0 : index
    %swap3A_31 = vector.load %arg5[%swap3A_29, %swap3A_30] : memref<128x10xi32, #tpu.memory_space<vmem>>, vector<128x1xi32>
    %swap3A_32 = vector.shape_cast %swap3A_31 : vector<128x1xi32> to vector<128xi32>
    %swap3A_33 = vector.shape_cast %reduce_sum3A_28 : vector<128xi32> to vector<128x1xi32>
    tpu.vector_store %arg5[%swap3A_29, %swap3A_30], %swap3A_33 {strides = array<i32>} : memref<128x10xi32, #tpu.memory_space<vmem>>, vector<128x1xi32>,
    %jit3A_34 = arith.constant 3.000000e+38 : f32
    %broadcast_in_dim3A_35 = vector.broadcast %jit3A_34 : f32 to vector<128x128xf32>
    %select_n3A_36 = arith.select %eq3A_19, %broadcast_in_dim3A_35, %reduce_sum3A_7 : vector<128x128xi1>, vector<128x128xf32>
    %reduce_min3A_37 = arith.constant dense<0x7F800000> : vector<128xf32>
    %reduce_min3A_38 = vector.multi_reduction <minimumf>, %select_n3A_36, %reduce_min3A_37 [1] : vector<128x128xf32> to vector<128xf32>
    %broadcast_in_dim3A_39 = vector.shape_cast %reduce_min3A_38 : vector<128xf32> to vector<128x1xf32>
    %eq3A_40 = vector.broadcast %broadcast_in_dim3A_39 : vector<128x1xf32> to vector<128x128xf32>
    %eq3A_41 = arith.cmpf oeq, %select_n3A_36, %eq3A_40 : vector<128x128xf32>
    %jit3A_42 = arith.constant 128 : i32
    %broadcast_in_dim3A_43 = vector.broadcast %jit3A_42 : i32 to vector<128x128xi32>
    %select_n3A_44 = arith.select %eq3A_41, %iota3A, %broadcast_in_dim3A_43 : vector<128x128xi1>, vector<128x128xi32>
    %reduce_min3A_45 = arith.constant dense<2147483647> : vector<128xi32>
    %reduce_min3A_46 = vector.multi_reduction <minsi>, %select_n3A_44, %reduce_min3A_45 [1] : vector<128x128xi32> to vector<128xi32>
    %broadcast_in_dim3A_47 = vector.shape_cast %reduce_min3A_46 : vector<128xi32> to vector<128x1xi32>
    %eq3A_48 = vector.broadcast %broadcast_in_dim3A_47 : vector<128x1xi32> to vector<128x128xi32>
    %eq3A_49 = arith.cmpi eq, %iota3A, %eq3A_48 : vector<128x128xi32>
    %swap3A_50 = arith.constant 0 : index
    %swap3A_51 = arith.constant 1 : index
    %swap3A_52 = vector.load %arg4[%swap3A_50, %swap3A_51] : memref<128x10xf32, #tpu.memory_space<vmem>>, vector<128x1xf32>
    %swap3A_53 = vector.shape_cast %swap3A_52 : vector<128x1xf32> to vector<128xf32>
    %swap3A_54 = vector.shape_cast %reduce_min3A_38 : vector<128xf32> to vector<128x1xf32>
    tpu.vector_store %arg4[%swap3A_50, %swap3A_51], %swap3A_54 {strides = array<i32>} : memref<128x10xf32, #tpu.memory_space<vmem>>, vector<128x1xf32>,
    %jit3A_55 = arith.constant 0 : i32
    %broadcast_in_dim3A_56 = vector.broadcast %jit3A_55 : i32 to vector<128x128xi32>
    %select_n3A_57 = arith.select %eq3A_49, %get3A_10, %broadcast_in_dim3A_56 : vector<128x128xi1>, vector<128x128xi32>
    %reduce_sum3A_58 = arith.constant dense<0> : vector<128xi32>
    %reduce_sum3A_59 = vector.multi_reduction <add>, %select_n3A_57, %reduce_sum3A_58 [1] : vector<128x128xi32> to vector<128xi32>
    %swap3A_60 = arith.constant 0 : index
    %swap3A_61 = arith.constant 1 : index
    %swap3A_62 = vector.load %arg5[%swap3A_60, %swap3A_61] : memref<128x10xi32, #tpu.memory_space<vmem>>, vector<128x1xi32>
    %swap3A_63 = vector.shape_cast %swap3A_62 : vector<128x1xi32> to vector<128xi32>
    %swap3A_64 = vector.shape_cast %reduce_sum3A_59 : vector<128xi32> to vector<128x1xi32>
    tpu.vector_store %arg5[%swap3A_60, %swap3A_61], %swap3A_64 {strides = array<i32>} : memref<128x10xi32, #tpu.memory_space<vmem>>, vector<128x1xi32>,
    %jit3A_65 = arith.constant 3.000000e+38 : f32
    %broadcast_in_dim3A_66 = vector.broadcast %jit3A_65 : f32 to vector<128x128xf32>
    %select_n3A_67 = arith.select %eq3A_49, %broadcast_in_dim3A_66, %select_n3A_36 : vector<128x128xi1>, vector<128x128xf32>
    %reduce_min3A_68 = arith.constant dense<0x7F800000> : vector<128xf32>
    %reduce_min3A_69 = vector.multi_reduction <minimumf>, %select_n3A_67, %reduce_min3A_68 [1] : vector<128x128xf32> to vector<128xf32>
    %broadcast_in_dim3A_70 = vector.shape_cast %reduce_min3A_69 : vector<128xf32> to vector<128x1xf32>
    %eq3A_71 = vector.broadcast %broadcast_in_dim3A_70 : vector<128x1xf32> to vector<128x128xf32>
    %eq3A_72 = arith.cmpf oeq, %select_n3A_67, %eq3A_71 : vector<128x128xf32>
    %jit3A_73 = arith.constant 128 : i32
    %broadcast_in_dim3A_74 = vector.broadcast %jit3A_73 : i32 to vector<128x128xi32>
    %select_n3A_75 = arith.select %eq3A_72, %iota3A, %broadcast_in_dim3A_74 : vector<128x128xi1>, vector<128x128xi32>
    %reduce_min3A_76 = arith.constant dense<2147483647> : vector<128xi32>
    %reduce_min3A_77 = vector.multi_reduction <minsi>, %select_n3A_75, %reduce_min3A_76 [1] : vector<128x128xi32> to vector<128xi32>
    %broadcast_in_dim3A_78 = vector.shape_cast %reduce_min3A_77 : vector<128xi32> to vector<128x1xi32>
    %eq3A_79 = vector.broadcast %broadcast_in_dim3A_78 : vector<128x1xi32> to vector<128x128xi32>
    %eq3A_80 = arith.cmpi eq, %iota3A, %eq3A_79 : vector<128x128xi32>
    %swap3A_81 = arith.constant 0 : index
    %swap3A_82 = arith.constant 2 : index
    %swap3A_83 = vector.load %arg4[%swap3A_81, %swap3A_82] : memref<128x10xf32, #tpu.memory_space<vmem>>, vector<128x1xf32>
    %swap3A_84 = vector.shape_cast %swap3A_83 : vector<128x1xf32> to vector<128xf32>
    %swap3A_85 = vector.shape_cast %reduce_min3A_69 : vector<128xf32> to vector<128x1xf32>
    tpu.vector_store %arg4[%swap3A_81, %swap3A_82], %swap3A_85 {strides = array<i32>} : memref<128x10xf32, #tpu.memory_space<vmem>>, vector<128x1xf32>,
    %jit3A_86 = arith.constant 0 : i32
    %broadcast_in_dim3A_87 = vector.broadcast %jit3A_86 : i32 to vector<128x128xi32>
    %select_n3A_88 = arith.select %eq3A_80, %get3A_10, %broadcast_in_dim3A_87 : vector<128x128xi1>, vector<128x128xi32>
    %reduce_sum3A_89 = arith.constant dense<0> : vector<128xi32>
    %reduce_sum3A_90 = vector.multi_reduction <add>, %select_n3A_88, %reduce_sum3A_89 [1] : vector<128x128xi32> to vector<128xi32>
    %swap3A_91 = arith.constant 0 : index
    %swap3A_92 = arith.constant 2 : index
    %swap3A_93 = vector.load %arg5[%swap3A_91, %swap3A_92] : memref<128x10xi32, #tpu.memory_space<vmem>>, vector<128x1xi32>
    %swap3A_94 = vector.shape_cast %swap3A_93 : vector<128x1xi32> to vector<128xi32>
    %swap3A_95 = vector.shape_cast %reduce_sum3A_90 : vector<128xi32> to vector<128x1xi32>
    tpu.vector_store %arg5[%swap3A_91, %swap3A_92], %swap3A_95 {strides = array<i32>} : memref<128x10xi32, #tpu.memory_space<vmem>>, vector<128x1xi32>,
    %jit3A_96 = arith.constant 3.000000e+38 : f32
    %broadcast_in_dim3A_97 = vector.broadcast %jit3A_96 : f32 to vector<128x128xf32>
    %select_n3A_98 = arith.select %eq3A_80, %broadcast_in_dim3A_97, %select_n3A_67 : vector<128x128xi1>, vector<128x128xf32>
    %reduce_min3A_99 = arith.constant dense<0x7F800000> : vector<128xf32>
    %reduce_min3A_100 = vector.multi_reduction <minimumf>, %select_n3A_98, %reduce_min3A_99 [1] : vector<128x128xf32> to vector<128xf32>
    %broadcast_in_dim3A_101 = vector.shape_cast %reduce_min3A_100 : vector<128xf32> to vector<128x1xf32>
    %eq3A_102 = vector.broadcast %broadcast_in_dim3A_101 : vector<128x1xf32> to vector<128x128xf32>
    %eq3A_103 = arith.cmpf oeq, %select_n3A_98, %eq3A_102 : vector<128x128xf32>
    %jit3A_104 = arith.constant 128 : i32
    %broadcast_in_dim3A_105 = vector.broadcast %jit3A_104 : i32 to vector<128x128xi32>
    %select_n3A_106 = arith.select %eq3A_103, %iota3A, %broadcast_in_dim3A_105 : vector<128x128xi1>, vector<128x128xi32>
    %reduce_min3A_107 = arith.constant dense<2147483647> : vector<128xi32>
    %reduce_min3A_108 = vector.multi_reduction <minsi>, %select_n3A_106, %reduce_min3A_107 [1] : vector<128x128xi32> to vector<128xi32>
    %broadcast_in_dim3A_109 = vector.shape_cast %reduce_min3A_108 : vector<128xi32> to vector<128x1xi32>
    %eq3A_110 = vector.broadcast %broadcast_in_dim3A_109 : vector<128x1xi32> to vector<128x128xi32>
    %eq3A_111 = arith.cmpi eq, %iota3A, %eq3A_110 : vector<128x128xi32>
    %swap3A_112 = arith.constant 0 : index
    %swap3A_113 = arith.constant 3 : index
    %swap3A_114 = vector.load %arg4[%swap3A_112, %swap3A_113] : memref<128x10xf32, #tpu.memory_space<vmem>>, vector<128x1xf32>
    %swap3A_115 = vector.shape_cast %swap3A_114 : vector<128x1xf32> to vector<128xf32>
    %swap3A_116 = vector.shape_cast %reduce_min3A_100 : vector<128xf32> to vector<128x1xf32>
    tpu.vector_store %arg4[%swap3A_112, %swap3A_113], %swap3A_116 {strides = array<i32>} : memref<128x10xf32, #tpu.memory_space<vmem>>, vector<128x1xf32>,
    %jit3A_117 = arith.constant 0 : i32
    %broadcast_in_dim3A_118 = vector.broadcast %jit3A_117 : i32 to vector<128x128xi32>
    %select_n3A_119 = arith.select %eq3A_111, %get3A_10, %broadcast_in_dim3A_118 : vector<128x128xi1>, vector<128x128xi32>
    %reduce_sum3A_120 = arith.constant dense<0> : vector<128xi32>
    %reduce_sum3A_121 = vector.multi_reduction <add>, %select_n3A_119, %reduce_sum3A_120 [1] : vector<128x128xi32> to vector<128xi32>
    %swap3A_122 = arith.constant 0 : index
    %swap3A_123 = arith.constant 3 : index
    %swap3A_124 = vector.load %arg5[%swap3A_122, %swap3A_123] : memref<128x10xi32, #tpu.memory_space<vmem>>, vector<128x1xi32>
    %swap3A_125 = vector.shape_cast %swap3A_124 : vector<128x1xi32> to vector<128xi32>
    %swap3A_126 = vector.shape_cast %reduce_sum3A_121 : vector<128xi32> to vector<128x1xi32>
    tpu.vector_store %arg5[%swap3A_122, %swap3A_123], %swap3A_126 {strides = array<i32>} : memref<128x10xi32, #tpu.memory_space<vmem>>, vector<128x1xi32>,
    %jit3A_127 = arith.constant 3.000000e+38 : f32
    %broadcast_in_dim3A_128 = vector.broadcast %jit3A_127 : f32 to vector<128x128xf32>
    %select_n3A_129 = arith.select %eq3A_111, %broadcast_in_dim3A_128, %select_n3A_98 : vector<128x128xi1>, vector<128x128xf32>
    %reduce_min3A_130 = arith.constant dense<0x7F800000> : vector<128xf32>
    %reduce_min3A_131 = vector.multi_reduction <minimumf>, %select_n3A_129, %reduce_min3A_130 [1] : vector<128x128xf32> to vector<128xf32>
    %broadcast_in_dim3A_132 = vector.shape_cast %reduce_min3A_131 : vector<128xf32> to vector<128x1xf32>
    %eq3A_133 = vector.broadcast %broadcast_in_dim3A_132 : vector<128x1xf32> to vector<128x128xf32>
    %eq3A_134 = arith.cmpf oeq, %select_n3A_129, %eq3A_133 : vector<128x128xf32>
    %jit3A_135 = arith.constant 128 : i32
    %broadcast_in_dim3A_136 = vector.broadcast %jit3A_135 : i32 to vector<128x128xi32>
    %select_n3A_137 = arith.select %eq3A_134, %iota3A, %broadcast_in_dim3A_136 : vector<128x128xi1>, vector<128x128xi32>
    %reduce_min3A_138 = arith.constant dense<2147483647> : vector<128xi32>
    %reduce_min3A_139 = vector.multi_reduction <minsi>, %select_n3A_137, %reduce_min3A_138 [1] : vector<128x128xi32> to vector<128xi32>
    %broadcast_in_dim3A_140 = vector.shape_cast %reduce_min3A_139 : vector<128xi32> to vector<128x1xi32>
    %eq3A_141 = vector.broadcast %broadcast_in_dim3A_140 : vector<128x1xi32> to vector<128x128xi32>
    %eq3A_142 = arith.cmpi eq, %iota3A, %eq3A_141 : vector<128x128xi32>
    %swap3A_143 = arith.constant 0 : index
    %swap3A_144 = arith.constant 4 : index
    %swap3A_145 = vector.load %arg4[%swap3A_143, %swap3A_144] : memref<128x10xf32, #tpu.memory_space<vmem>>, vector<128x1xf32>
    %swap3A_146 = vector.shape_cast %swap3A_145 : vector<128x1xf32> to vector<128xf32>
    %swap3A_147 = vector.shape_cast %reduce_min3A_131 : vector<128xf32> to vector<128x1xf32>
    tpu.vector_store %arg4[%swap3A_143, %swap3A_144], %swap3A_147 {strides = array<i32>} : memref<128x10xf32, #tpu.memory_space<vmem>>, vector<128x1xf32>,
    %jit3A_148 = arith.constant 0 : i32
    %broadcast_in_dim3A_149 = vector.broadcast %jit3A_148 : i32 to vector<128x128xi32>
    %select_n3A_150 = arith.select %eq3A_142, %get3A_10, %broadcast_in_dim3A_149 : vector<128x128xi1>, vector<128x128xi32>
    %reduce_sum3A_151 = arith.constant dense<0> : vector<128xi32>
    %reduce_sum3A_152 = vector.multi_reduction <add>, %select_n3A_150, %reduce_sum3A_151 [1] : vector<128x128xi32> to vector<128xi32>
    %swap3A_153 = arith.constant 0 : index
    %swap3A_154 = arith.constant 4 : index
    %swap3A_155 = vector.load %arg5[%swap3A_153, %swap3A_154] : memref<128x10xi32, #tpu.memory_space<vmem>>, vector<128x1xi32>
    %swap3A_156 = vector.shape_cast %swap3A_155 : vector<128x1xi32> to vector<128xi32>
    %swap3A_157 = vector.shape_cast %reduce_sum3A_152 : vector<128xi32> to vector<128x1xi32>
    tpu.vector_store %arg5[%swap3A_153, %swap3A_154], %swap3A_157 {strides = array<i32>} : memref<128x10xi32, #tpu.memory_space<vmem>>, vector<128x1xi32>,
    %jit3A_158 = arith.constant 3.000000e+38 : f32
    %broadcast_in_dim3A_159 = vector.broadcast %jit3A_158 : f32 to vector<128x128xf32>
    %select_n3A_160 = arith.select %eq3A_142, %broadcast_in_dim3A_159, %select_n3A_129 : vector<128x128xi1>, vector<128x128xf32>
    %reduce_min3A_161 = arith.constant dense<0x7F800000> : vector<128xf32>
    %reduce_min3A_162 = vector.multi_reduction <minimumf>, %select_n3A_160, %reduce_min3A_161 [1] : vector<128x128xf32> to vector<128xf32>
    %broadcast_in_dim3A_163 = vector.shape_cast %reduce_min3A_162 : vector<128xf32> to vector<128x1xf32>
    %eq3A_164 = vector.broadcast %broadcast_in_dim3A_163 : vector<128x1xf32> to vector<128x128xf32>
    %eq3A_165 = arith.cmpf oeq, %select_n3A_160, %eq3A_164 : vector<128x128xf32>
    %jit3A_166 = arith.constant 128 : i32
    %broadcast_in_dim3A_167 = vector.broadcast %jit3A_166 : i32 to vector<128x128xi32>
    %select_n3A_168 = arith.select %eq3A_165, %iota3A, %broadcast_in_dim3A_167 : vector<128x128xi1>, vector<128x128xi32>
    %reduce_min3A_169 = arith.constant dense<2147483647> : vector<128xi32>
    %reduce_min3A_170 = vector.multi_reduction <minsi>, %select_n3A_168, %reduce_min3A_169 [1] : vector<128x128xi32> to vector<128xi32>
    %broadcast_in_dim3A_171 = vector.shape_cast %reduce_min3A_170 : vector<128xi32> to vector<128x1xi32>
    %eq3A_172 = vector.broadcast %broadcast_in_dim3A_171 : vector<128x1xi32> to vector<128x128xi32>
    %eq3A_173 = arith.cmpi eq, %iota3A, %eq3A_172 : vector<128x128xi32>
    %swap3A_174 = arith.constant 0 : index
    %swap3A_175 = arith.constant 5 : index
    %swap3A_176 = vector.load %arg4[%swap3A_174, %swap3A_175] : memref<128x10xf32, #tpu.memory_space<vmem>>, vector<128x1xf32>
    %swap3A_177 = vector.shape_cast %swap3A_176 : vector<128x1xf32> to vector<128xf32>
    %swap3A_178 = vector.shape_cast %reduce_min3A_162 : vector<128xf32> to vector<128x1xf32>
    tpu.vector_store %arg4[%swap3A_174, %swap3A_175], %swap3A_178 {strides = array<i32>} : memref<128x10xf32, #tpu.memory_space<vmem>>, vector<128x1xf32>,
    %jit3A_179 = arith.constant 0 : i32
    %broadcast_in_dim3A_180 = vector.broadcast %jit3A_179 : i32 to vector<128x128xi32>
    %select_n3A_181 = arith.select %eq3A_173, %get3A_10, %broadcast_in_dim3A_180 : vector<128x128xi1>, vector<128x128xi32>
    %reduce_sum3A_182 = arith.constant dense<0> : vector<128xi32>
    %reduce_sum3A_183 = vector.multi_reduction <add>, %select_n3A_181, %reduce_sum3A_182 [1] : vector<128x128xi32> to vector<128xi32>
    %swap3A_184 = arith.constant 0 : index
    %swap3A_185 = arith.constant 5 : index
    %swap3A_186 = vector.load %arg5[%swap3A_184, %swap3A_185] : memref<128x10xi32, #tpu.memory_space<vmem>>, vector<128x1xi32>
    %swap3A_187 = vector.shape_cast %swap3A_186 : vector<128x1xi32> to vector<128xi32>
    %swap3A_188 = vector.shape_cast %reduce_sum3A_183 : vector<128xi32> to vector<128x1xi32>
    tpu.vector_store %arg5[%swap3A_184, %swap3A_185], %swap3A_188 {strides = array<i32>} : memref<128x10xi32, #tpu.memory_space<vmem>>, vector<128x1xi32>,
    %jit3A_189 = arith.constant 3.000000e+38 : f32
    %broadcast_in_dim3A_190 = vector.broadcast %jit3A_189 : f32 to vector<128x128xf32>
    %select_n3A_191 = arith.select %eq3A_173, %broadcast_in_dim3A_190, %select_n3A_160 : vector<128x128xi1>, vector<128x128xf32>
    %reduce_min3A_192 = arith.constant dense<0x7F800000> : vector<128xf32>
    %reduce_min3A_193 = vector.multi_reduction <minimumf>, %select_n3A_191, %reduce_min3A_192 [1] : vector<128x128xf32> to vector<128xf32>
    %broadcast_in_dim3A_194 = vector.shape_cast %reduce_min3A_193 : vector<128xf32> to vector<128x1xf32>
    %eq3A_195 = vector.broadcast %broadcast_in_dim3A_194 : vector<128x1xf32> to vector<128x128xf32>
    %eq3A_196 = arith.cmpf oeq, %select_n3A_191, %eq3A_195 : vector<128x128xf32>
    %jit3A_197 = arith.constant 128 : i32
    %broadcast_in_dim3A_198 = vector.broadcast %jit3A_197 : i32 to vector<128x128xi32>
    %select_n3A_199 = arith.select %eq3A_196, %iota3A, %broadcast_in_dim3A_198 : vector<128x128xi1>, vector<128x128xi32>
    %reduce_min3A_200 = arith.constant dense<2147483647> : vector<128xi32>
    %reduce_min3A_201 = vector.multi_reduction <minsi>, %select_n3A_199, %reduce_min3A_200 [1] : vector<128x128xi32> to vector<128xi32>
    %broadcast_in_dim3A_202 = vector.shape_cast %reduce_min3A_201 : vector<128xi32> to vector<128x1xi32>
    %eq3A_203 = vector.broadcast %broadcast_in_dim3A_202 : vector<128x1xi32> to vector<128x128xi32>
    %eq3A_204 = arith.cmpi eq, %iota3A, %eq3A_203 : vector<128x128xi32>
    %swap3A_205 = arith.constant 0 : index
    %swap3A_206 = arith.constant 6 : index
    %swap3A_207 = vector.load %arg4[%swap3A_205, %swap3A_206] : memref<128x10xf32, #tpu.memory_space<vmem>>, vector<128x1xf32>
    %swap3A_208 = vector.shape_cast %swap3A_207 : vector<128x1xf32> to vector<128xf32>
    %swap3A_209 = vector.shape_cast %reduce_min3A_193 : vector<128xf32> to vector<128x1xf32>
    tpu.vector_store %arg4[%swap3A_205, %swap3A_206], %swap3A_209 {strides = array<i32>} : memref<128x10xf32, #tpu.memory_space<vmem>>, vector<128x1xf32>,
    %jit3A_210 = arith.constant 0 : i32
    %broadcast_in_dim3A_211 = vector.broadcast %jit3A_210 : i32 to vector<128x128xi32>
    %select_n3A_212 = arith.select %eq3A_204, %get3A_10, %broadcast_in_dim3A_211 : vector<128x128xi1>, vector<128x128xi32>
    %reduce_sum3A_213 = arith.constant dense<0> : vector<128xi32>
    %reduce_sum3A_214 = vector.multi_reduction <add>, %select_n3A_212, %reduce_sum3A_213 [1] : vector<128x128xi32> to vector<128xi32>
    %swap3A_215 = arith.constant 0 : index
    %swap3A_216 = arith.constant 6 : index
    %swap3A_217 = vector.load %arg5[%swap3A_215, %swap3A_216] : memref<128x10xi32, #tpu.memory_space<vmem>>, vector<128x1xi32>
    %swap3A_218 = vector.shape_cast %swap3A_217 : vector<128x1xi32> to vector<128xi32>
    %swap3A_219 = vector.shape_cast %reduce_sum3A_214 : vector<128xi32> to vector<128x1xi32>
    tpu.vector_store %arg5[%swap3A_215, %swap3A_216], %swap3A_219 {strides = array<i32>} : memref<128x10xi32, #tpu.memory_space<vmem>>, vector<128x1xi32>,
    %jit3A_220 = arith.constant 3.000000e+38 : f32
    %broadcast_in_dim3A_221 = vector.broadcast %jit3A_220 : f32 to vector<128x128xf32>
    %select_n3A_222 = arith.select %eq3A_204, %broadcast_in_dim3A_221, %select_n3A_191 : vector<128x128xi1>, vector<128x128xf32>
    %reduce_min3A_223 = arith.constant dense<0x7F800000> : vector<128xf32>
    %reduce_min3A_224 = vector.multi_reduction <minimumf>, %select_n3A_222, %reduce_min3A_223 [1] : vector<128x128xf32> to vector<128xf32>
    %broadcast_in_dim3A_225 = vector.shape_cast %reduce_min3A_224 : vector<128xf32> to vector<128x1xf32>
    %eq3A_226 = vector.broadcast %broadcast_in_dim3A_225 : vector<128x1xf32> to vector<128x128xf32>
    %eq3A_227 = arith.cmpf oeq, %select_n3A_222, %eq3A_226 : vector<128x128xf32>
    %jit3A_228 = arith.constant 128 : i32
    %broadcast_in_dim3A_229 = vector.broadcast %jit3A_228 : i32 to vector<128x128xi32>
    %select_n3A_230 = arith.select %eq3A_227, %iota3A, %broadcast_in_dim3A_229 : vector<128x128xi1>, vector<128x128xi32>
    %reduce_min3A_231 = arith.constant dense<2147483647> : vector<128xi32>
    %reduce_min3A_232 = vector.multi_reduction <minsi>, %select_n3A_230, %reduce_min3A_231 [1] : vector<128x128xi32> to vector<128xi32>
    %broadcast_in_dim3A_233 = vector.shape_cast %reduce_min3A_232 : vector<128xi32> to vector<128x1xi32>
    %eq3A_234 = vector.broadcast %broadcast_in_dim3A_233 : vector<128x1xi32> to vector<128x128xi32>
    %eq3A_235 = arith.cmpi eq, %iota3A, %eq3A_234 : vector<128x128xi32>
    %swap3A_236 = arith.constant 0 : index
    %swap3A_237 = arith.constant 7 : index
    %swap3A_238 = vector.load %arg4[%swap3A_236, %swap3A_237] : memref<128x10xf32, #tpu.memory_space<vmem>>, vector<128x1xf32>
    %swap3A_239 = vector.shape_cast %swap3A_238 : vector<128x1xf32> to vector<128xf32>
    %swap3A_240 = vector.shape_cast %reduce_min3A_224 : vector<128xf32> to vector<128x1xf32>
    tpu.vector_store %arg4[%swap3A_236, %swap3A_237], %swap3A_240 {strides = array<i32>} : memref<128x10xf32, #tpu.memory_space<vmem>>, vector<128x1xf32>,
    %jit3A_241 = arith.constant 0 : i32
    %broadcast_in_dim3A_242 = vector.broadcast %jit3A_241 : i32 to vector<128x128xi32>
    %select_n3A_243 = arith.select %eq3A_235, %get3A_10, %broadcast_in_dim3A_242 : vector<128x128xi1>, vector<128x128xi32>
    %reduce_sum3A_244 = arith.constant dense<0> : vector<128xi32>
    %reduce_sum3A_245 = vector.multi_reduction <add>, %select_n3A_243, %reduce_sum3A_244 [1] : vector<128x128xi32> to vector<128xi32>
    %swap3A_246 = arith.constant 0 : index
    %swap3A_247 = arith.constant 7 : index
    %swap3A_248 = vector.load %arg5[%swap3A_246, %swap3A_247] : memref<128x10xi32, #tpu.memory_space<vmem>>, vector<128x1xi32>
    %swap3A_249 = vector.shape_cast %swap3A_248 : vector<128x1xi32> to vector<128xi32>
    %swap3A_250 = vector.shape_cast %reduce_sum3A_245 : vector<128xi32> to vector<128x1xi32>
    tpu.vector_store %arg5[%swap3A_246, %swap3A_247], %swap3A_250 {strides = array<i32>} : memref<128x10xi32, #tpu.memory_space<vmem>>, vector<128x1xi32>,
    %jit3A_251 = arith.constant 3.000000e+38 : f32
    %broadcast_in_dim3A_252 = vector.broadcast %jit3A_251 : f32 to vector<128x128xf32>
    %select_n3A_253 = arith.select %eq3A_235, %broadcast_in_dim3A_252, %select_n3A_222 : vector<128x128xi1>, vector<128x128xf32>
    %reduce_min3A_254 = arith.constant dense<0x7F800000> : vector<128xf32>
    %reduce_min3A_255 = vector.multi_reduction <minimumf>, %select_n3A_253, %reduce_min3A_254 [1] : vector<128x128xf32> to vector<128xf32>
    %broadcast_in_dim3A_256 = vector.shape_cast %reduce_min3A_255 : vector<128xf32> to vector<128x1xf32>
    %eq3A_257 = vector.broadcast %broadcast_in_dim3A_256 : vector<128x1xf32> to vector<128x128xf32>
    %eq3A_258 = arith.cmpf oeq, %select_n3A_253, %eq3A_257 : vector<128x128xf32>
    %jit3A_259 = arith.constant 128 : i32
    %broadcast_in_dim3A_260 = vector.broadcast %jit3A_259 : i32 to vector<128x128xi32>
    %select_n3A_261 = arith.select %eq3A_258, %iota3A, %broadcast_in_dim3A_260 : vector<128x128xi1>, vector<128x128xi32>
    %reduce_min3A_262 = arith.constant dense<2147483647> : vector<128xi32>
    %reduce_min3A_263 = vector.multi_reduction <minsi>, %select_n3A_261, %reduce_min3A_262 [1] : vector<128x128xi32> to vector<128xi32>
    %broadcast_in_dim3A_264 = vector.shape_cast %reduce_min3A_263 : vector<128xi32> to vector<128x1xi32>
    %eq3A_265 = vector.broadcast %broadcast_in_dim3A_264 : vector<128x1xi32> to vector<128x128xi32>
    %eq3A_266 = arith.cmpi eq, %iota3A, %eq3A_265 : vector<128x128xi32>
    %swap3A_267 = arith.constant 0 : index
    %swap3A_268 = arith.constant 8 : index
    %swap3A_269 = vector.load %arg4[%swap3A_267, %swap3A_268] : memref<128x10xf32, #tpu.memory_space<vmem>>, vector<128x1xf32>
    %swap3A_270 = vector.shape_cast %swap3A_269 : vector<128x1xf32> to vector<128xf32>
    %swap3A_271 = vector.shape_cast %reduce_min3A_255 : vector<128xf32> to vector<128x1xf32>
    tpu.vector_store %arg4[%swap3A_267, %swap3A_268], %swap3A_271 {strides = array<i32>} : memref<128x10xf32, #tpu.memory_space<vmem>>, vector<128x1xf32>,
    %jit3A_272 = arith.constant 0 : i32
    %broadcast_in_dim3A_273 = vector.broadcast %jit3A_272 : i32 to vector<128x128xi32>
    %select_n3A_274 = arith.select %eq3A_266, %get3A_10, %broadcast_in_dim3A_273 : vector<128x128xi1>, vector<128x128xi32>
    %reduce_sum3A_275 = arith.constant dense<0> : vector<128xi32>
    %reduce_sum3A_276 = vector.multi_reduction <add>, %select_n3A_274, %reduce_sum3A_275 [1] : vector<128x128xi32> to vector<128xi32>
    %swap3A_277 = arith.constant 0 : index
    %swap3A_278 = arith.constant 8 : index
    %swap3A_279 = vector.load %arg5[%swap3A_277, %swap3A_278] : memref<128x10xi32, #tpu.memory_space<vmem>>, vector<128x1xi32>
    %swap3A_280 = vector.shape_cast %swap3A_279 : vector<128x1xi32> to vector<128xi32>
    %swap3A_281 = vector.shape_cast %reduce_sum3A_276 : vector<128xi32> to vector<128x1xi32>
    tpu.vector_store %arg5[%swap3A_277, %swap3A_278], %swap3A_281 {strides = array<i32>} : memref<128x10xi32, #tpu.memory_space<vmem>>, vector<128x1xi32>,
    %jit3A_282 = arith.constant 3.000000e+38 : f32
    %broadcast_in_dim3A_283 = vector.broadcast %jit3A_282 : f32 to vector<128x128xf32>
    %select_n3A_284 = arith.select %eq3A_266, %broadcast_in_dim3A_283, %select_n3A_253 : vector<128x128xi1>, vector<128x128xf32>
    %reduce_min3A_285 = arith.constant dense<0x7F800000> : vector<128xf32>
    %reduce_min3A_286 = vector.multi_reduction <minimumf>, %select_n3A_284, %reduce_min3A_285 [1] : vector<128x128xf32> to vector<128xf32>
    %broadcast_in_dim3A_287 = vector.shape_cast %reduce_min3A_286 : vector<128xf32> to vector<128x1xf32>
    %eq3A_288 = vector.broadcast %broadcast_in_dim3A_287 : vector<128x1xf32> to vector<128x128xf32>
    %eq3A_289 = arith.cmpf oeq, %select_n3A_284, %eq3A_288 : vector<128x128xf32>
    %jit3A_290 = arith.constant 128 : i32
    %broadcast_in_dim3A_291 = vector.broadcast %jit3A_290 : i32 to vector<128x128xi32>
    %select_n3A_292 = arith.select %eq3A_289, %iota3A, %broadcast_in_dim3A_291 : vector<128x128xi1>, vector<128x128xi32>
    %reduce_min3A_293 = arith.constant dense<2147483647> : vector<128xi32>
    %reduce_min3A_294 = vector.multi_reduction <minsi>, %select_n3A_292, %reduce_min3A_293 [1] : vector<128x128xi32> to vector<128xi32>
    %broadcast_in_dim3A_295 = vector.shape_cast %reduce_min3A_294 : vector<128xi32> to vector<128x1xi32>
    %eq3A_296 = vector.broadcast %broadcast_in_dim3A_295 : vector<128x1xi32> to vector<128x128xi32>
    %eq3A_297 = arith.cmpi eq, %iota3A, %eq3A_296 : vector<128x128xi32>
    %swap3A_298 = arith.constant 0 : index
    %swap3A_299 = arith.constant 9 : index
    %swap3A_300 = vector.load %arg4[%swap3A_298, %swap3A_299] : memref<128x10xf32, #tpu.memory_space<vmem>>, vector<128x1xf32>
    %swap3A_301 = vector.shape_cast %swap3A_300 : vector<128x1xf32> to vector<128xf32>
    %swap3A_302 = vector.shape_cast %reduce_min3A_286 : vector<128xf32> to vector<128x1xf32>
    tpu.vector_store %arg4[%swap3A_298, %swap3A_299], %swap3A_302 {strides = array<i32>} : memref<128x10xf32, #tpu.memory_space<vmem>>, vector<128x1xf32>,
    %jit3A_303 = arith.constant 0 : i32
    %broadcast_in_dim3A_304 = vector.broadcast %jit3A_303 : i32 to vector<128x128xi32>
    %select_n3A_305 = arith.select %eq3A_297, %get3A_10, %broadcast_in_dim3A_304 : vector<128x128xi1>, vector<128x128xi32>
    %reduce_sum3A_306 = arith.constant dense<0> : vector<128xi32>
    %reduce_sum3A_307 = vector.multi_reduction <add>, %select_n3A_305, %reduce_sum3A_306 [1] : vector<128x128xi32> to vector<128xi32>
    %swap3A_308 = arith.constant 0 : index
    %swap3A_309 = arith.constant 9 : index
    %swap3A_310 = vector.load %arg5[%swap3A_308, %swap3A_309] : memref<128x10xi32, #tpu.memory_space<vmem>>, vector<128x1xi32>
    %swap3A_311 = vector.shape_cast %swap3A_310 : vector<128x1xi32> to vector<128xi32>
    %swap3A_312 = vector.shape_cast %reduce_sum3A_307 : vector<128xi32> to vector<128x1xi32>
    tpu.vector_store %arg5[%swap3A_308, %swap3A_309], %swap3A_312 {strides = array<i32>} : memref<128x10xi32, #tpu.memory_space<vmem>>, vector<128x1xi32>,
    return
  }
  func.func @transform_0(%arg0: i32) -> (i32, i32) {
    %c0_i32 = arith.constant 0 : i32
    %c0_i32_0 = arith.constant 0 : i32
    return %arg0, %c0_i32 : i32, i32
  }
  func.func @transform_1(%arg0: i32) -> (i32, i32, i32) {
    %c0_i32 = arith.constant 0 : i32
    %c0_i32_0 = arith.constant 0 : i32
    %c0_i32_1 = arith.constant 0 : i32
    return %arg0, %c0_i32, %c0_i32_0 : i32, i32, i32
  }
  func.func @transform_2(%arg0: i32) -> (i32, i32) {
    %c0_i32 = arith.constant 0 : i32
    %c0_i32_0 = arith.constant 0 : i32
    return %arg0, %c0_i32 : i32, i32
  }
  func.func @transform_3(%arg0: i32) -> (i32, i32) {
    %c0_i32 = arith.constant 0 : i32
    %c0_i32_0 = arith.constant 0 : i32
    return %arg0, %c0_i32 : i32, i32
  }
  func.func @transform_4(%arg0: i32) -> (i32, i32) {
    %c0_i32 = arith.constant 0 : i32
    %c0_i32_0 = arith.constant 0 : i32
    return %arg0, %c0_i32 : i32, i32
  }
}

</mosaic_0001>

<sc_bundles>
// kernel: gather_offload_async_start.1
scs
__scs_entry_jumppad:
0x0: {  	(pc) =	sbr.rel $0x88, $3  }
0x1: {  	(tag) =	ssettag $0x0;
	lr =	simm.s32 $0x1  }
0x2: {  	[smem:$0x3F9E] =	sst lr;
	_ =	strace $0xD0000000  }
0x3: {  	_ = 	snop  }
0x4: {  	_ = 	snop  }
0x5: {  	_ = 	snop  }
0x6: {  	_ = 	snop  }
0x7: {  	_ = 	snop  }
__scs_overlays_trampoline_lowered:
0x8: {  	[smem:$0x3FAD] =	sst s0  }
0x9: {  	[smem:$0x3FAE] =	sst s1  }
0xa: {  	[smem:$0x3FAF] =	sst s2  }
0xb: {  	[smem:$0x3FB0] =	sst s3  }
0xc: {  	[smem:$0x3FB1] =	sst s4  }
0xd: {  	[smem:$0x3FB2] =	sst s5  }
0xe: {  	[smem:$0x3FB3] =	sst s6  }
0xf: {  	[smem:$0x3FB4] =	sst s7  }
0x10: {  	[smem:$0x3FB5] =	sst s8  }
0x11: {  	[smem:$0x3FB6] =	sst s9;
	s0 =	simm.s32 @!p0 $0x0  }
0x12: {  	s1 =	sld [smem:$0x3F9C];
	s0 =	simm.s32 @p0 $0x1  }
0x13: {  	[smem:$0x3FB7] =	sst s0;
	s0 =	simm.s32 @!p1 $0x0  }
0x14: {  	s2 =	sld [smem:$0x3F9B];
	s0 =	simm.s32 @p1 $0x1  }
0x15: {  	[smem:$0x3FB8] =	sst s0;
	s0 =	simm.s32 @!p2 $0x0  }
0x16: {  	s3 =	sld [smem:$0x3FDB];
	s0 =	simm.s32 @p2 $0x1  }
0x17: {  	s4 =	simm.s32 $0x1BF5;
	[smem:$0x3FBA] =	sst s0  }
0x18: {  	s0 =	sld [smem:$0x3F9D];
	_ =	swait.ge [sflag:s4], $0x0  }
0x19: {  	s7 =	sld [smem:$0x3F9E]  }
0x1a: {  	s8 =	sadd.s32 $0xFFFFE003, lr  }
0x1b: {  	s9 =	sadd.s32 $0xFFFFFEF7, lr;
	s5 =	simm.s32 $0xFFFFFFFF;
	p2 =	slt.u32 s8, $0xFFFFF086  }
0x1c: {  	p1 =	slt.u32 s9, $0xF7A;
	s5 =	simm.s32 @!p2 $0x0  }
0x1d: {  	s5 =	simm.s32 @p1 $0x1;
	p0 =	seq.s32 s7, s2  }
0x1e: {  	s7 =	smul.u32 @!p0 $0xF7A, s2;
	p2 =	seq.s32 @!p0 s5, $0x0  }
0x1f: {  	s9 =	smul.u32 $0xF7A, s1;
	s8 =	simm.s32 @!p0 $0x1BF5;
	p2 =	por !p2, p0  }
0x20: {  	[sflag:s8] =	ssyncset.s32 @!p0 $0xFFFFF086;
	s6 =	sadd.s32 @!p0 s3, s7;
	s7 =	simm.s32 @!p0 $0x108  }
0x21: {  	s3 =	sadd.s32 s3, s9;
	s6 =	sadd.s32 @!p0 $0x88, s6;
	s7 =	simm.s32 @p2 $0x1082  }
0x22: {  	[simem:s7], [sflag:s8] =	dma.local @!p0 [hbm:s6], $0xF7A  }
0x23: {  	s9 =	sor.u32 $0xD0000000, s2;
	s6 =	simm.s32 $0x108;
	_ =	swait.ge @!p0 [sflag:s8], $0x0  }
0x24: {  	s3 =	sadd.s32 $0x88, s3;
	s6 =	simm.s32 @!p1 $0x1082;
	[sflag:s4] =	ssyncset.s32 $0xFFFFF086  }
0x25: {  	[simem:s6], [sflag:s4] =	dma.local [hbm:s3], $0xF7A  }
0x26: {  	[smem:$0x3F9E] =	sst s1;
	(tag) =	ssettag s2;
	_ =	strace s9  }
0x27: {  	s1 =	sld [smem:$0x3FAE]  }
0x28: {  	s2 =	sld [smem:$0x3FAF]  }
0x29: {  	s4 =	sld [smem:$0x3FB1]  }
0x2a: {  	p0 =	seq.s32 s5, $0x0;
	s5 =	sld [smem:$0x3FB2]  }
0x2b: {  	s6 =	sld [smem:$0x3FB3]  }
0x2c: {  	s7 =	sld [smem:$0x3FB4]  }
0x2d: {  	s3 =	simm.s32 $0x108;
	s8 =	sld [smem:$0x3FB5]  }
0x2e: {  	s3 =	simm.s32 @!p0 $0x1082;
	s9 =	sld [smem:$0x3FB6]  }
0x2f: {  	lr =	sadd.s32 s0, s3;
	s0 =	sld [smem:$0x3FAD]  }
0x30: {  	s3 =	sld [smem:$0x3FB0]  }
0x31: {  	[smem:$0x3FB9] =	sst s10  }
0x32: {  	s10 =	sld [smem:$0x3FB7];
	_ =	sdelay $0x3  }
0x33: {  	p0 =	seq.s32 s10, $0x1;
	s10 =	sld [smem:$0x3FB9];
	_ =	sdelay $0x3  }
0x34: {  	[smem:$0x3FB9] =	sst s10  }
0x35: {  	s10 =	sld [smem:$0x3FB8];
	_ =	sdelay $0x3  }
0x36: {  	p1 =	seq.s32 s10, $0x1;
	s10 =	sld [smem:$0x3FB9];
	_ =	sdelay $0x3  }
0x37: {  	[smem:$0x3FB9] =	sst s10  }
0x38: {  	s10 =	sld [smem:$0x3FBA]  }
0x39: {  	_ = 	snop;
	(pc) =	sbr.ind lr, $3  }
0x3a: {  	_ = 	snop  }
0x3b: {  	_ = 	snop  }
0x3c: {  	p2 =	seq.s32 s10, $0x1;
	s10 =	sld [smem:$0x3FB9]  }
0x3d: {  	_ =	shalt  }
0x3e: {  	_ =	shalt  }
0x3f: {  	_ =	shalt  }
0x40: {  	_ =	shalt  }
0x41: {  	_ =	shalt  }
0x42: {  	_ =	shalt  }
0x43: {  	_ =	shalt  }
0x44: {  	_ =	shalt  }
0x45: {  	_ =	shalt  }
0x46: {  	_ =	shalt  }
0x47: {  	_ =	shalt  }
0x48: {  	_ =	shalt  }
0x49: {  	_ =	shalt  }
0x4a: {  	_ =	shalt  }
0x4b: {  	_ =	shalt  }
0x4c: {  	_ =	shalt  }
0x4d: {  	_ =	shalt  }
0x4e: {  	_ =	shalt  }
0x4f: {  	_ =	shalt  }
0x50: {  	_ =	shalt  }
0x51: {  	_ =	shalt  }
0x52: {  	_ =	shalt  }
0x53: {  	_ =	shalt  }
0x54: {  	_ =	shalt  }
0x55: {  	_ =	shalt  }
0x56: {  	_ =	shalt  }
0x57: {  	_ =	shalt  }
0x58: {  	_ =	shalt  }
0x59: {  	_ =	shalt  }
0x5a: {  	_ =	shalt  }
0x5b: {  	_ =	shalt  }
0x5c: {  	_ =	shalt  }
0x5d: {  	_ =	shalt  }
0x5e: {  	_ =	shalt  }
0x5f: {  	_ =	shalt  }
0x60: {  	_ =	shalt  }
0x61: {  	_ =	shalt  }
0x62: {  	_ =	shalt  }
0x63: {  	_ =	shalt  }
0x64: {  	_ =	shalt  }
0x65: {  	_ =	shalt  }
0x66: {  	_ =	shalt  }
0x67: {  	_ =	shalt  }
0x68: {  	_ =	shalt  }
0x69: {  	_ =	shalt  }
0x6a: {  	_ =	shalt  }
0x6b: {  	_ =	shalt  }
0x6c: {  	_ =	shalt  }
0x6d: {  	_ =	shalt  }
0x6e: {  	_ =	shalt  }
0x6f: {  	_ =	shalt  }
0x70: {  	_ =	shalt  }
0x71: {  	_ =	shalt  }
0x72: {  	_ =	shalt  }
0x73: {  	_ =	shalt  }
0x74: {  	_ =	shalt  }
0x75: {  	_ =	shalt  }
0x76: {  	_ =	shalt  }
0x77: {  	_ =	shalt  }
0x78: {  	_ =	shalt  }
0x79: {  	_ =	shalt  }
0x7a: {  	_ =	shalt  }
0x7b: {  	_ =	shalt  }
0x7c: {  	_ =	shalt  }
0x7d: {  	_ =	shalt  }
0x7e: {  	_ =	shalt  }
0x7f: {  	_ =	shalt  }
0x80: {  	_ =	shalt  }
0x81: {  	_ =	shalt  }
0x82: {  	_ =	shalt  }
0x83: {  	_ =	shalt  }
0x84: {  	_ =	shalt  }
0x85: {  	_ =	shalt  }
0x86: {  	_ =	shalt  }
0x87: {  	_ =	shalt  }
.Lfunc_end0:
.L_simem_size_0:
called_computation.3_lowered:
.L_overlay_start_0:
0x88: {  	s2 =	sld [smem:$0x3FD9]  }
0x89: {  	s3 =	sld [smem:$0x3FFE];
	_ =	sdelay $0x1  }
0x8a: {  	s1 =	srdreg.scid  }
0x8b: {  	s0 =	sand.u32 $0x1, s1  }
0x8c: {  	s17 =	sshll.u32 s0, $0xA;
	s2 =	sadd.s32 s3, s2  }
0x8d: {  	s2 =	sadd.s32 s2, s17  }
0x8e: {  	[smem:$0x3FC5] =	sst s2  }
0x8f: {  	_ = 	snop  }
0x90: {  	(tm) =	ssettm $0x1  }
0x91: {  	s18 =	sld [smem:$0x3FFB];
	_ =	sdelay $0x3  }
0x92: {  	_ =	strace s18  }
0x93: {  	s2 =	sld [smem:$0x3FFC];
	_ =	sdelay $0x3  }
0x94: {  	_ =	strace s2  }
0x95: {  	s2 =	sld [smem:$0x3FFD];
	_ =	sdelay $0x3  }
0x96: {  	_ =	strace s2  }
0x97: {  	_ =	strace $0x8FFFFFFF  }
0x98: {  	s19 =	sld [smem:$0x3FDB];
	_ =	sdelay $0x1  }
0x99: {  	s20 =	simm.s32 $_scs_section_size  }
0x9a: {  	s4 =	simm.s32 $_size__tile_overlayer_lowered;
	s5 =	simm.s32 $_tile_overlayer_lowered  }
0x9b: {  	s6 =	simm.s32 $0x1BFF;
	s21 =	sshll.u32 s5, $0x1;
	s3 =	sadd.s32 s20, s19  }
0x9c: {  	s22 =	simm.s32 $0x0;
	s4 =	sshll.u32 s4, $0x1;
	s5 =	sadd.s32 s21, s3  }
0x9d: {  	[timem:s22], [sflag:s6] =	dma.local [hbm:s5], s4  }
0x9e: {  	_ =	swait.ge [sflag:s6], s4  }
0x9f: {  	s4 =	ssub.s32 $0x0, s4;
	[sflag:s6] =	ssyncset.done $0x0  }
0xa0: {  	[sflag:s6] =	ssyncadd.s32 s4;
	_ =	sdelay $0x1  }
0xa1: {  	s23 =	simm.s32 $0x1B8B  }
0xa2: {  	_ =	swait.ge [sflag:s23], $0x1  }
0xa3: {  	[sflag:s23] =	ssyncset.done $0x0  }
0xa4: {  	[sflag:s23] =	ssyncadd.s32 $0xFFFFFFFF  }
0xa5: {  	s4 =	sld [smem:$0x0]  }
0xa6: {  	s5 =	sand.u32 $0xFFFFFFFE, s1  }
0xa7: {  	p0 =	sne.s32 s1, s5  }
0xa8: {  	s5 =	sshll.u32 @p0 s5, $0xE  }
0xa9: {  	s5 =	sadd.s32 @p0 $0x11B8D, s5;
	s6 =	sshll.u32 @p0 s4, $0x11  }
0xaa: {  	s5 =	sor.u32 @p0 s6, s5  }
0xab: {  	[sflag:s5] =	ssyncadd.remote.s32 @p0 $0x1;
	_ =	sdelay $0x1  }
0xac: {  	s5 =	simm.s32 @p0 $0x1B8D  }
0xad: {  	_ =	swait.eq @p0 [sflag:s5], $0x1  }
0xae: {  	[sflag:s5] =	ssyncadd.s32 @p0 $0xFFFFFFFF  }
0xaf: {  	s6 =	sshll.u32 @!p0 s1, $0xE  }
0xb0: {  	s6 =	sor.u32 @!p0 $0x4000, s6;
	s5 =	simm.s32 @!p0 $0x1B8D  }
0xb1: {  	s4 =	sshll.u32 @!p0 s4, $0x11;
	s6 =	sadd.s32 @!p0 $0x11B8D, s6;
	_ =	swait.eq @!p0 [sflag:s5], $0x1  }
0xb2: {  	s4 =	sor.u32 @!p0 s4, s6;
	[sflag:s5] =	ssyncadd.s32 @!p0 $0xFFFFFFFF  }
0xb3: {  	s25 =	simm.s32 $0x1B8E;
	s24 =	sld [smem:$0x3FFE];
	[sflag:s4] =	ssyncadd.remote.s32 @!p0 $0x1  }
0xb4: {  	s26 =	simm.s32 $execute0_lowered;
	[smem:$0x3FD2] =	sst s25  }
0xb5: {  	s5 =	sshll.u32 s26, $0x1;
	_ =	strace $0x80000052;
	[dreg:$0x1] =	wrdreg $0xFFFFFFFF  }
0xb6: {  	s28 =	simm.s32 $_size_execute0_lowered;
	s3 =	sadd.s32 s3, s5;
	[dreg:$0x0] =	wrdreg $0x0  }
0xb7: {  	s5 =	sshll.u32 s28, $0x1;
	[dreg:$0x2] =	wrdreg s3  }
0xb8: {  	[dreg:$0x3] =	wrdreg s5  }
0xb9: {  	[dreg:$0x4] =	wrdreg $0xC0  }
0xba: {  	_ =	task [dreg:s22], $0x5FFFF  }
0xbb: {  	[dreg:$0x1] =	wrdreg $0xFFFFFFFF  }
0xbc: {  	[dreg:$0x0] =	wrdreg $0x60  }
0xbd: {  	[dreg:$0x2] =	wrdreg s24  }
0xbe: {  	[dreg:$0x3] =	wrdreg $0x9  }
0xbf: {  	_ =	task.clear_ibuf [dreg:s22], $0x4FFFF;
	_ =	strace $0x90000052  }
0xc0: {  	s29 =	simm.s32 $0x9;
	_ =	strace $0x80000054  }
0xc1: {  	_ =	swait.ge [sflag:s29], $0x1  }
0xc2: {  	[sflag:s29] =	ssyncadd.s32 $0xFFFFFFFF  }
0xc3: {  	_ =	strace $0x90000054  }
0xc4: {  	_ =	sfence  }
0xc5: {  	s30 =	sld [smem:$0x0];
	_ =	sdelay $0x2  }
0xc6: {  	s31 =	sshll.u32 s1, $0xD;
	s1 =	sshrl.u32 s1, $0x2  }
0xc7: {  	s4 =	sand.u32 $0x4000, s31;
	s1 =	sadd.s32 s1, s30  }
0xc8: {  	s0 =	sor.u32 s4, s0;
	s1 =	sshll.u32 s1, $0x11  }
0xc9: {  	s0 =	sor.u32 s1, s0  }
0xca: {  	s0 =	sadd.s32 $0x8F2B, s0  }
0xcb: {  	[sflag:s0] =	ssyncadd.remote.s32 $0x1  }
0xcc: {  	_ =	sfence.sel $0xFFFF  }
0xcd: {  	[dreg:$0x0] =	wrdreg $0xFFFFFFFF;
	(pc) =	sbr.abs _section_cstart, $3  }
0xce: {  	[dreg:$0x1] =	wrdreg $0xFFFFFFFF  }
0xcf: {  	_ =	task.clear_ibuf [dreg:s22], $0x2FFFF;
	_ =	strace $0x9FFFFFFF  }
0xd0: {  	(tm) =	ssettm $0x7FFFFFFF  }
0xd1: {  	_ =	shalt  }
tec
execute0_lowered:
.L_overlay_start_1:
0x0: {  	(tag) =	ssettag $0x1  }
0x1: {  	s0 =	srdreg.scid  }
0x2: {  	s9 =	rddreg [dreg:$0x0];
	s1 =	stileid.u32  }
0x3: {  	s5 =	simm.s32 $0x1;
	s6 =	simm.s32 $0x2;
	s10 =	simm.s32 $0x3  }
0x4: {  	s14 =	simm.s32 $0x0;
	s13 =	simm.s32 $0x0;
	s2 =	sshll.u32 s0, $0xB  }
0x5: {  	s0 =	rddreg [dreg:$0x1];
	s3 =	sshll.u32 s1, $0xC;
	s4 =	sand.u32 $0x800, s2  }
0x6: {  	_ =	strace $0x80000053;
	s2 =	sadd.s32 $0x390C00, s9;
	s3 =	sor.u32 s3, s4  }
0x7: {  	[sflag:s5] =	ssyncpa.u1 $0x0;
	s4 =	sadd.s32 $0x990C00, s9;
	s7 =	ssub.s32 $0x20000, s3  }
.Ltmp0:
0x8: {  	[sflag:s6] =	ssyncpa.u1 $0x0;
	s8 =	sand.u32 $0xF800, s7;
	(pc) =	sbr.rel .LBB2_1-.Ltmp0, $4  }
0x9: {  	[sflag:s10] =	ssyncpa.u1 $0x0;
	p0 =	sne.s32 s8, $0x0;
	s8 =	simm.s32 $0x1  }
0xa: {  	s12 =	smov.u32 s3;
	s11 =	sshrl.u32 s7, $0x10;
	s8 =	simm.s32 @!p0 $0x0  }
0xb: {  	s7 =	sadd.s32 $0x5D0C00, s9;
	s9 =	sadd.s32 $0x5F0C00, s9;
	s8 =	sadd.s32 s8, s11  }
0xc: {  	vm0 =	vmmov $0xffff;
	v0 =	vlaneseq.u32;
	p0 =	por $0x0, $0x0;
	s11 =	simm.s32 $0x0;
	s10 =	sadd.s32 $0x1, s8  }
.LBB2_4:
0xd: {  	_ =	sdelay $0x1  }
0xe: {  	(ifvalue) =	ssetifvalue $0x7FFFFFFF  }
0xf: {  	s17 =	sshll.u32 s14, $0x3;
	(ifvalue) =	ssetifvalue $0x7FFFFFFF  }
0x10: {  	[tilespmem:s23], [sflag:$0x1] =	stream.indirect_vreg.gather [hbm4b:s2+s11], $0x1, v1, vm0, $0x4038;
	[tilespmem:$0x11000] =	vst v63  }
0x11: {  	s30 =	sand.u32 $0x78, s14;
	s17 =	sand.u32 $0xFFFFFC00, s17  }
0x12: {  	_ =	swait.ge [sflag:s5], $0x8000;
	s14 =	sor.u32 s30, s17  }
0x13: {  	[sflag:s5] =	ssyncset.done $0x0;
	s14 =	sshrl.u32 s14, $0x3  }
0x14: {  	[sflag:s5] =	ssyncadd.s32 $0xFFFF8000;
	s31 =	sadd.s32 s7, s14  }
0x15: {  	[hbm:s31] =	stream.linear.scatter [tilespmem:s16], [sflag:$0x3], $0x4000, $0x38;
	[tilespmem:$0x11000] =	vst v63  }
0x16: {  	s15 =	sadd.s32 $0x5000, s15;
	s14 =	sadd.s32 s14, s9  }
0x17: {  	[hbm:s14] =	stream.linear.scatter [tilespmem:s15], [sflag:$0x3], $0x4000, $0x38;
	[tilespmem:$0x11000] =	vst v63  }
.LBB2_5:
0x18: {  	s16 =	sadd.s32 $0x10000, s12  }
0x19: {  	p2 =	sgt.s32 s16, $0x1FFFF  }
0x1a: {  	s16 =	smov.u32 @p2 s3;
	p2 =	sne.s32 s13, s10  }
.Ltmp1:
0x1b: {  	p1 =	slt.u32 s13, $0x2;
	(pc) =	sbr.rel @!p2 .LBB2_6-.Ltmp1, $4  }
0x1c: {  	s15 =	simm.s32 @!p1 $0x3  }
0x1d: {  	s17 =	sadd.s32 $0x1, s13;
	_ =	swait.ge @!p1 [sflag:s15], $0x8000  }
0x1e: {  	s14 =	smov.u32 s12;
	p0 =	por !p0, !p0;
	[sflag:s15] =	ssyncset.done @!p1 $0x0  }
0x1f: {  	s13 =	smov.u32 s17;
	s12 =	smov.u32 s16;
	[sflag:s15] =	ssyncadd.s32 @!p1 $0xFFFF8000  }
.LBB2_1:
0x20: {  	p1 =	sge.u32 s13, s8  }
0x21: {  	s15 =	sxor.u32 @!p1 $0xFFFFFFFF, s13  }
0x22: {  	s31 =	sadd.s32 $0xFFFFFFFF, s13;
	s16 =	sshrl.u32 @!p1 s12, $0x3;
	s15 =	sshll.u32 @!p1 s15, $0xB  }
0x23: {  	s17 =	sand.u32 @!p1 $0x7, s12;
	s16 =	sadd.s32 @!p1 s4, s16;
	s15 =	sand.u32 @!p1 $0x800, s15  }
0x24: {  	[tilespmem:s15], [sflag:$0x2] =	stream.linear.gather @!p1 [hbm4b:s16+s17], $0x800, $0x38;
	[tilespmem:$0x11000] =	vst v63  }
0x25: {  	p1 =	sge.u32 s31, s8  }
.Ltmp2:
0x26: {  	_ = 	snop;
	(pc) =	sbr.rel @p1 .LBB2_5-.Ltmp2, $1  }
0x27: {  	_ =	sdelay $0x3  }
0x28: {  	s15 =	simm.s32 $0x1;
	_ =	swait.ge [sflag:s6], $0x800  }
0x29: {  	s15 =	simm.s32 @!p0 $0x0;
	[sflag:s6] =	ssyncset.done $0x0  }
0x2a: {  	s19 =	sshll.u32 s15, $0xB;
	[sflag:s6] =	ssyncadd.s32 $0xFFFFF800  }
0x2b: {  	v1 =	vld.msk [tilespmem:s19+$0x0 ss:$0x1], $0xffff;
	_ =	sdelay $0x3  }
0x2c: {  	s20 =	ssub.s32 $0x20000, s14  }
0x2d: {  	p1 =	slt.s32 s20, $0x800;
	v2 =	vshrl.u32 v1, $0xA  }
0x2e: {  	s20 =	simm.s32 @!p1 $0x800;
	vm1 =	veq.s32 v1, $0x80000000;
	v2 =	vand.u32 $0x3FF, v2  }
0x2f: {  	p1 =	sgt.s32 s20, $0x0;
	s15 =	smov.u32 s20;
	v1 =	vshll.u32 v1, $0xE;
	v2 =	vsel vm1, $0xFFFFFFFF, v2  }
0x30: {  	s15 =	simm.s32 @!p1 $0x0;
	v1 =	vand.u32 $0xFFC000, v1;
	v3 =	vshll.u32 v2, $0x3  }
0x31: {  	s15 =	smin.u32 s15, $0x10;
	v1 =	vsel vm1, $0xFFFFC000, v1;
	v3 =	vand.u32 $0xFFFFFC00, v3  }
0x32: {  	v4 =	vmov s15;
	v2 =	vand.u32 $0x7F, v2;
	v1 =	vadd.s32 v1, v3  }
0x33: {  	vm1 =	vgt.u32 v4, v0;
	v1 =	vor.u32 v2, v1  }
0x34: {  	s26 =	sshll.u32 s13, $0xF;
	v2 =	vnsel vm1, $0x7FFFFFFF, v1  }
0x35: {  	s18 =	simm.s32 $0x0;
	s15 =	sand.u32 $0x8000, s26  }
0x36: {  	s17 =	simm.s32 $0x0;
	s18 =	sand.u32 $0x3C00, s18;
	s16 =	sor.u32 $0x1000, s15;
	v3 =	vor.u32 $0x80, v1  }
0x37: {  	s21 =	sand.u32 $0x70, s17;
	(ifvalue) =	ssetifvalue $0x7FFFFFFF;
	s18 =	sadd.s32 s18, s16;
	v3 =	vnsel vm1, $0x7FFFFFFF, v3  }
0x38: {  	(ifvalue) =	ssetifvalue $0x7FFFFFFF;
	s21 =	sadd.s32 s21, s18  }
0x39: {  	v51 =	vor.u32 $0x100, v1;
	[tilespmem:s21], [sflag:$0x1] =	stream.indirect_vreg.gather [hbm4b:s2+s11], $0x1, v2, vm0, $0x4038;
	[tilespmem:$0x11000] =	vst v63  }
0x3a: {  	v2 =	vnsel vm1, $0x7FFFFFFF, v51;
	(ifvalue) =	ssetifvalue $0x7FFFFFFF  }
0x3b: {  	s18 =	sadd.s32 $0x80, s21;
	(ifvalue) =	ssetifvalue $0x7FFFFFFF  }
0x3c: {  	v52 =	vor.u32 $0x180, v1;
	[tilespmem:s18], [sflag:$0x1] =	stream.indirect_vreg.gather [hbm4b:s2+s11], $0x1, v3, vm0, $0x4038;
	[tilespmem:$0x11000] =	vst v63  }
0x3d: {  	v3 =	vnsel vm1, $0x7FFFFFFF, v52;
	(ifvalue) =	ssetifvalue $0x7FFFFFFF  }
0x3e: {  	s28 =	sadd.s32 $0x100, s21;
	(ifvalue) =	ssetifvalue $0x7FFFFFFF  }
0x3f: {  	v53 =	vor.u32 $0x200, v1;
	[tilespmem:s28], [sflag:$0x1] =	stream.indirect_vreg.gather [hbm4b:s2+s11], $0x1, v2, vm0, $0x4038;
	[tilespmem:$0x11000] =	vst v63  }
0x40: {  	v2 =	vnsel vm1, $0x7FFFFFFF, v53;
	(ifvalue) =	ssetifvalue $0x7FFFFFFF  }
0x41: {  	s29 =	sadd.s32 $0x180, s21;
	(ifvalue) =	ssetifvalue $0x7FFFFFFF  }
0x42: {  	v54 =	vor.u32 $0x280, v1;
	[tilespmem:s29], [sflag:$0x1] =	stream.indirect_vreg.gather [hbm4b:s2+s11], $0x1, v3, vm0, $0x4038;
	[tilespmem:$0x11000] =	vst v63  }
0x43: {  	v3 =	vnsel vm1, $0x7FFFFFFF, v54;
	(ifvalue) =	ssetifvalue $0x7FFFFFFF  }
0x44: {  	s30 =	sadd.s32 $0x200, s21;
	(ifvalue) =	ssetifvalue $0x7FFFFFFF  }
0x45: {  	v55 =	vor.u32 $0x300, v1;
	[tilespmem:s30], [sflag:$0x1] =	stream.indirect_vreg.gather [hbm4b:s2+s11], $0x1, v2, vm0, $0x4038;
	[tilespmem:$0x11000] =	vst v63  }
0x46: {  	v2 =	vnsel vm1, $0x7FFFFFFF, v55;
	(ifvalue) =	ssetifvalue $0x7FFFFFFF  }
0x47: {  	s31 =	sand.u32 $0x7, s17;
	s22 =	sadd.s32 $0x280, s21;
	(ifvalue) =	ssetifvalue $0x7FFFFFFF  }
0x48: {  	v56 =	vor.u32 $0x380, v1;
	[tilespmem:s22], [sflag:$0x1] =	stream.indirect_vreg.gather [hbm4b:s2+s11], $0x1, v3, vm0, $0x4038;
	[tilespmem:$0x11000] =	vst v63  }
0x49: {  	s18 =	sshll.u32 s31, $0x4;
	v3 =	vnsel vm1, $0x7FFFFFFF, v56;
	(ifvalue) =	ssetifvalue $0x7FFFFFFF  }
0x4a: {  	s23 =	sadd.s32 $0x300, s21;
	s18 =	sadd.s32 $0x0, s18;
	(ifvalue) =	ssetifvalue $0x7FFFFFFF  }
0x4b: {  	v57 =	vadd.s32 $0x2000, v1;
	[tilespmem:s23], [sflag:$0x1] =	stream.indirect_vreg.gather [hbm4b:s2+s11], $0x1, v2, vm0, $0x4038;
	[tilespmem:$0x11000] =	vst v63  }
0x4c: {  	s18 =	sor.u32 $0x380, s18;
	v2 =	vnsel vm1, $0x7FFFFFFF, v57;
	(ifvalue) =	ssetifvalue $0x7FFFFFFF  }
0x4d: {  	s18 =	sadd.s32 s18, s16;
	(ifvalue) =	ssetifvalue $0x7FFFFFFF  }
0x4e: {  	v58 =	vadd.s32 $0x2080, v1;
	[tilespmem:s18], [sflag:$0x1] =	stream.indirect_vreg.gather [hbm4b:s2+s11], $0x1, v3, vm0, $0x4038;
	[tilespmem:$0x11000] =	vst v63  }
0x4f: {  	v3 =	vnsel vm1, $0x7FFFFFFF, v58;
	(ifvalue) =	ssetifvalue $0x7FFFFFFF  }
0x50: {  	s24 =	sadd.s32 $0x4000, s21;
	(ifvalue) =	ssetifvalue $0x7FFFFFFF  }
0x51: {  	v59 =	vadd.s32 $0x2100, v1;
	[tilespmem:s24], [sflag:$0x1] =	stream.indirect_vreg.gather [hbm4b:s2+s11], $0x1, v2, vm0, $0x4038;
	[tilespmem:$0x11000] =	vst v63  }
0x52: {  	v2 =	vnsel vm1, $0x7FFFFFFF, v59;
	(ifvalue) =	ssetifvalue $0x7FFFFFFF  }
0x53: {  	s25 =	sadd.s32 $0x4080, s21;
	(ifvalue) =	ssetifvalue $0x7FFFFFFF  }
0x54: {  	v60 =	vadd.s32 $0x2180, v1;
	[tilespmem:s25], [sflag:$0x1] =	stream.indirect_vreg.gather [hbm4b:s2+s11], $0x1, v3, vm0, $0x4038;
	[tilespmem:$0x11000] =	vst v63  }
0x55: {  	v3 =	vnsel vm1, $0x7FFFFFFF, v60;
	(ifvalue) =	ssetifvalue $0x7FFFFFFF  }
0x56: {  	s26 =	sadd.s32 $0x4100, s21;
	(ifvalue) =	ssetifvalue $0x7FFFFFFF  }
0x57: {  	v61 =	vadd.s32 $0x2200, v1;
	[tilespmem:s26], [sflag:$0x1] =	stream.indirect_vreg.gather [hbm4b:s2+s11], $0x1, v2, vm0, $0x4038;
	[tilespmem:$0x11000] =	vst v63  }
0x58: {  	v2 =	vnsel vm1, $0x7FFFFFFF, v61;
	(ifvalue) =	ssetifvalue $0x7FFFFFFF  }
0x59: {  	s28 =	sadd.s32 $0x4180, s21;
	(ifvalue) =	ssetifvalue $0x7FFFFFFF  }
0x5a: {  	v62 =	vadd.s32 $0x2280, v1;
	[tilespmem:s28], [sflag:$0x1] =	stream.indirect_vreg.gather [hbm4b:s2+s11], $0x1, v3, vm0, $0x4038;
	[tilespmem:$0x11000] =	vst v63  }
0x5b: {  	v3 =	vnsel vm1, $0x7FFFFFFF, v62;
	(ifvalue) =	ssetifvalue $0x7FFFFFFF  }
0x5c: {  	s29 =	sadd.s32 $0x4200, s21;
	(ifvalue) =	ssetifvalue $0x7FFFFFFF  }
0x5d: {  	v63 =	vadd.s32 $0x2300, v1;
	[tilespmem:s29], [sflag:$0x1] =	stream.indirect_vreg.gather [hbm4b:s2+s11], $0x1, v2, vm0, $0x4038;
	[tilespmem:$0x11000] =	vst v63  }
0x5e: {  	s19 =	sadd.s32 $0x10, s19;
	s20 =	sadd.s32 $0xFFFFFFF0, s20;
	v2 =	vnsel vm1, $0x7FFFFFFF, v63;
	(ifvalue) =	ssetifvalue $0x7FFFFFFF  }
0x5f: {  	s31 =	sadd.s32 $0x4300, s21;
	s30 =	sadd.s32 $0x4280, s21;
	(ifvalue) =	ssetifvalue $0x7FFFFFFF  }
0x60: {  	[tilespmem:s30], [sflag:$0x1] =	stream.indirect_vreg.gather [hbm4b:s2+s11], $0x1, v3, vm0, $0x4038;
	[tilespmem:$0x11000] =	vst v63  }
0x61: {  	v1 =	vadd.s32 $0x2380, v1;
	s22 =	simm.s32 $0x0;
	s23 =	sadd.s32 $0x4380, s21;
	(ifvalue) =	ssetifvalue $0x7FFFFFFF  }
0x62: {  	v1 =	vnsel vm1, $0x7FFFFFFF, v1;
	s21 =	simm.s32 $0xFFFFC080;
	s18 =	simm.s32 $0x10;
	(ifvalue) =	ssetifvalue $0x7FFFFFFF  }
0x63: {  	[tilespmem:s31], [sflag:$0x1] =	stream.indirect_vreg.gather [hbm4b:s2+s11], $0x1, v2, vm0, $0x4038;
	[tilespmem:$0x11000] =	vst v63  }
.LBB2_3:
0x64: {  	(ifvalue) =	ssetifvalue $0x7FFFFFFF  }
0x65: {  	s17 =	sadd.s32 $0x80, s17;
	s22 =	sadd.s32 $0x1, s22;
	s24 =	smov.u32 s18  }
0x66: {  	p1 =	sne.s32 s18, $0x7F0;
	s18 =	sadd.s32 $0x10, s18;
	(ifvalue) =	ssetifvalue $0x7FFFFFFF  }
0x67: {  	[tilespmem:s23], [sflag:$0x1] =	stream.indirect_vreg.gather [hbm4b:s2+s11], $0x1, v1, vm0, $0x4038;
	[tilespmem:$0x11000] =	vst v63  }
0x68: {  	v1 =	vld.msk [tilespmem:s19+$0x0 ss:$0x1], $0xffff;
	_ =	sdelay $0x5  }
0x69: {  	p2 =	sgt.s32 s20, $0x0;
	s23 =	smov.u32 s20;
	v2 =	vshrl.u32 v1, $0xA;
	v3 =	vshll.u32 v1, $0xE  }
0x6a: {  	s23 =	simm.s32 @!p2 $0x0;
	vm1 =	veq.s32 v1, $0x80000000;
	v1 =	vand.u32 $0x3FF, v2;
	v2 =	vand.u32 $0xFFC000, v3  }
0x6b: {  	s23 =	smin.u32 s23, $0x10;
	v1 =	vsel vm1, $0xFFFFFFFF, v1;
	v2 =	vsel vm1, $0xFFFFC000, v2  }
0x6c: {  	v4 =	vmov s23;
	v3 =	vand.u32 $0x7F, v1;
	v1 =	vshll.u32 v1, $0x3  }
0x6d: {  	vm1 =	vgt.u32 v4, v0;
	v1 =	vand.u32 $0xFFFFFC00, v1  }
0x6e: {  	v1 =	vadd.s32 v2, v1  }
0x6f: {  	s23 =	sadd.s32 $0x4000, s21;
	v1 =	vor.u32 v3, v1  }
0x70: {  	s23 =	sand.u32 $0x3C00, s23;
	v2 =	vnsel vm1, $0x7FFFFFFF, v1;
	v3 =	vor.u32 $0x80, v1;
	v4 =	vor.u32 $0x100, v1  }
0x71: {  	s24 =	sand.u32 $0x70, s24;
	s23 =	sadd.s32 s23, s16;
	v5 =	vor.u32 $0x180, v1;
	v3 =	vnsel vm1, $0x7FFFFFFF, v3;
	v4 =	vnsel vm1, $0x7FFFFFFF, v4;
	(ifvalue) =	ssetifvalue $0x7FFFFFFF  }
0x72: {  	s23 =	sadd.s32 s24, s23;
	v6 =	vor.u32 $0x200, v1;
	v7 =	vor.u32 $0x280, v1;
	v5 =	vnsel vm1, $0x7FFFFFFF, v5;
	(ifvalue) =	ssetifvalue $0x7FFFFFFF  }
0x73: {  	v8 =	vor.u32 $0x300, v1;
	v6 =	vnsel vm1, $0x7FFFFFFF, v6;
	v7 =	vnsel vm1, $0x7FFFFFFF, v7  }
0x74: {  	v9 =	vor.u32 $0x380, v1;
	v10 =	vadd.s32 $0x2000, v1;
	v8 =	vnsel vm1, $0x7FFFFFFF, v8  }
0x75: {  	[tilespmem:s23], [sflag:$0x1] =	stream.indirect_vreg.gather [hbm4b:s2+s11], $0x1, v2, vm0, $0x4038;
	v2 =	vnsel vm1, $0x7FFFFFFF, v9;
	v9 =	vnsel vm1, $0x7FFFFFFF, v10;
	v10 =	vadd.s32 $0x2080, v1;
	[tilespmem:$0x11000] =	vst v63  }
0x76: {  	v11 =	vadd.s32 $0x2100, v1;
	v12 =	vadd.s32 $0x2180, v1;
	(ifvalue) =	ssetifvalue $0x7FFFFFFF;
	v10 =	vnsel vm1, $0x7FFFFFFF, v10  }
0x77: {  	s24 =	sadd.s32 $0x80, s23;
	v13 =	vadd.s32 $0x2200, v1;
	v11 =	vnsel vm1, $0x7FFFFFFF, v11;
	v12 =	vnsel vm1, $0x7FFFFFFF, v12;
	(ifvalue) =	ssetifvalue $0x7FFFFFFF  }
0x78: {  	v14 =	vadd.s32 $0x2300, v1;
	[tilespmem:s24], [sflag:$0x1] =	stream.indirect_vreg.gather [hbm4b:s2+s11], $0x1, v3, vm0, $0x4038;
	v3 =	vnsel vm1, $0x7FFFFFFF, v13;
	v13 =	vadd.s32 $0x2280, v1;
	[tilespmem:$0x11000] =	vst v63  }
0x79: {  	v14 =	vnsel vm1, $0x7FFFFFFF, v14;
	v1 =	vadd.s32 $0x2380, v1;
	(ifvalue) =	ssetifvalue $0x7FFFFFFF;
	v13 =	vnsel vm1, $0x7FFFFFFF, v13  }
0x7a: {  	s24 =	sadd.s32 $0x100, s23;
	v1 =	vnsel vm1, $0x7FFFFFFF, v1;
	(ifvalue) =	ssetifvalue $0x7FFFFFFF  }
0x7b: {  	[tilespmem:s24], [sflag:$0x1] =	stream.indirect_vreg.gather [hbm4b:s2+s11], $0x1, v4, vm0, $0x4038;
	[tilespmem:$0x11000] =	vst v63  }
0x7c: {  	(ifvalue) =	ssetifvalue $0x7FFFFFFF  }
0x7d: {  	s24 =	sadd.s32 $0x180, s23;
	(ifvalue) =	ssetifvalue $0x7FFFFFFF  }
0x7e: {  	[tilespmem:s24], [sflag:$0x1] =	stream.indirect_vreg.gather [hbm4b:s2+s11], $0x1, v5, vm0, $0x4038;
	[tilespmem:$0x11000] =	vst v63  }
0x7f: {  	(ifvalue) =	ssetifvalue $0x7FFFFFFF  }
0x80: {  	s24 =	sadd.s32 $0x200, s23;
	(ifvalue) =	ssetifvalue $0x7FFFFFFF  }
0x81: {  	[tilespmem:s24], [sflag:$0x1] =	stream.indirect_vreg.gather [hbm4b:s2+s11], $0x1, v6, vm0, $0x4038;
	[tilespmem:$0x11000] =	vst v63  }
0x82: {  	(ifvalue) =	ssetifvalue $0x7FFFFFFF  }
0x83: {  	s25 =	sadd.s32 $0x280, s23;
	s24 =	sand.u32 $0x7, s22;
	(ifvalue) =	ssetifvalue $0x7FFFFFFF  }
0x84: {  	[tilespmem:s25], [sflag:$0x1] =	stream.indirect_vreg.gather [hbm4b:s2+s11], $0x1, v7, vm0, $0x4038;
	[tilespmem:$0x11000] =	vst v63  }
0x85: {  	s24 =	sshll.u32 s24, $0x4;
	(ifvalue) =	ssetifvalue $0x7FFFFFFF  }
0x86: {  	s24 =	sadd.s32 s24, s17;
	s25 =	sadd.s32 $0x300, s23;
	(ifvalue) =	ssetifvalue $0x7FFFFFFF  }
0x87: {  	[tilespmem:s25], [sflag:$0x1] =	stream.indirect_vreg.gather [hbm4b:s2+s11], $0x1, v8, vm0, $0x4038;
	[tilespmem:$0x11000] =	vst v63  }
0x88: {  	s24 =	sor.u32 $0x380, s24;
	(ifvalue) =	ssetifvalue $0x7FFFFFFF  }
0x89: {  	s24 =	sadd.s32 s24, s16;
	(ifvalue) =	ssetifvalue $0x7FFFFFFF  }
0x8a: {  	[tilespmem:s24], [sflag:$0x1] =	stream.indirect_vreg.gather [hbm4b:s2+s11], $0x1, v2, vm0, $0x4038;
	[tilespmem:$0x11000] =	vst v63  }
0x8b: {  	(ifvalue) =	ssetifvalue $0x7FFFFFFF  }
0x8c: {  	s24 =	sadd.s32 $0x4000, s23;
	(ifvalue) =	ssetifvalue $0x7FFFFFFF  }
0x8d: {  	[tilespmem:s24], [sflag:$0x1] =	stream.indirect_vreg.gather [hbm4b:s2+s11], $0x1, v9, vm0, $0x4038;
	[tilespmem:$0x11000] =	vst v63  }
0x8e: {  	(ifvalue) =	ssetifvalue $0x7FFFFFFF  }
0x8f: {  	s25 =	sadd.s32 $0x4100, s23;
	s24 =	sadd.s32 $0x4080, s23;
	(ifvalue) =	ssetifvalue $0x7FFFFFFF  }
0x90: {  	[tilespmem:s24], [sflag:$0x1] =	stream.indirect_vreg.gather [hbm4b:s2+s11], $0x1, v10, vm0, $0x4038;
	[tilespmem:$0x11000] =	vst v63  }
0x91: {  	(ifvalue) =	ssetifvalue $0x7FFFFFFF  }
0x92: {  	(ifvalue) =	ssetifvalue $0x7FFFFFFF  }
0x93: {  	[tilespmem:s25], [sflag:$0x1] =	stream.indirect_vreg.gather [hbm4b:s2+s11], $0x1, v11, vm0, $0x4038;
	[tilespmem:$0x11000] =	vst v63  }
0x94: {  	(ifvalue) =	ssetifvalue $0x7FFFFFFF  }
0x95: {  	s24 =	sadd.s32 $0x4180, s23;
	s25 =	sadd.s32 $0x4200, s23;
	(ifvalue) =	ssetifvalue $0x7FFFFFFF  }
0x96: {  	[tilespmem:s24], [sflag:$0x1] =	stream.indirect_vreg.gather [hbm4b:s2+s11], $0x1, v12, vm0, $0x4038;
	[tilespmem:$0x11000] =	vst v63  }
0x97: {  	(ifvalue) =	ssetifvalue $0x7FFFFFFF  }
0x98: {  	s24 =	sadd.s32 $0x4280, s23;
	(ifvalue) =	ssetifvalue $0x7FFFFFFF  }
0x99: {  	[tilespmem:s25], [sflag:$0x1] =	stream.indirect_vreg.gather [hbm4b:s2+s11], $0x1, v3, vm0, $0x4038;
	[tilespmem:$0x11000] =	vst v63  }
0x9a: {  	(ifvalue) =	ssetifvalue $0x7FFFFFFF  }
.Ltmp3:
0x9b: {  	s25 =	sadd.s32 $0x4300, s23;
	(ifvalue) =	ssetifvalue $0x7FFFFFFF;
	(pc) =	sbr.rel @p1 .LBB2_3-.Ltmp3, $4  }
0x9c: {  	[tilespmem:s24], [sflag:$0x1] =	stream.indirect_vreg.gather [hbm4b:s2+s11], $0x1, v13, vm0, $0x4038;
	[tilespmem:$0x11000] =	vst v63  }
0x9d: {  	s20 =	sadd.s32 $0xFFFFFFF0, s20;
	s19 =	sadd.s32 $0x10, s19;
	(ifvalue) =	ssetifvalue $0x7FFFFFFF  }
0x9e: {  	s21 =	sadd.s32 $0x80, s21;
	s23 =	sadd.s32 $0x4380, s23;
	(ifvalue) =	ssetifvalue $0x7FFFFFFF  }
0x9f: {  	[tilespmem:s25], [sflag:$0x1] =	stream.indirect_vreg.gather [hbm4b:s2+s11], $0x1, v14, vm0, $0x4038;
	[tilespmem:$0x11000] =	vst v63  }
.Ltmp4:
0xa0: {  	_ = 	snop;
	(pc) =	sbr.rel .LBB2_4-.Ltmp4, $1  }
0xa1: {  	_ =	sdelay $0x3  }
.LBB2_6:
0xa2: {  	_ =	sfence.sel $0x180000  }
0xa3: {  	s2 =	simm.s32 $0x2;
	[bflag:$0x0] =	sbarrier.arrive $0xFFFF  }
0xa4: {  	s30 =	simm.s32 $0x3;
	[sflag:s2] =	ssyncpa.u1 $0x1  }
0xa5: {  	s31 =	simm.s32 $0x1;
	[sflag:s30] =	ssyncpa.u1 $0x1  }
0xa6: {  	[sflag:s31] =	ssyncpa.u1 $0x1  }
0xa7: {  	p0 =	sne.s32 s1, $0x0;
	_ =	strace $0x90000053  }
0xa8: {  	s0 =	sadd.s32 @!p0 $0x100000, s0;
	[bflag:$0x2] =	sbarrier.arrive $0xFFFF  }
0xa9: {  	[sflag:s0] =	ssyncadd.tile.s32 @!p0 $0x1;
	_ =	shalt  }
.Lfunc_end2:
_tile_overlayer_lowered:
.L_overlay_start_2:
0xaa: {  	(tag) =	ssettag $0x2  }
0xab: {  	s0 =	rddreg [dreg:$0x0];
	s2 =	stileid.u32  }
0xac: {  	s1 =	rddreg [dreg:$0x1];
	p0 =	sne.s32 s2, $0x0  }
0xad: {  	s3 =	rddreg [dreg:$0x2];
	[bflag:$0x3] =	sbarrier.arrive $0xFFFF;
	s2 =	simm.s32 @!p0 $0x1C01  }
0xae: {  	[timem:s3], [sflag:s2] =	dma.local @!p0 [hbm:s0], s1  }
0xaf: {  	s0 =	simm.s32 @!p0 $0x1  }
0xb0: {  	_ =	swait.ge @!p0 [sflag:s0], s1  }
0xb1: {  	s1 =	ssub.s32 @!p0 $0x0, s1;
	[sflag:s0] =	ssyncset.done @!p0 $0x0  }
0xb2: {  	[sflag:s0] =	ssyncadd.s32 @!p0 s1  }
0xb3: {  	[bflag:$0x3] =	sbarrier.arrive $0xFFFF  }
0xb4: {  	_ =	shalt  }

// kernel: gather_offload_async_start
scs
__scs_entry_jumppad:
0x0: {  	(pc) =	sbr.rel $0x88, $3  }
0x1: {  	(tag) =	ssettag $0x0;
	lr =	simm.s32 $0x1  }
0x2: {  	[smem:$0x3F9E] =	sst lr;
	_ =	strace $0xD0000000  }
0x3: {  	_ = 	snop  }
0x4: {  	_ = 	snop  }
0x5: {  	_ = 	snop  }
0x6: {  	_ = 	snop  }
0x7: {  	_ = 	snop  }
__scs_overlays_trampoline_lowered:
0x8: {  	[smem:$0x3FAD] =	sst s0  }
0x9: {  	[smem:$0x3FAE] =	sst s1  }
0xa: {  	[smem:$0x3FAF] =	sst s2  }
0xb: {  	[smem:$0x3FB0] =	sst s3  }
0xc: {  	[smem:$0x3FB1] =	sst s4  }
0xd: {  	[smem:$0x3FB2] =	sst s5  }
0xe: {  	[smem:$0x3FB3] =	sst s6  }
0xf: {  	[smem:$0x3FB4] =	sst s7  }
0x10: {  	[smem:$0x3FB5] =	sst s8  }
0x11: {  	[smem:$0x3FB6] =	sst s9;
	s0 =	simm.s32 @!p0 $0x0  }
0x12: {  	s1 =	sld [smem:$0x3F9C];
	s0 =	simm.s32 @p0 $0x1  }
0x13: {  	[smem:$0x3FB7] =	sst s0;
	s0 =	simm.s32 @!p1 $0x0  }
0x14: {  	s2 =	sld [smem:$0x3F9B];
	s0 =	simm.s32 @p1 $0x1  }
0x15: {  	[smem:$0x3FB8] =	sst s0;
	s0 =	simm.s32 @!p2 $0x0  }
0x16: {  	s3 =	sld [smem:$0x3FDB];
	s0 =	simm.s32 @p2 $0x1  }
0x17: {  	s4 =	simm.s32 $0x1BF5;
	[smem:$0x3FBA] =	sst s0  }
0x18: {  	s0 =	sld [smem:$0x3F9D];
	_ =	swait.ge [sflag:s4], $0x0  }
0x19: {  	s7 =	sld [smem:$0x3F9E]  }
0x1a: {  	s8 =	sadd.s32 $0xFFFFE003, lr  }
0x1b: {  	s9 =	sadd.s32 $0xFFFFFEF7, lr;
	s5 =	simm.s32 $0xFFFFFFFF;
	p2 =	slt.u32 s8, $0xFFFFF086  }
0x1c: {  	p1 =	slt.u32 s9, $0xF7A;
	s5 =	simm.s32 @!p2 $0x0  }
0x1d: {  	s5 =	simm.s32 @p1 $0x1;
	p0 =	seq.s32 s7, s2  }
0x1e: {  	s7 =	smul.u32 @!p0 $0xF7A, s2;
	p2 =	seq.s32 @!p0 s5, $0x0  }
0x1f: {  	s9 =	smul.u32 $0xF7A, s1;
	s8 =	simm.s32 @!p0 $0x1BF5;
	p2 =	por !p2, p0  }
0x20: {  	[sflag:s8] =	ssyncset.s32 @!p0 $0xFFFFF086;
	s6 =	sadd.s32 @!p0 s3, s7;
	s7 =	simm.s32 @!p0 $0x108  }
0x21: {  	s3 =	sadd.s32 s3, s9;
	s6 =	sadd.s32 @!p0 $0x88, s6;
	s7 =	simm.s32 @p2 $0x1082  }
0x22: {  	[simem:s7], [sflag:s8] =	dma.local @!p0 [hbm:s6], $0xF7A  }
0x23: {  	s9 =	sor.u32 $0xD0000000, s2;
	s6 =	simm.s32 $0x108;
	_ =	swait.ge @!p0 [sflag:s8], $0x0  }
0x24: {  	s3 =	sadd.s32 $0x88, s3;
	s6 =	simm.s32 @!p1 $0x1082;
	[sflag:s4] =	ssyncset.s32 $0xFFFFF086  }
0x25: {  	[simem:s6], [sflag:s4] =	dma.local [hbm:s3], $0xF7A  }
0x26: {  	[smem:$0x3F9E] =	sst s1;
	(tag) =	ssettag s2;
	_ =	strace s9  }
0x27: {  	s1 =	sld [smem:$0x3FAE]  }
0x28: {  	s2 =	sld [smem:$0x3FAF]  }
0x29: {  	s4 =	sld [smem:$0x3FB1]  }
0x2a: {  	p0 =	seq.s32 s5, $0x0;
	s5 =	sld [smem:$0x3FB2]  }
0x2b: {  	s6 =	sld [smem:$0x3FB3]  }
0x2c: {  	s7 =	sld [smem:$0x3FB4]  }
0x2d: {  	s3 =	simm.s32 $0x108;
	s8 =	sld [smem:$0x3FB5]  }
0x2e: {  	s3 =	simm.s32 @!p0 $0x1082;
	s9 =	sld [smem:$0x3FB6]  }
0x2f: {  	lr =	sadd.s32 s0, s3;
	s0 =	sld [smem:$0x3FAD]  }
0x30: {  	s3 =	sld [smem:$0x3FB0]  }
0x31: {  	[smem:$0x3FB9] =	sst s10  }
0x32: {  	s10 =	sld [smem:$0x3FB7];
	_ =	sdelay $0x3  }
0x33: {  	p0 =	seq.s32 s10, $0x1;
	s10 =	sld [smem:$0x3FB9];
	_ =	sdelay $0x3  }
0x34: {  	[smem:$0x3FB9] =	sst s10  }
0x35: {  	s10 =	sld [smem:$0x3FB8];
	_ =	sdelay $0x3  }
0x36: {  	p1 =	seq.s32 s10, $0x1;
	s10 =	sld [smem:$0x3FB9];
	_ =	sdelay $0x3  }
0x37: {  	[smem:$0x3FB9] =	sst s10  }
0x38: {  	s10 =	sld [smem:$0x3FBA]  }
0x39: {  	_ = 	snop;
	(pc) =	sbr.ind lr, $3  }
0x3a: {  	_ = 	snop  }
0x3b: {  	_ = 	snop  }
0x3c: {  	p2 =	seq.s32 s10, $0x1;
	s10 =	sld [smem:$0x3FB9]  }
0x3d: {  	_ =	shalt  }
0x3e: {  	_ =	shalt  }
0x3f: {  	_ =	shalt  }
0x40: {  	_ =	shalt  }
0x41: {  	_ =	shalt  }
0x42: {  	_ =	shalt  }
0x43: {  	_ =	shalt  }
0x44: {  	_ =	shalt  }
0x45: {  	_ =	shalt  }
0x46: {  	_ =	shalt  }
0x47: {  	_ =	shalt  }
0x48: {  	_ =	shalt  }
0x49: {  	_ =	shalt  }
0x4a: {  	_ =	shalt  }
0x4b: {  	_ =	shalt  }
0x4c: {  	_ =	shalt  }
0x4d: {  	_ =	shalt  }
0x4e: {  	_ =	shalt  }
0x4f: {  	_ =	shalt  }
0x50: {  	_ =	shalt  }
0x51: {  	_ =	shalt  }
0x52: {  	_ =	shalt  }
0x53: {  	_ =	shalt  }
0x54: {  	_ =	shalt  }
0x55: {  	_ =	shalt  }
0x56: {  	_ =	shalt  }
0x57: {  	_ =	shalt  }
0x58: {  	_ =	shalt  }
0x59: {  	_ =	shalt  }
0x5a: {  	_ =	shalt  }
0x5b: {  	_ =	shalt  }
0x5c: {  	_ =	shalt  }
0x5d: {  	_ =	shalt  }
0x5e: {  	_ =	shalt  }
0x5f: {  	_ =	shalt  }
0x60: {  	_ =	shalt  }
0x61: {  	_ =	shalt  }
0x62: {  	_ =	shalt  }
0x63: {  	_ =	shalt  }
0x64: {  	_ =	shalt  }
0x65: {  	_ =	shalt  }
0x66: {  	_ =	shalt  }
0x67: {  	_ =	shalt  }
0x68: {  	_ =	shalt  }
0x69: {  	_ =	shalt  }
0x6a: {  	_ =	shalt  }
0x6b: {  	_ =	shalt  }
0x6c: {  	_ =	shalt  }
0x6d: {  	_ =	shalt  }
0x6e: {  	_ =	shalt  }
0x6f: {  	_ =	shalt  }
0x70: {  	_ =	shalt  }
0x71: {  	_ =	shalt  }
0x72: {  	_ =	shalt  }
0x73: {  	_ =	shalt  }
0x74: {  	_ =	shalt  }
0x75: {  	_ =	shalt  }
0x76: {  	_ =	shalt  }
0x77: {  	_ =	shalt  }
0x78: {  	_ =	shalt  }
0x79: {  	_ =	shalt  }
0x7a: {  	_ =	shalt  }
0x7b: {  	_ =	shalt  }
0x7c: {  	_ =	shalt  }
0x7d: {  	_ =	shalt  }
0x7e: {  	_ =	shalt  }
0x7f: {  	_ =	shalt  }
0x80: {  	_ =	shalt  }
0x81: {  	_ =	shalt  }
0x82: {  	_ =	shalt  }
0x83: {  	_ =	shalt  }
0x84: {  	_ =	shalt  }
0x85: {  	_ =	shalt  }
0x86: {  	_ =	shalt  }
0x87: {  	_ =	shalt  }
.Lfunc_end0:
.L_simem_size_0:
called_computation.2_lowered:
.L_overlay_start_0:
0x88: {  	s2 =	sld [smem:$0x3FD9]  }
0x89: {  	s3 =	sld [smem:$0x3FFE];
	_ =	sdelay $0x1  }
0x8a: {  	s1 =	srdreg.scid  }
0x8b: {  	s0 =	sand.u32 $0x1, s1  }
0x8c: {  	s17 =	sshll.u32 s0, $0xA;
	s2 =	sadd.s32 s3, s2  }
0x8d: {  	s2 =	sadd.s32 s2, s17  }
0x8e: {  	[smem:$0x3FC5] =	sst s2  }
0x8f: {  	_ = 	snop  }
0x90: {  	(tm) =	ssettm $0x1  }
0x91: {  	s18 =	sld [smem:$0x3FFB];
	_ =	sdelay $0x3  }
0x92: {  	_ =	strace s18  }
0x93: {  	s2 =	sld [smem:$0x3FFC];
	_ =	sdelay $0x3  }
0x94: {  	_ =	strace s2  }
0x95: {  	s2 =	sld [smem:$0x3FFD];
	_ =	sdelay $0x3  }
0x96: {  	_ =	strace s2  }
0x97: {  	_ =	strace $0x8FFFFFFF  }
0x98: {  	s19 =	sld [smem:$0x3FDB];
	_ =	sdelay $0x1  }
0x99: {  	s20 =	simm.s32 $_scs_section_size  }
0x9a: {  	s4 =	simm.s32 $_size__tile_overlayer_lowered;
	s5 =	simm.s32 $_tile_overlayer_lowered  }
0x9b: {  	s6 =	simm.s32 $0x1BFF;
	s21 =	sshll.u32 s5, $0x1;
	s3 =	sadd.s32 s20, s19  }
0x9c: {  	s22 =	simm.s32 $0x0;
	s4 =	sshll.u32 s4, $0x1;
	s5 =	sadd.s32 s21, s3  }
0x9d: {  	[timem:s22], [sflag:s6] =	dma.local [hbm:s5], s4  }
0x9e: {  	_ =	swait.ge [sflag:s6], s4  }
0x9f: {  	s4 =	ssub.s32 $0x0, s4;
	[sflag:s6] =	ssyncset.done $0x0  }
0xa0: {  	[sflag:s6] =	ssyncadd.s32 s4;
	_ =	sdelay $0x1  }
0xa1: {  	s23 =	simm.s32 $0x1B8B  }
0xa2: {  	_ =	swait.ge [sflag:s23], $0x1  }
0xa3: {  	[sflag:s23] =	ssyncset.done $0x0  }
0xa4: {  	[sflag:s23] =	ssyncadd.s32 $0xFFFFFFFF  }
0xa5: {  	s4 =	sld [smem:$0x0]  }
0xa6: {  	s5 =	sand.u32 $0xFFFFFFFE, s1  }
0xa7: {  	p0 =	sne.s32 s1, s5  }
0xa8: {  	s5 =	sshll.u32 @p0 s5, $0xE  }
0xa9: {  	s5 =	sadd.s32 @p0 $0x11B8D, s5;
	s6 =	sshll.u32 @p0 s4, $0x11  }
0xaa: {  	s5 =	sor.u32 @p0 s6, s5  }
0xab: {  	[sflag:s5] =	ssyncadd.remote.s32 @p0 $0x1;
	_ =	sdelay $0x1  }
0xac: {  	s5 =	simm.s32 @p0 $0x1B8D  }
0xad: {  	_ =	swait.eq @p0 [sflag:s5], $0x1  }
0xae: {  	[sflag:s5] =	ssyncadd.s32 @p0 $0xFFFFFFFF  }
0xaf: {  	s6 =	sshll.u32 @!p0 s1, $0xE  }
0xb0: {  	s6 =	sor.u32 @!p0 $0x4000, s6;
	s5 =	simm.s32 @!p0 $0x1B8D  }
0xb1: {  	s4 =	sshll.u32 @!p0 s4, $0x11;
	s6 =	sadd.s32 @!p0 $0x11B8D, s6;
	_ =	swait.eq @!p0 [sflag:s5], $0x1  }
0xb2: {  	s4 =	sor.u32 @!p0 s4, s6;
	[sflag:s5] =	ssyncadd.s32 @!p0 $0xFFFFFFFF  }
0xb3: {  	s25 =	simm.s32 $0x1B8E;
	s24 =	sld [smem:$0x3FFE];
	[sflag:s4] =	ssyncadd.remote.s32 @!p0 $0x1  }
0xb4: {  	s26 =	simm.s32 $execute0_lowered;
	[smem:$0x3FD2] =	sst s25  }
0xb5: {  	s5 =	sshll.u32 s26, $0x1;
	_ =	strace $0x8000004F;
	[dreg:$0x1] =	wrdreg $0xFFFFFFFF  }
0xb6: {  	s28 =	simm.s32 $_size_execute0_lowered;
	s3 =	sadd.s32 s3, s5;
	[dreg:$0x0] =	wrdreg $0x0  }
0xb7: {  	s5 =	sshll.u32 s28, $0x1;
	[dreg:$0x2] =	wrdreg s3  }
0xb8: {  	[dreg:$0x3] =	wrdreg s5  }
0xb9: {  	[dreg:$0x4] =	wrdreg $0xC0  }
0xba: {  	_ =	task [dreg:s22], $0x5FFFF  }
0xbb: {  	[dreg:$0x1] =	wrdreg $0xFFFFFFFF  }
0xbc: {  	[dreg:$0x0] =	wrdreg $0x60  }
0xbd: {  	[dreg:$0x2] =	wrdreg s24  }
0xbe: {  	[dreg:$0x3] =	wrdreg $0xA  }
0xbf: {  	_ =	task.clear_ibuf [dreg:s22], $0x4FFFF;
	_ =	strace $0x9000004F  }
0xc0: {  	s29 =	simm.s32 $0xA;
	_ =	strace $0x80000051  }
0xc1: {  	_ =	swait.ge [sflag:s29], $0x1  }
0xc2: {  	[sflag:s29] =	ssyncadd.s32 $0xFFFFFFFF  }
0xc3: {  	_ =	strace $0x90000051  }
0xc4: {  	_ =	sfence  }
0xc5: {  	s30 =	sld [smem:$0x0];
	_ =	sdelay $0x2  }
0xc6: {  	s31 =	sshll.u32 s1, $0xD;
	s1 =	sshrl.u32 s1, $0x2  }
0xc7: {  	s4 =	sand.u32 $0x4000, s31;
	s1 =	sadd.s32 s1, s30  }
0xc8: {  	s0 =	sor.u32 s4, s0;
	s1 =	sshll.u32 s1, $0x11  }
0xc9: {  	s0 =	sor.u32 s1, s0  }
0xca: {  	s0 =	sadd.s32 $0x8F2B, s0  }
0xcb: {  	[sflag:s0] =	ssyncadd.remote.s32 $0x1  }
0xcc: {  	_ =	sfence.sel $0xFFFF  }
0xcd: {  	[dreg:$0x0] =	wrdreg $0xFFFFFFFF;
	(pc) =	sbr.abs _section_cstart, $3  }
0xce: {  	[dreg:$0x1] =	wrdreg $0xFFFFFFFF  }
0xcf: {  	_ =	task.clear_ibuf [dreg:s22], $0x2FFFF;
	_ =	strace $0x9FFFFFFF  }
0xd0: {  	(tm) =	ssettm $0x7FFFFFFF  }
0xd1: {  	_ =	shalt  }
tec
execute0_lowered:
.L_overlay_start_1:
0x0: {  	(tag) =	ssettag $0x1  }
0x1: {  	s0 =	srdreg.scid  }
0x2: {  	s9 =	rddreg [dreg:$0x0];
	s1 =	stileid.u32  }
0x3: {  	s5 =	simm.s32 $0x1;
	s6 =	simm.s32 $0x2;
	s10 =	simm.s32 $0x3  }
0x4: {  	s14 =	simm.s32 $0x0;
	s13 =	simm.s32 $0x0;
	s2 =	sshll.u32 s0, $0xB  }
0x5: {  	s0 =	rddreg [dreg:$0x1];
	s3 =	sshll.u32 s1, $0xC;
	s4 =	sand.u32 $0x800, s2  }
0x6: {  	_ =	strace $0x80000050;
	s2 =	sadd.s32 $0x18CC00, s9;
	s3 =	sor.u32 s3, s4  }
0x7: {  	[sflag:s5] =	ssyncpa.u1 $0x0;
	s4 =	sadd.s32 $0x990C00, s9;
	s7 =	ssub.s32 $0x20000, s3  }
.Ltmp0:
0x8: {  	[sflag:s6] =	ssyncpa.u1 $0x0;
	s8 =	sand.u32 $0xF800, s7;
	(pc) =	sbr.rel .LBB2_1-.Ltmp0, $4  }
0x9: {  	[sflag:s10] =	ssyncpa.u1 $0x0;
	p0 =	sne.s32 s8, $0x0;
	s8 =	simm.s32 $0x1  }
0xa: {  	s12 =	smov.u32 s3;
	s11 =	sshrl.u32 s7, $0x10;
	s8 =	simm.s32 @!p0 $0x0  }
0xb: {  	s7 =	sadd.s32 $0x590C00, s9;
	s9 =	sadd.s32 $0x5B0C00, s9;
	s8 =	sadd.s32 s8, s11  }
0xc: {  	vm0 =	vmmov $0xffff;
	v0 =	vlaneseq.u32;
	p0 =	por $0x0, $0x0;
	s11 =	simm.s32 $0x0;
	s10 =	sadd.s32 $0x1, s8  }
.LBB2_4:
0xd: {  	_ =	sdelay $0x1  }
0xe: {  	(ifvalue) =	ssetifvalue $0x7FFFFFFF  }
0xf: {  	s17 =	sshll.u32 s14, $0x3;
	(ifvalue) =	ssetifvalue $0x7FFFFFFF  }
0x10: {  	[tilespmem:s23], [sflag:$0x1] =	stream.indirect_vreg.gather [hbm4b:s2+s11], $0x1, v1, vm0, $0x4038;
	[tilespmem:$0x11000] =	vst v63  }
0x11: {  	s30 =	sand.u32 $0x78, s14;
	s17 =	sand.u32 $0xFFFFFC00, s17  }
0x12: {  	_ =	swait.ge [sflag:s5], $0x8000;
	s14 =	sor.u32 s30, s17  }
0x13: {  	[sflag:s5] =	ssyncset.done $0x0;
	s14 =	sshrl.u32 s14, $0x3  }
0x14: {  	[sflag:s5] =	ssyncadd.s32 $0xFFFF8000;
	s31 =	sadd.s32 s7, s14  }
0x15: {  	[hbm:s31] =	stream.linear.scatter [tilespmem:s16], [sflag:$0x3], $0x4000, $0x38;
	[tilespmem:$0x11000] =	vst v63  }
0x16: {  	s15 =	sadd.s32 $0x5000, s15;
	s14 =	sadd.s32 s14, s9  }
0x17: {  	[hbm:s14] =	stream.linear.scatter [tilespmem:s15], [sflag:$0x3], $0x4000, $0x38;
	[tilespmem:$0x11000] =	vst v63  }
.LBB2_5:
0x18: {  	s16 =	sadd.s32 $0x10000, s12  }
0x19: {  	p2 =	sgt.s32 s16, $0x1FFFF  }
0x1a: {  	s16 =	smov.u32 @p2 s3;
	p2 =	sne.s32 s13, s10  }
.Ltmp1:
0x1b: {  	p1 =	slt.u32 s13, $0x2;
	(pc) =	sbr.rel @!p2 .LBB2_6-.Ltmp1, $4  }
0x1c: {  	s15 =	simm.s32 @!p1 $0x3  }
0x1d: {  	s17 =	sadd.s32 $0x1, s13;
	_ =	swait.ge @!p1 [sflag:s15], $0x8000  }
0x1e: {  	s14 =	smov.u32 s12;
	p0 =	por !p0, !p0;
	[sflag:s15] =	ssyncset.done @!p1 $0x0  }
0x1f: {  	s13 =	smov.u32 s17;
	s12 =	smov.u32 s16;
	[sflag:s15] =	ssyncadd.s32 @!p1 $0xFFFF8000  }
.LBB2_1:
0x20: {  	p1 =	sge.u32 s13, s8  }
0x21: {  	s15 =	sxor.u32 @!p1 $0xFFFFFFFF, s13  }
0x22: {  	s31 =	sadd.s32 $0xFFFFFFFF, s13;
	s16 =	sshrl.u32 @!p1 s12, $0x3;
	s15 =	sshll.u32 @!p1 s15, $0xB  }
0x23: {  	s17 =	sand.u32 @!p1 $0x7, s12;
	s16 =	sadd.s32 @!p1 s4, s16;
	s15 =	sand.u32 @!p1 $0x800, s15  }
0x24: {  	[tilespmem:s15], [sflag:$0x2] =	stream.linear.gather @!p1 [hbm4b:s16+s17], $0x800, $0x38;
	[tilespmem:$0x11000] =	vst v63  }
0x25: {  	p1 =	sge.u32 s31, s8  }
.Ltmp2:
0x26: {  	_ = 	snop;
	(pc) =	sbr.rel @p1 .LBB2_5-.Ltmp2, $1  }
0x27: {  	_ =	sdelay $0x3  }
0x28: {  	s15 =	simm.s32 $0x1;
	_ =	swait.ge [sflag:s6], $0x800  }
0x29: {  	s15 =	simm.s32 @!p0 $0x0;
	[sflag:s6] =	ssyncset.done $0x0  }
0x2a: {  	s19 =	sshll.u32 s15, $0xB;
	[sflag:s6] =	ssyncadd.s32 $0xFFFFF800  }
0x2b: {  	v1 =	vld.msk [tilespmem:s19+$0x0 ss:$0x1], $0xffff;
	_ =	sdelay $0x3  }
0x2c: {  	s20 =	ssub.s32 $0x20000, s14  }
0x2d: {  	p1 =	slt.s32 s20, $0x800;
	v2 =	vshrl.u32 v1, $0xA  }
0x2e: {  	s20 =	simm.s32 @!p1 $0x800;
	vm1 =	veq.s32 v1, $0x80000000;
	v2 =	vand.u32 $0x3FF, v2  }
0x2f: {  	p1 =	sgt.s32 s20, $0x0;
	s15 =	smov.u32 s20;
	v1 =	vshll.u32 v1, $0xE;
	v2 =	vsel vm1, $0xFFFFFFFF, v2  }
0x30: {  	s15 =	simm.s32 @!p1 $0x0;
	v1 =	vand.u32 $0xFFC000, v1;
	v3 =	vshll.u32 v2, $0x3  }
0x31: {  	s15 =	smin.u32 s15, $0x10;
	v1 =	vsel vm1, $0xFFFFC000, v1;
	v3 =	vand.u32 $0xFFFFFC00, v3  }
0x32: {  	v4 =	vmov s15;
	v2 =	vand.u32 $0x7F, v2;
	v1 =	vadd.s32 v1, v3  }
0x33: {  	vm1 =	vgt.u32 v4, v0;
	v1 =	vor.u32 v2, v1  }
0x34: {  	s26 =	sshll.u32 s13, $0xF;
	v2 =	vnsel vm1, $0x7FFFFFFF, v1  }
0x35: {  	s18 =	simm.s32 $0x0;
	s15 =	sand.u32 $0x8000, s26  }
0x36: {  	s17 =	simm.s32 $0x0;
	s18 =	sand.u32 $0x3C00, s18;
	s16 =	sor.u32 $0x1000, s15;
	v3 =	vor.u32 $0x80, v1  }
0x37: {  	s21 =	sand.u32 $0x70, s17;
	(ifvalue) =	ssetifvalue $0x7FFFFFFF;
	s18 =	sadd.s32 s18, s16;
	v3 =	vnsel vm1, $0x7FFFFFFF, v3  }
0x38: {  	(ifvalue) =	ssetifvalue $0x7FFFFFFF;
	s21 =	sadd.s32 s21, s18  }
0x39: {  	v51 =	vor.u32 $0x100, v1;
	[tilespmem:s21], [sflag:$0x1] =	stream.indirect_vreg.gather [hbm4b:s2+s11], $0x1, v2, vm0, $0x4038;
	[tilespmem:$0x11000] =	vst v63  }
0x3a: {  	v2 =	vnsel vm1, $0x7FFFFFFF, v51;
	(ifvalue) =	ssetifvalue $0x7FFFFFFF  }
0x3b: {  	s18 =	sadd.s32 $0x80, s21;
	(ifvalue) =	ssetifvalue $0x7FFFFFFF  }
0x3c: {  	v52 =	vor.u32 $0x180, v1;
	[tilespmem:s18], [sflag:$0x1] =	stream.indirect_vreg.gather [hbm4b:s2+s11], $0x1, v3, vm0, $0x4038;
	[tilespmem:$0x11000] =	vst v63  }
0x3d: {  	v3 =	vnsel vm1, $0x7FFFFFFF, v52;
	(ifvalue) =	ssetifvalue $0x7FFFFFFF  }
0x3e: {  	s28 =	sadd.s32 $0x100, s21;
	(ifvalue) =	ssetifvalue $0x7FFFFFFF  }
0x3f: {  	v53 =	vor.u32 $0x200, v1;
	[tilespmem:s28], [sflag:$0x1] =	stream.indirect_vreg.gather [hbm4b:s2+s11], $0x1, v2, vm0, $0x4038;
	[tilespmem:$0x11000] =	vst v63  }
0x40: {  	v2 =	vnsel vm1, $0x7FFFFFFF, v53;
	(ifvalue) =	ssetifvalue $0x7FFFFFFF  }
0x41: {  	s29 =	sadd.s32 $0x180, s21;
	(ifvalue) =	ssetifvalue $0x7FFFFFFF  }
0x42: {  	v54 =	vor.u32 $0x280, v1;
	[tilespmem:s29], [sflag:$0x1] =	stream.indirect_vreg.gather [hbm4b:s2+s11], $0x1, v3, vm0, $0x4038;
	[tilespmem:$0x11000] =	vst v63  }
0x43: {  	v3 =	vnsel vm1, $0x7FFFFFFF, v54;
	(ifvalue) =	ssetifvalue $0x7FFFFFFF  }
0x44: {  	s30 =	sadd.s32 $0x200, s21;
	(ifvalue) =	ssetifvalue $0x7FFFFFFF  }
0x45: {  	v55 =	vor.u32 $0x300, v1;
	[tilespmem:s30], [sflag:$0x1] =	stream.indirect_vreg.gather [hbm4b:s2+s11], $0x1, v2, vm0, $0x4038;
	[tilespmem:$0x11000] =	vst v63  }
0x46: {  	v2 =	vnsel vm1, $0x7FFFFFFF, v55;
	(ifvalue) =	ssetifvalue $0x7FFFFFFF  }
0x47: {  	s31 =	sand.u32 $0x7, s17;
	s22 =	sadd.s32 $0x280, s21;
	(ifvalue) =	ssetifvalue $0x7FFFFFFF  }
0x48: {  	v56 =	vor.u32 $0x380, v1;
	[tilespmem:s22], [sflag:$0x1] =	stream.indirect_vreg.gather [hbm4b:s2+s11], $0x1, v3, vm0, $0x4038;
	[tilespmem:$0x11000] =	vst v63  }
0x49: {  	s18 =	sshll.u32 s31, $0x4;
	v3 =	vnsel vm1, $0x7FFFFFFF, v56;
	(ifvalue) =	ssetifvalue $0x7FFFFFFF  }
0x4a: {  	s23 =	sadd.s32 $0x300, s21;
	s18 =	sadd.s32 $0x0, s18;
	(ifvalue) =	ssetifvalue $0x7FFFFFFF  }
0x4b: {  	v57 =	vadd.s32 $0x2000, v1;
	[tilespmem:s23], [sflag:$0x1] =	stream.indirect_vreg.gather [hbm4b:s2+s11], $0x1, v2, vm0, $0x4038;
	[tilespmem:$0x11000] =	vst v63  }
0x4c: {  	s18 =	sor.u32 $0x380, s18;
	v2 =	vnsel vm1, $0x7FFFFFFF, v57;
	(ifvalue) =	ssetifvalue $0x7FFFFFFF  }
0x4d: {  	s18 =	sadd.s32 s18, s16;
	(ifvalue) =	ssetifvalue $0x7FFFFFFF  }
0x4e: {  	v58 =	vadd.s32 $0x2080, v1;
	[tilespmem:s18], [sflag:$0x1] =	stream.indirect_vreg.gather [hbm4b:s2+s11], $0x1, v3, vm0, $0x4038;
	[tilespmem:$0x11000] =	vst v63  }
0x4f: {  	v3 =	vnsel vm1, $0x7FFFFFFF, v58;
	(ifvalue) =	ssetifvalue $0x7FFFFFFF  }
0x50: {  	s24 =	sadd.s32 $0x4000, s21;
	(ifvalue) =	ssetifvalue $0x7FFFFFFF  }
0x51: {  	v59 =	vadd.s32 $0x2100, v1;
	[tilespmem:s24], [sflag:$0x1] =	stream.indirect_vreg.gather [hbm4b:s2+s11], $0x1, v2, vm0, $0x4038;
	[tilespmem:$0x11000] =	vst v63  }
0x52: {  	v2 =	vnsel vm1, $0x7FFFFFFF, v59;
	(ifvalue) =	ssetifvalue $0x7FFFFFFF  }
0x53: {  	s25 =	sadd.s32 $0x4080, s21;
	(ifvalue) =	ssetifvalue $0x7FFFFFFF  }
0x54: {  	v60 =	vadd.s32 $0x2180, v1;
	[tilespmem:s25], [sflag:$0x1] =	stream.indirect_vreg.gather [hbm4b:s2+s11], $0x1, v3, vm0, $0x4038;
	[tilespmem:$0x11000] =	vst v63  }
0x55: {  	v3 =	vnsel vm1, $0x7FFFFFFF, v60;
	(ifvalue) =	ssetifvalue $0x7FFFFFFF  }
0x56: {  	s26 =	sadd.s32 $0x4100, s21;
	(ifvalue) =	ssetifvalue $0x7FFFFFFF  }
0x57: {  	v61 =	vadd.s32 $0x2200, v1;
	[tilespmem:s26], [sflag:$0x1] =	stream.indirect_vreg.gather [hbm4b:s2+s11], $0x1, v2, vm0, $0x4038;
	[tilespmem:$0x11000] =	vst v63  }
0x58: {  	v2 =	vnsel vm1, $0x7FFFFFFF, v61;
	(ifvalue) =	ssetifvalue $0x7FFFFFFF  }
0x59: {  	s28 =	sadd.s32 $0x4180, s21;
	(ifvalue) =	ssetifvalue $0x7FFFFFFF  }
0x5a: {  	v62 =	vadd.s32 $0x2280, v1;
	[tilespmem:s28], [sflag:$0x1] =	stream.indirect_vreg.gather [hbm4b:s2+s11], $0x1, v3, vm0, $0x4038;
	[tilespmem:$0x11000] =	vst v63  }
0x5b: {  	v3 =	vnsel vm1, $0x7FFFFFFF, v62;
	(ifvalue) =	ssetifvalue $0x7FFFFFFF  }
0x5c: {  	s29 =	sadd.s32 $0x4200, s21;
	(ifvalue) =	ssetifvalue $0x7FFFFFFF  }
0x5d: {  	v63 =	vadd.s32 $0x2300, v1;
	[tilespmem:s29], [sflag:$0x1] =	stream.indirect_vreg.gather [hbm4b:s2+s11], $0x1, v2, vm0, $0x4038;
	[tilespmem:$0x11000] =	vst v63  }
0x5e: {  	s19 =	sadd.s32 $0x10, s19;
	s20 =	sadd.s32 $0xFFFFFFF0, s20;
	v2 =	vnsel vm1, $0x7FFFFFFF, v63;
	(ifvalue) =	ssetifvalue $0x7FFFFFFF  }
0x5f: {  	s31 =	sadd.s32 $0x4300, s21;
	s30 =	sadd.s32 $0x4280, s21;
	(ifvalue) =	ssetifvalue $0x7FFFFFFF  }
0x60: {  	[tilespmem:s30], [sflag:$0x1] =	stream.indirect_vreg.gather [hbm4b:s2+s11], $0x1, v3, vm0, $0x4038;
	[tilespmem:$0x11000] =	vst v63  }
0x61: {  	v1 =	vadd.s32 $0x2380, v1;
	s22 =	simm.s32 $0x0;
	s23 =	sadd.s32 $0x4380, s21;
	(ifvalue) =	ssetifvalue $0x7FFFFFFF  }
0x62: {  	v1 =	vnsel vm1, $0x7FFFFFFF, v1;
	s21 =	simm.s32 $0xFFFFC080;
	s18 =	simm.s32 $0x10;
	(ifvalue) =	ssetifvalue $0x7FFFFFFF  }
0x63: {  	[tilespmem:s31], [sflag:$0x1] =	stream.indirect_vreg.gather [hbm4b:s2+s11], $0x1, v2, vm0, $0x4038;
	[tilespmem:$0x11000] =	vst v63  }
.LBB2_3:
0x64: {  	(ifvalue) =	ssetifvalue $0x7FFFFFFF  }
0x65: {  	s17 =	sadd.s32 $0x80, s17;
	s22 =	sadd.s32 $0x1, s22;
	s24 =	smov.u32 s18  }
0x66: {  	p1 =	sne.s32 s18, $0x7F0;
	s18 =	sadd.s32 $0x10, s18;
	(ifvalue) =	ssetifvalue $0x7FFFFFFF  }
0x67: {  	[tilespmem:s23], [sflag:$0x1] =	stream.indirect_vreg.gather [hbm4b:s2+s11], $0x1, v1, vm0, $0x4038;
	[tilespmem:$0x11000] =	vst v63  }
0x68: {  	v1 =	vld.msk [tilespmem:s19+$0x0 ss:$0x1], $0xffff;
	_ =	sdelay $0x5  }
0x69: {  	p2 =	sgt.s32 s20, $0x0;
	s23 =	smov.u32 s20;
	v2 =	vshrl.u32 v1, $0xA;
	v3 =	vshll.u32 v1, $0xE  }
0x6a: {  	s23 =	simm.s32 @!p2 $0x0;
	vm1 =	veq.s32 v1, $0x80000000;
	v1 =	vand.u32 $0x3FF, v2;
	v2 =	vand.u32 $0xFFC000, v3  }
0x6b: {  	s23 =	smin.u32 s23, $0x10;
	v1 =	vsel vm1, $0xFFFFFFFF, v1;
	v2 =	vsel vm1, $0xFFFFC000, v2  }
0x6c: {  	v4 =	vmov s23;
	v3 =	vand.u32 $0x7F, v1;
	v1 =	vshll.u32 v1, $0x3  }
0x6d: {  	vm1 =	vgt.u32 v4, v0;
	v1 =	vand.u32 $0xFFFFFC00, v1  }
0x6e: {  	v1 =	vadd.s32 v2, v1  }
0x6f: {  	s23 =	sadd.s32 $0x4000, s21;
	v1 =	vor.u32 v3, v1  }
0x70: {  	s23 =	sand.u32 $0x3C00, s23;
	v2 =	vnsel vm1, $0x7FFFFFFF, v1;
	v3 =	vor.u32 $0x80, v1;
	v4 =	vor.u32 $0x100, v1  }
0x71: {  	s24 =	sand.u32 $0x70, s24;
	s23 =	sadd.s32 s23, s16;
	v5 =	vor.u32 $0x180, v1;
	v3 =	vnsel vm1, $0x7FFFFFFF, v3;
	v4 =	vnsel vm1, $0x7FFFFFFF, v4;
	(ifvalue) =	ssetifvalue $0x7FFFFFFF  }
0x72: {  	s23 =	sadd.s32 s24, s23;
	v6 =	vor.u32 $0x200, v1;
	v7 =	vor.u32 $0x280, v1;
	v5 =	vnsel vm1, $0x7FFFFFFF, v5;
	(ifvalue) =	ssetifvalue $0x7FFFFFFF  }
0x73: {  	v8 =	vor.u32 $0x300, v1;
	v6 =	vnsel vm1, $0x7FFFFFFF, v6;
	v7 =	vnsel vm1, $0x7FFFFFFF, v7  }
0x74: {  	v9 =	vor.u32 $0x380, v1;
	v10 =	vadd.s32 $0x2000, v1;
	v8 =	vnsel vm1, $0x7FFFFFFF, v8  }
0x75: {  	[tilespmem:s23], [sflag:$0x1] =	stream.indirect_vreg.gather [hbm4b:s2+s11], $0x1, v2, vm0, $0x4038;
	v2 =	vnsel vm1, $0x7FFFFFFF, v9;
	v9 =	vnsel vm1, $0x7FFFFFFF, v10;
	v10 =	vadd.s32 $0x2080, v1;
	[tilespmem:$0x11000] =	vst v63  }
0x76: {  	v11 =	vadd.s32 $0x2100, v1;
	v12 =	vadd.s32 $0x2180, v1;
	(ifvalue) =	ssetifvalue $0x7FFFFFFF;
	v10 =	vnsel vm1, $0x7FFFFFFF, v10  }
0x77: {  	s24 =	sadd.s32 $0x80, s23;
	v13 =	vadd.s32 $0x2200, v1;
	v11 =	vnsel vm1, $0x7FFFFFFF, v11;
	v12 =	vnsel vm1, $0x7FFFFFFF, v12;
	(ifvalue) =	ssetifvalue $0x7FFFFFFF  }
0x78: {  	v14 =	vadd.s32 $0x2300, v1;
	[tilespmem:s24], [sflag:$0x1] =	stream.indirect_vreg.gather [hbm4b:s2+s11], $0x1, v3, vm0, $0x4038;
	v3 =	vnsel vm1, $0x7FFFFFFF, v13;
	v13 =	vadd.s32 $0x2280, v1;
	[tilespmem:$0x11000] =	vst v63  }
0x79: {  	v14 =	vnsel vm1, $0x7FFFFFFF, v14;
	v1 =	vadd.s32 $0x2380, v1;
	(ifvalue) =	ssetifvalue $0x7FFFFFFF;
	v13 =	vnsel vm1, $0x7FFFFFFF, v13  }
0x7a: {  	s24 =	sadd.s32 $0x100, s23;
	v1 =	vnsel vm1, $0x7FFFFFFF, v1;
	(ifvalue) =	ssetifvalue $0x7FFFFFFF  }
0x7b: {  	[tilespmem:s24], [sflag:$0x1] =	stream.indirect_vreg.gather [hbm4b:s2+s11], $0x1, v4, vm0, $0x4038;
	[tilespmem:$0x11000] =	vst v63  }
0x7c: {  	(ifvalue) =	ssetifvalue $0x7FFFFFFF  }
0x7d: {  	s24 =	sadd.s32 $0x180, s23;
	(ifvalue) =	ssetifvalue $0x7FFFFFFF  }
0x7e: {  	[tilespmem:s24], [sflag:$0x1] =	stream.indirect_vreg.gather [hbm4b:s2+s11], $0x1, v5, vm0, $0x4038;
	[tilespmem:$0x11000] =	vst v63  }
0x7f: {  	(ifvalue) =	ssetifvalue $0x7FFFFFFF  }
0x80: {  	s24 =	sadd.s32 $0x200, s23;
	(ifvalue) =	ssetifvalue $0x7FFFFFFF  }
0x81: {  	[tilespmem:s24], [sflag:$0x1] =	stream.indirect_vreg.gather [hbm4b:s2+s11], $0x1, v6, vm0, $0x4038;
	[tilespmem:$0x11000] =	vst v63  }
0x82: {  	(ifvalue) =	ssetifvalue $0x7FFFFFFF  }
0x83: {  	s25 =	sadd.s32 $0x280, s23;
	s24 =	sand.u32 $0x7, s22;
	(ifvalue) =	ssetifvalue $0x7FFFFFFF  }
0x84: {  	[tilespmem:s25], [sflag:$0x1] =	stream.indirect_vreg.gather [hbm4b:s2+s11], $0x1, v7, vm0, $0x4038;
	[tilespmem:$0x11000] =	vst v63  }
0x85: {  	s24 =	sshll.u32 s24, $0x4;
	(ifvalue) =	ssetifvalue $0x7FFFFFFF  }
0x86: {  	s24 =	sadd.s32 s24, s17;
	s25 =	sadd.s32 $0x300, s23;
	(ifvalue) =	ssetifvalue $0x7FFFFFFF  }
0x87: {  	[tilespmem:s25], [sflag:$0x1] =	stream.indirect_vreg.gather [hbm4b:s2+s11], $0x1, v8, vm0, $0x4038;
	[tilespmem:$0x11000] =	vst v63  }
0x88: {  	s24 =	sor.u32 $0x380, s24;
	(ifvalue) =	ssetifvalue $0x7FFFFFFF  }
0x89: {  	s24 =	sadd.s32 s24, s16;
	(ifvalue) =	ssetifvalue $0x7FFFFFFF  }
0x8a: {  	[tilespmem:s24], [sflag:$0x1] =	stream.indirect_vreg.gather [hbm4b:s2+s11], $0x1, v2, vm0, $0x4038;
	[tilespmem:$0x11000] =	vst v63  }
0x8b: {  	(ifvalue) =	ssetifvalue $0x7FFFFFFF  }
0x8c: {  	s24 =	sadd.s32 $0x4000, s23;
	(ifvalue) =	ssetifvalue $0x7FFFFFFF  }
0x8d: {  	[tilespmem:s24], [sflag:$0x1] =	stream.indirect_vreg.gather [hbm4b:s2+s11], $0x1, v9, vm0, $0x4038;
	[tilespmem:$0x11000] =	vst v63  }
0x8e: {  	(ifvalue) =	ssetifvalue $0x7FFFFFFF  }
0x8f: {  	s25 =	sadd.s32 $0x4100, s23;
	s24 =	sadd.s32 $0x4080, s23;
	(ifvalue) =	ssetifvalue $0x7FFFFFFF  }
0x90: {  	[tilespmem:s24], [sflag:$0x1] =	stream.indirect_vreg.gather [hbm4b:s2+s11], $0x1, v10, vm0, $0x4038;
	[tilespmem:$0x11000] =	vst v63  }
0x91: {  	(ifvalue) =	ssetifvalue $0x7FFFFFFF  }
0x92: {  	(ifvalue) =	ssetifvalue $0x7FFFFFFF  }
0x93: {  	[tilespmem:s25], [sflag:$0x1] =	stream.indirect_vreg.gather [hbm4b:s2+s11], $0x1, v11, vm0, $0x4038;
	[tilespmem:$0x11000] =	vst v63  }
0x94: {  	(ifvalue) =	ssetifvalue $0x7FFFFFFF  }
0x95: {  	s24 =	sadd.s32 $0x4180, s23;
	s25 =	sadd.s32 $0x4200, s23;
	(ifvalue) =	ssetifvalue $0x7FFFFFFF  }
0x96: {  	[tilespmem:s24], [sflag:$0x1] =	stream.indirect_vreg.gather [hbm4b:s2+s11], $0x1, v12, vm0, $0x4038;
	[tilespmem:$0x11000] =	vst v63  }
0x97: {  	(ifvalue) =	ssetifvalue $0x7FFFFFFF  }
0x98: {  	s24 =	sadd.s32 $0x4280, s23;
	(ifvalue) =	ssetifvalue $0x7FFFFFFF  }
0x99: {  	[tilespmem:s25], [sflag:$0x1] =	stream.indirect_vreg.gather [hbm4b:s2+s11], $0x1, v3, vm0, $0x4038;
	[tilespmem:$0x11000] =	vst v63  }
0x9a: {  	(ifvalue) =	ssetifvalue $0x7FFFFFFF  }
.Ltmp3:
0x9b: {  	s25 =	sadd.s32 $0x4300, s23;
	(ifvalue) =	ssetifvalue $0x7FFFFFFF;
	(pc) =	sbr.rel @p1 .LBB2_3-.Ltmp3, $4  }
0x9c: {  	[tilespmem:s24], [sflag:$0x1] =	stream.indirect_vreg.gather [hbm4b:s2+s11], $0x1, v13, vm0, $0x4038;
	[tilespmem:$0x11000] =	vst v63  }
0x9d: {  	s20 =	sadd.s32 $0xFFFFFFF0, s20;
	s19 =	sadd.s32 $0x10, s19;
	(ifvalue) =	ssetifvalue $0x7FFFFFFF  }
0x9e: {  	s21 =	sadd.s32 $0x80, s21;
	s23 =	sadd.s32 $0x4380, s23;
	(ifvalue) =	ssetifvalue $0x7FFFFFFF  }
0x9f: {  	[tilespmem:s25], [sflag:$0x1] =	stream.indirect_vreg.gather [hbm4b:s2+s11], $0x1, v14, vm0, $0x4038;
	[tilespmem:$0x11000] =	vst v63  }
.Ltmp4:
0xa0: {  	_ = 	snop;
	(pc) =	sbr.rel .LBB2_4-.Ltmp4, $1  }
0xa1: {  	_ =	sdelay $0x3  }
.LBB2_6:
0xa2: {  	_ =	sfence.sel $0x180000  }
0xa3: {  	s2 =	simm.s32 $0x2;
	[bflag:$0x0] =	sbarrier.arrive $0xFFFF  }
0xa4: {  	s30 =	simm.s32 $0x3;
	[sflag:s2] =	ssyncpa.u1 $0x1  }
0xa5: {  	s31 =	simm.s32 $0x1;
	[sflag:s30] =	ssyncpa.u1 $0x1  }
0xa6: {  	[sflag:s31] =	ssyncpa.u1 $0x1  }
0xa7: {  	p0 =	sne.s32 s1, $0x0;
	_ =	strace $0x90000050  }
0xa8: {  	s0 =	sadd.s32 @!p0 $0x100000, s0;
	[bflag:$0x2] =	sbarrier.arrive $0xFFFF  }
0xa9: {  	[sflag:s0] =	ssyncadd.tile.s32 @!p0 $0x1;
	_ =	shalt  }
.Lfunc_end2:
_tile_overlayer_lowered:
.L_overlay_start_2:
0xaa: {  	(tag) =	ssettag $0x2  }
0xab: {  	s0 =	rddreg [dreg:$0x0];
	s2 =	stileid.u32  }
0xac: {  	s1 =	rddreg [dreg:$0x1];
	p0 =	sne.s32 s2, $0x0  }
0xad: {  	s3 =	rddreg [dreg:$0x2];
	[bflag:$0x3] =	sbarrier.arrive $0xFFFF;
	s2 =	simm.s32 @!p0 $0x1C01  }
0xae: {  	[timem:s3], [sflag:s2] =	dma.local @!p0 [hbm:s0], s1  }
0xaf: {  	s0 =	simm.s32 @!p0 $0x1  }
0xb0: {  	_ =	swait.ge @!p0 [sflag:s0], s1  }
0xb1: {  	s1 =	ssub.s32 @!p0 $0x0, s1;
	[sflag:s0] =	ssyncset.done @!p0 $0x0  }
0xb2: {  	[sflag:s0] =	ssyncadd.s32 @!p0 s1  }
0xb3: {  	[bflag:$0x3] =	sbarrier.arrive $0xFFFF  }
0xb4: {  	_ =	shalt  }

// kernel: kernel.12.cloned.1.call-start
scs
__scs_entry_jumppad:
0x0: {  	(pc) =	sbr.rel $0x88, $3  }
0x1: {  	(tag) =	ssettag $0x0;
	lr =	simm.s32 $0x1  }
0x2: {  	[smem:$0x3F9E] =	sst lr;
	_ =	strace $0xD0000000  }
0x3: {  	_ = 	snop  }
0x4: {  	_ = 	snop  }
0x5: {  	_ = 	snop  }
0x6: {  	_ = 	snop  }
0x7: {  	_ = 	snop  }
__scs_overlays_trampoline_lowered:
0x8: {  	[smem:$0x3FAD] =	sst s0  }
0x9: {  	[smem:$0x3FAE] =	sst s1  }
0xa: {  	[smem:$0x3FAF] =	sst s2  }
0xb: {  	[smem:$0x3FB0] =	sst s3  }
0xc: {  	[smem:$0x3FB1] =	sst s4  }
0xd: {  	[smem:$0x3FB2] =	sst s5  }
0xe: {  	[smem:$0x3FB3] =	sst s6  }
0xf: {  	[smem:$0x3FB4] =	sst s7  }
0x10: {  	[smem:$0x3FB5] =	sst s8  }
0x11: {  	[smem:$0x3FB6] =	sst s9;
	s0 =	simm.s32 @!p0 $0x0  }
0x12: {  	s1 =	sld [smem:$0x3F9C];
	s0 =	simm.s32 @p0 $0x1  }
0x13: {  	[smem:$0x3FB7] =	sst s0;
	s0 =	simm.s32 @!p1 $0x0  }
0x14: {  	s2 =	sld [smem:$0x3F9B];
	s0 =	simm.s32 @p1 $0x1  }
0x15: {  	[smem:$0x3FB8] =	sst s0;
	s0 =	simm.s32 @!p2 $0x0  }
0x16: {  	s3 =	sld [smem:$0x3FDB];
	s0 =	simm.s32 @p2 $0x1  }
0x17: {  	s4 =	simm.s32 $0x1BF5;
	[smem:$0x3FBA] =	sst s0  }
0x18: {  	s0 =	sld [smem:$0x3F9D];
	_ =	swait.ge [sflag:s4], $0x0  }
0x19: {  	s7 =	sld [smem:$0x3F9E]  }
0x1a: {  	s8 =	sadd.s32 $0xFFFFE003, lr  }
0x1b: {  	s9 =	sadd.s32 $0xFFFFFEF7, lr;
	s5 =	simm.s32 $0xFFFFFFFF;
	p2 =	slt.u32 s8, $0xFFFFF086  }
0x1c: {  	p1 =	slt.u32 s9, $0xF7A;
	s5 =	simm.s32 @!p2 $0x0  }
0x1d: {  	s5 =	simm.s32 @p1 $0x1;
	p0 =	seq.s32 s7, s2  }
0x1e: {  	s7 =	smul.u32 @!p0 $0xF7A, s2;
	p2 =	seq.s32 @!p0 s5, $0x0  }
0x1f: {  	s9 =	smul.u32 $0xF7A, s1;
	s8 =	simm.s32 @!p0 $0x1BF5;
	p2 =	por !p2, p0  }
0x20: {  	[sflag:s8] =	ssyncset.s32 @!p0 $0xFFFFF086;
	s6 =	sadd.s32 @!p0 s3, s7;
	s7 =	simm.s32 @!p0 $0x108  }
0x21: {  	s3 =	sadd.s32 s3, s9;
	s6 =	sadd.s32 @!p0 $0x88, s6;
	s7 =	simm.s32 @p2 $0x1082  }
0x22: {  	[simem:s7], [sflag:s8] =	dma.local @!p0 [hbm:s6], $0xF7A  }
0x23: {  	s9 =	sor.u32 $0xD0000000, s2;
	s6 =	simm.s32 $0x108;
	_ =	swait.ge @!p0 [sflag:s8], $0x0  }
0x24: {  	s3 =	sadd.s32 $0x88, s3;
	s6 =	simm.s32 @!p1 $0x1082;
	[sflag:s4] =	ssyncset.s32 $0xFFFFF086  }
0x25: {  	[simem:s6], [sflag:s4] =	dma.local [hbm:s3], $0xF7A  }
0x26: {  	[smem:$0x3F9E] =	sst s1;
	(tag) =	ssettag s2;
	_ =	strace s9  }
0x27: {  	s1 =	sld [smem:$0x3FAE]  }
0x28: {  	s2 =	sld [smem:$0x3FAF]  }
0x29: {  	s4 =	sld [smem:$0x3FB1]  }
0x2a: {  	p0 =	seq.s32 s5, $0x0;
	s5 =	sld [smem:$0x3FB2]  }
0x2b: {  	s6 =	sld [smem:$0x3FB3]  }
0x2c: {  	s7 =	sld [smem:$0x3FB4]  }
0x2d: {  	s3 =	simm.s32 $0x108;
	s8 =	sld [smem:$0x3FB5]  }
0x2e: {  	s3 =	simm.s32 @!p0 $0x1082;
	s9 =	sld [smem:$0x3FB6]  }
0x2f: {  	lr =	sadd.s32 s0, s3;
	s0 =	sld [smem:$0x3FAD]  }
0x30: {  	s3 =	sld [smem:$0x3FB0]  }
0x31: {  	[smem:$0x3FB9] =	sst s10  }
0x32: {  	s10 =	sld [smem:$0x3FB7];
	_ =	sdelay $0x3  }
0x33: {  	p0 =	seq.s32 s10, $0x1;
	s10 =	sld [smem:$0x3FB9];
	_ =	sdelay $0x3  }
0x34: {  	[smem:$0x3FB9] =	sst s10  }
0x35: {  	s10 =	sld [smem:$0x3FB8];
	_ =	sdelay $0x3  }
0x36: {  	p1 =	seq.s32 s10, $0x1;
	s10 =	sld [smem:$0x3FB9];
	_ =	sdelay $0x3  }
0x37: {  	[smem:$0x3FB9] =	sst s10  }
0x38: {  	s10 =	sld [smem:$0x3FBA]  }
0x39: {  	_ = 	snop;
	(pc) =	sbr.ind lr, $3  }
0x3a: {  	_ = 	snop  }
0x3b: {  	_ = 	snop  }
0x3c: {  	p2 =	seq.s32 s10, $0x1;
	s10 =	sld [smem:$0x3FB9]  }
0x3d: {  	_ =	shalt  }
0x3e: {  	_ =	shalt  }
0x3f: {  	_ =	shalt  }
0x40: {  	_ =	shalt  }
0x41: {  	_ =	shalt  }
0x42: {  	_ =	shalt  }
0x43: {  	_ =	shalt  }
0x44: {  	_ =	shalt  }
0x45: {  	_ =	shalt  }
0x46: {  	_ =	shalt  }
0x47: {  	_ =	shalt  }
0x48: {  	_ =	shalt  }
0x49: {  	_ =	shalt  }
0x4a: {  	_ =	shalt  }
0x4b: {  	_ =	shalt  }
0x4c: {  	_ =	shalt  }
0x4d: {  	_ =	shalt  }
0x4e: {  	_ =	shalt  }
0x4f: {  	_ =	shalt  }
0x50: {  	_ =	shalt  }
0x51: {  	_ =	shalt  }
0x52: {  	_ =	shalt  }
0x53: {  	_ =	shalt  }
0x54: {  	_ =	shalt  }
0x55: {  	_ =	shalt  }
0x56: {  	_ =	shalt  }
0x57: {  	_ =	shalt  }
0x58: {  	_ =	shalt  }
0x59: {  	_ =	shalt  }
0x5a: {  	_ =	shalt  }
0x5b: {  	_ =	shalt  }
0x5c: {  	_ =	shalt  }
0x5d: {  	_ =	shalt  }
0x5e: {  	_ =	shalt  }
0x5f: {  	_ =	shalt  }
0x60: {  	_ =	shalt  }
0x61: {  	_ =	shalt  }
0x62: {  	_ =	shalt  }
0x63: {  	_ =	shalt  }
0x64: {  	_ =	shalt  }
0x65: {  	_ =	shalt  }
0x66: {  	_ =	shalt  }
0x67: {  	_ =	shalt  }
0x68: {  	_ =	shalt  }
0x69: {  	_ =	shalt  }
0x6a: {  	_ =	shalt  }
0x6b: {  	_ =	shalt  }
0x6c: {  	_ =	shalt  }
0x6d: {  	_ =	shalt  }
0x6e: {  	_ =	shalt  }
0x6f: {  	_ =	shalt  }
0x70: {  	_ =	shalt  }
0x71: {  	_ =	shalt  }
0x72: {  	_ =	shalt  }
0x73: {  	_ =	shalt  }
0x74: {  	_ =	shalt  }
0x75: {  	_ =	shalt  }
0x76: {  	_ =	shalt  }
0x77: {  	_ =	shalt  }
0x78: {  	_ =	shalt  }
0x79: {  	_ =	shalt  }
0x7a: {  	_ =	shalt  }
0x7b: {  	_ =	shalt  }
0x7c: {  	_ =	shalt  }
0x7d: {  	_ =	shalt  }
0x7e: {  	_ =	shalt  }
0x7f: {  	_ =	shalt  }
0x80: {  	_ =	shalt  }
0x81: {  	_ =	shalt  }
0x82: {  	_ =	shalt  }
0x83: {  	_ =	shalt  }
0x84: {  	_ =	shalt  }
0x85: {  	_ =	shalt  }
0x86: {  	_ =	shalt  }
0x87: {  	_ =	shalt  }
.Lfunc_end0:
.L_simem_size_0:
called_computation.5_lowered:
.L_overlay_start_0:
0x88: {  	s2 =	sld [smem:$0x3FD9]  }
0x89: {  	s3 =	sld [smem:$0x3FFE];
	_ =	sdelay $0x1  }
0x8a: {  	s1 =	srdreg.scid  }
0x8b: {  	s0 =	sand.u32 $0x1, s1  }
0x8c: {  	s16 =	sshll.u32 s0, $0xA;
	s2 =	sadd.s32 s3, s2  }
0x8d: {  	s2 =	sadd.s32 s2, s16  }
0x8e: {  	[smem:$0x3FC5] =	sst s2  }
0x8f: {  	_ = 	snop  }
0x90: {  	(tm) =	ssettm $0x1  }
0x91: {  	s17 =	sld [smem:$0x3FFB];
	_ =	sdelay $0x3  }
0x92: {  	_ =	strace s17  }
0x93: {  	s2 =	sld [smem:$0x3FFC];
	_ =	sdelay $0x3  }
0x94: {  	_ =	strace s2  }
0x95: {  	s2 =	sld [smem:$0x3FFD];
	_ =	sdelay $0x3  }
0x96: {  	_ =	strace s2  }
0x97: {  	_ =	strace $0x8FFFFFFF  }
0x98: {  	s18 =	sld [smem:$0x3FDB];
	_ =	sdelay $0x1  }
0x99: {  	s19 =	simm.s32 $_scs_section_size  }
0x9a: {  	s4 =	simm.s32 $_size__tile_overlayer_lowered;
	s5 =	simm.s32 $_tile_overlayer_lowered  }
0x9b: {  	s22 =	simm.s32 $0x1BFF;
	s21 =	sshll.u32 s5, $0x1;
	s2 =	sadd.s32 s19, s18  }
0x9c: {  	s6 =	simm.s32 $0x0;
	s20 =	sshll.u32 s4, $0x1;
	s4 =	sadd.s32 s21, s2  }
0x9d: {  	[timem:s6], [sflag:s22] =	dma.local [hbm:s4], s20  }
0x9e: {  	_ =	swait.ge [sflag:s22], s20  }
0x9f: {  	s3 =	ssub.s32 $0x0, s20;
	[sflag:s22] =	ssyncset.done $0x0  }
0xa0: {  	[sflag:s22] =	ssyncadd.s32 s3;
	_ =	sdelay $0x1  }
0xa1: {  	s23 =	simm.s32 $0x1B8B  }
0xa2: {  	_ =	swait.ge [sflag:s23], $0x1  }
0xa3: {  	[sflag:s23] =	ssyncset.done $0x0  }
0xa4: {  	s25 =	simm.s32 $0x1B8E;
	s24 =	sld [smem:$0x3FFE];
	[sflag:s23] =	ssyncadd.s32 $0xFFFFFFFF  }
0xa5: {  	s26 =	simm.s32 $execute0_lowered;
	[smem:$0x3FD2] =	sst s25  }
0xa6: {  	s4 =	sshll.u32 s26, $0x1;
	_ =	strace $0x80000055;
	[dreg:$0x1] =	wrdreg $0xFFFFFFFF  }
0xa7: {  	s28 =	simm.s32 $_size_execute0_lowered;
	s2 =	sadd.s32 s2, s4;
	[dreg:$0x0] =	wrdreg $0x0  }
0xa8: {  	s4 =	sshll.u32 s28, $0x1;
	[dreg:$0x2] =	wrdreg s2  }
0xa9: {  	[dreg:$0x3] =	wrdreg s4  }
0xaa: {  	[dreg:$0x4] =	wrdreg $0xC0  }
0xab: {  	_ =	task [dreg:s6], $0x5FFFF  }
0xac: {  	[dreg:$0x1] =	wrdreg $0xFFFFFFFF  }
0xad: {  	[dreg:$0x0] =	wrdreg $0x60  }
0xae: {  	[dreg:$0x2] =	wrdreg s24  }
0xaf: {  	[dreg:$0x3] =	wrdreg $0x9  }
0xb0: {  	_ =	task.clear_ibuf [dreg:s6], $0x4FFFF;
	_ =	strace $0x90000055  }
0xb1: {  	s29 =	simm.s32 $0x9;
	_ =	strace $0x80000057  }
0xb2: {  	_ =	swait.ge [sflag:s29], $0x1  }
0xb3: {  	[sflag:s29] =	ssyncadd.s32 $0xFFFFFFFF  }
0xb4: {  	_ =	strace $0x90000057  }
0xb5: {  	_ =	sfence  }
0xb6: {  	s30 =	sld [smem:$0x0];
	_ =	sdelay $0x2  }
0xb7: {  	s31 =	sshll.u32 s1, $0xD;
	s1 =	sshrl.u32 s1, $0x2  }
0xb8: {  	s3 =	sand.u32 $0x4000, s31;
	s1 =	sadd.s32 s1, s30  }
0xb9: {  	s0 =	sor.u32 s3, s0;
	s1 =	sshll.u32 s1, $0x11  }
0xba: {  	s0 =	sor.u32 s1, s0  }
0xbb: {  	s0 =	sadd.s32 $0x8F2B, s0  }
0xbc: {  	[sflag:s0] =	ssyncadd.remote.s32 $0x1  }
0xbd: {  	_ =	sfence.sel $0xFFFF  }
0xbe: {  	[dreg:$0x0] =	wrdreg $0xFFFFFFFF;
	(pc) =	sbr.abs _section_cstart, $3  }
0xbf: {  	[dreg:$0x1] =	wrdreg $0xFFFFFFFF  }
0xc0: {  	_ =	task.clear_ibuf [dreg:s6], $0x2FFFF;
	_ =	strace $0x9FFFFFFF  }
0xc1: {  	(tm) =	ssettm $0x7FFFFFFF  }
tec
execute0_lowered:
.L_overlay_start_1:
0x0: {  	(tag) =	ssettag $0x1  }
0x1: {  	s5 =	rddreg [dreg:$0x0]  }
0x2: {  	s0 =	rddreg [dreg:$0x1]  }
0x3: {  	s1 =	simm.s32 $0x0;
	s2 =	srdreg.scid;
	s10 =	simm.s32 $0x1  }
0x4: {  	s11 =	simm.s32 $0x0;
	[smem:$0x7FF] =	sst s1;
	s6 =	sand.u32 $0x1, s2  }
0x5: {  	s3 =	sadd.s32 $0x610C00, s5;
	s2 =	stileid.u32;
	s4 =	sadd.s32 $0x3000, s5  }
0x6: {  	_ =	strace $0x80000056;
	s7 =	ssub.s32 $0x2, s6;
	s9 =	sshll.u32 s2, $0x11  }
0x7: {  	s29 =	sshll.u32 s6, $0x10;
	s30 =	sshll.u32 s2, $0xA;
	s8 =	sshrl.u32 s7, $0x1  }
0x8: {  	s31 =	sshll.u32 s6, $0x9;
	s28 =	sadd.s32 s9, s5;
	s7 =	ssub.s32 s7, s8  }
0x9: {  	s9 =	simm.s32 $0x80;
	s5 =	smax.u32 s7, $0x1;
	s7 =	sadd.s32 s29, s28  }
0xa: {  	s8 =	simm.s32 $0x2;
	s6 =	sadd.s32 $0x7000, s7;
	s7 =	sor.u32 s31, s30  }
.LBB2_1:
0xb: {  	s12 =	sadd.s32 $0x0, s7;
	s13 =	sand.u32 $0x70, s1  }
0xc: {  	s12 =	sand.u32 $0x3F80, s12;
	s13 =	sadd.s32 s4, s13  }
0xd: {  	s12 =	sadd.s32 s12, s13  }
0xe: {  	[tilespmem:s1], [sflag:$0x2] =	stream.linear.gather [hbm4b:s12+s1], $0x80, $0x38;
	[tilespmem:$0x4080] =	vst v63  }
0xf: {  	_ =	swait.ge [sflag:s8], $0x80  }
0x10: {  	[sflag:s8] =	ssyncset.done $0x0  }
0x11: {  	[sflag:s8] =	ssyncadd.s32 $0xFFFFFF80  }
0x12: {  	[tilespmem:s9], [sflag:$0x1] =	stream.indirect.gather [hbm4b:s3+s9], $0x80, s1, s9, $0xb8;
	[tilespmem:$0x4080] =	vst v63  }
0x13: {  	_ =	swait.ge [sflag:s10], $0x4000  }
0x14: {  	s14 =	simm.s32 $0x10;
	[sflag:s10] =	ssyncset.done $0x0  }
0x15: {  	s15 =	sadd.s32 $0x10, s7;
	s16 =	sand.u32 $0x70, s14;
	[sflag:s10] =	ssyncadd.s32 $0xFFFFC000  }
0x16: {  	[hbm4b:s6+s1] =	stream.linear.scatter [tilespmem:s9], [sflag:$0x2], $0x4000, $0x38;
	[tilespmem:$0x4080] =	vst v63  }
0x17: {  	s14 =	sand.u32 $0x3F80, s15;
	s13 =	simm.s32 $0x20;
	_ =	swait.ge [sflag:s8], $0x4000  }
0x18: {  	s15 =	sadd.s32 s4, s16;
	s12 =	sadd.s32 $0x800, s6;
	[sflag:s8] =	ssyncset.done $0x0  }
.LBB2_2:
0x19: {  	s14 =	sadd.s32 s14, s15;
	[sflag:s8] =	ssyncadd.s32 $0xFFFFC000  }
0x1a: {  	s15 =	smov.u32 s13;
	s16 =	sadd.s32 $0x10, s13;
	s17 =	smov.u32 s12  }
0x1b: {  	[tilespmem:s1], [sflag:$0x2] =	stream.linear.gather [hbm4b:s14+s1], $0x80, $0x38;
	[tilespmem:$0x4080] =	vst v63  }
0x1c: {  	p0 =	sne.s32 s13, $0x1F0;
	_ =	swait.ge [sflag:s8], $0x80  }
0x1d: {  	[sflag:s8] =	ssyncset.done $0x0  }
0x1e: {  	[sflag:s8] =	ssyncadd.s32 $0xFFFFFF80  }
0x1f: {  	[tilespmem:s9], [sflag:$0x1] =	stream.indirect.gather [hbm4b:s3+s9], $0x80, s1, s9, $0xb8;
	[tilespmem:$0x4080] =	vst v63  }
0x20: {  	_ =	swait.ge [sflag:s10], $0x4000  }
.Ltmp0:
0x21: {  	[sflag:s10] =	ssyncset.done $0x0;
	(pc) =	sbr.rel @p0 .LBB2_2-.Ltmp0, $4  }
0x22: {  	s12 =	sadd.s32 $0x800, s12;
	s13 =	sadd.s32 s15, s7;
	[sflag:s10] =	ssyncadd.s32 $0xFFFFC000  }
0x23: {  	[hbm4b:s17+s1] =	stream.linear.scatter [tilespmem:s9], [sflag:$0x2], $0x4000, $0x38;
	[tilespmem:$0x4080] =	vst v63  }
0x24: {  	s15 =	sand.u32 $0x70, s15;
	s14 =	sand.u32 $0x3F80, s13;
	_ =	swait.ge [sflag:s8], $0x4000  }
0x25: {  	s15 =	sadd.s32 s4, s15;
	s13 =	smov.u32 s16;
	[sflag:s8] =	ssyncset.done $0x0  }
0x26: {  	s13 =	sadd.s32 s14, s15;
	[sflag:s8] =	ssyncadd.s32 $0xFFFFC000  }
0x27: {  	[tilespmem:s1], [sflag:$0x2] =	stream.linear.gather [hbm4b:s13+s1], $0x80, $0x38;
	[tilespmem:$0x4080] =	vst v63  }
0x28: {  	_ =	swait.ge [sflag:s8], $0x80  }
0x29: {  	[sflag:s8] =	ssyncset.done $0x0  }
0x2a: {  	[sflag:s8] =	ssyncadd.s32 $0xFFFFFF80  }
0x2b: {  	[tilespmem:s9], [sflag:$0x1] =	stream.indirect.gather [hbm4b:s3+s9], $0x80, s1, s9, $0xb8;
	[tilespmem:$0x4080] =	vst v63  }
0x2c: {  	s11 =	sadd.s32 $0x1, s11;
	_ =	swait.ge [sflag:s10], $0x4000  }
0x2d: {  	p0 =	sne.s32 s11, s5;
	[sflag:s10] =	ssyncset.done $0x0  }
.Ltmp1:
0x2e: {  	[sflag:s10] =	ssyncadd.s32 $0xFFFFC000;
	(pc) =	sbr.rel @p0 .LBB2_1-.Ltmp1, $4  }
0x2f: {  	[hbm4b:s12+s1] =	stream.linear.scatter [tilespmem:s9], [sflag:$0x2], $0x4000, $0x38;
	[tilespmem:$0x4080] =	vst v63  }
0x30: {  	_ =	swait.ge [sflag:s8], $0x4000  }
0x31: {  	[sflag:s8] =	ssyncset.done $0x0  }
0x32: {  	[sflag:s8] =	ssyncadd.s32 $0xFFFFC000  }
0x33: {  	_ =	sfence.sel $0x180000  }
0x34: {  	[bflag:$0x0] =	sbarrier.arrive $0xFFFF  }
0x35: {  	p0 =	sne.s32 s2, $0x0;
	_ =	strace $0x90000056  }
0x36: {  	s0 =	sadd.s32 @!p0 $0x100000, s0;
	[bflag:$0x2] =	sbarrier.arrive $0xFFFF  }
0x37: {  	[sflag:s0] =	ssyncadd.tile.s32 @!p0 $0x1;
	_ =	shalt  }
.Lfunc_end2:
_tile_overlayer_lowered:
.L_overlay_start_2:
0x38: {  	(tag) =	ssettag $0x2  }
0x39: {  	s0 =	rddreg [dreg:$0x0];
	s2 =	stileid.u32  }
0x3a: {  	s1 =	rddreg [dreg:$0x1];
	p0 =	sne.s32 s2, $0x0  }
0x3b: {  	s3 =	rddreg [dreg:$0x2];
	[bflag:$0x3] =	sbarrier.arrive $0xFFFF;
	s2 =	simm.s32 @!p0 $0x1C02  }
0x3c: {  	[timem:s3], [sflag:s2] =	dma.local @!p0 [hbm:s0], s1  }
0x3d: {  	s0 =	simm.s32 @!p0 $0x2  }
0x3e: {  	_ =	swait.ge @!p0 [sflag:s0], s1  }
0x3f: {  	s1 =	ssub.s32 @!p0 $0x0, s1;
	[sflag:s0] =	ssyncset.done @!p0 $0x0  }
0x40: {  	[sflag:s0] =	ssyncadd.s32 @!p0 s1  }
0x41: {  	[bflag:$0x3] =	sbarrier.arrive $0xFFFF  }
0x42: {  	_ =	shalt  }

// kernel: kernel.9.cloned.1.call-start
scs
__scs_entry_jumppad:
0x0: {  	(pc) =	sbr.rel $0x88, $3  }
0x1: {  	(tag) =	ssettag $0x0;
	lr =	simm.s32 $0x1  }
0x2: {  	[smem:$0x3F9E] =	sst lr;
	_ =	strace $0xD0000000  }
0x3: {  	_ = 	snop  }
0x4: {  	_ = 	snop  }
0x5: {  	_ = 	snop  }
0x6: {  	_ = 	snop  }
0x7: {  	_ = 	snop  }
__scs_overlays_trampoline_lowered:
0x8: {  	[smem:$0x3FAD] =	sst s0  }
0x9: {  	[smem:$0x3FAE] =	sst s1  }
0xa: {  	[smem:$0x3FAF] =	sst s2  }
0xb: {  	[smem:$0x3FB0] =	sst s3  }
0xc: {  	[smem:$0x3FB1] =	sst s4  }
0xd: {  	[smem:$0x3FB2] =	sst s5  }
0xe: {  	[smem:$0x3FB3] =	sst s6  }
0xf: {  	[smem:$0x3FB4] =	sst s7  }
0x10: {  	[smem:$0x3FB5] =	sst s8  }
0x11: {  	[smem:$0x3FB6] =	sst s9;
	s0 =	simm.s32 @!p0 $0x0  }
0x12: {  	s1 =	sld [smem:$0x3F9C];
	s0 =	simm.s32 @p0 $0x1  }
0x13: {  	[smem:$0x3FB7] =	sst s0;
	s0 =	simm.s32 @!p1 $0x0  }
0x14: {  	s2 =	sld [smem:$0x3F9B];
	s0 =	simm.s32 @p1 $0x1  }
0x15: {  	[smem:$0x3FB8] =	sst s0;
	s0 =	simm.s32 @!p2 $0x0  }
0x16: {  	s3 =	sld [smem:$0x3FDB];
	s0 =	simm.s32 @p2 $0x1  }
0x17: {  	s4 =	simm.s32 $0x1BF5;
	[smem:$0x3FBA] =	sst s0  }
0x18: {  	s0 =	sld [smem:$0x3F9D];
	_ =	swait.ge [sflag:s4], $0x0  }
0x19: {  	s7 =	sld [smem:$0x3F9E]  }
0x1a: {  	s8 =	sadd.s32 $0xFFFFE003, lr  }
0x1b: {  	s9 =	sadd.s32 $0xFFFFFEF7, lr;
	s5 =	simm.s32 $0xFFFFFFFF;
	p2 =	slt.u32 s8, $0xFFFFF086  }
0x1c: {  	p1 =	slt.u32 s9, $0xF7A;
	s5 =	simm.s32 @!p2 $0x0  }
0x1d: {  	s5 =	simm.s32 @p1 $0x1;
	p0 =	seq.s32 s7, s2  }
0x1e: {  	s7 =	smul.u32 @!p0 $0xF7A, s2;
	p2 =	seq.s32 @!p0 s5, $0x0  }
0x1f: {  	s9 =	smul.u32 $0xF7A, s1;
	s8 =	simm.s32 @!p0 $0x1BF5;
	p2 =	por !p2, p0  }
0x20: {  	[sflag:s8] =	ssyncset.s32 @!p0 $0xFFFFF086;
	s6 =	sadd.s32 @!p0 s3, s7;
	s7 =	simm.s32 @!p0 $0x108  }
0x21: {  	s3 =	sadd.s32 s3, s9;
	s6 =	sadd.s32 @!p0 $0x88, s6;
	s7 =	simm.s32 @p2 $0x1082  }
0x22: {  	[simem:s7], [sflag:s8] =	dma.local @!p0 [hbm:s6], $0xF7A  }
0x23: {  	s9 =	sor.u32 $0xD0000000, s2;
	s6 =	simm.s32 $0x108;
	_ =	swait.ge @!p0 [sflag:s8], $0x0  }
0x24: {  	s3 =	sadd.s32 $0x88, s3;
	s6 =	simm.s32 @!p1 $0x1082;
	[sflag:s4] =	ssyncset.s32 $0xFFFFF086  }
0x25: {  	[simem:s6], [sflag:s4] =	dma.local [hbm:s3], $0xF7A  }
0x26: {  	[smem:$0x3F9E] =	sst s1;
	(tag) =	ssettag s2;
	_ =	strace s9  }
0x27: {  	s1 =	sld [smem:$0x3FAE]  }
0x28: {  	s2 =	sld [smem:$0x3FAF]  }
0x29: {  	s4 =	sld [smem:$0x3FB1]  }
0x2a: {  	p0 =	seq.s32 s5, $0x0;
	s5 =	sld [smem:$0x3FB2]  }
0x2b: {  	s6 =	sld [smem:$0x3FB3]  }
0x2c: {  	s7 =	sld [smem:$0x3FB4]  }
0x2d: {  	s3 =	simm.s32 $0x108;
	s8 =	sld [smem:$0x3FB5]  }
0x2e: {  	s3 =	simm.s32 @!p0 $0x1082;
	s9 =	sld [smem:$0x3FB6]  }
0x2f: {  	lr =	sadd.s32 s0, s3;
	s0 =	sld [smem:$0x3FAD]  }
0x30: {  	s3 =	sld [smem:$0x3FB0]  }
0x31: {  	[smem:$0x3FB9] =	sst s10  }
0x32: {  	s10 =	sld [smem:$0x3FB7];
	_ =	sdelay $0x3  }
0x33: {  	p0 =	seq.s32 s10, $0x1;
	s10 =	sld [smem:$0x3FB9];
	_ =	sdelay $0x3  }
0x34: {  	[smem:$0x3FB9] =	sst s10  }
0x35: {  	s10 =	sld [smem:$0x3FB8];
	_ =	sdelay $0x3  }
0x36: {  	p1 =	seq.s32 s10, $0x1;
	s10 =	sld [smem:$0x3FB9];
	_ =	sdelay $0x3  }
0x37: {  	[smem:$0x3FB9] =	sst s10  }
0x38: {  	s10 =	sld [smem:$0x3FBA]  }
0x39: {  	_ = 	snop;
	(pc) =	sbr.ind lr, $3  }
0x3a: {  	_ = 	snop  }
0x3b: {  	_ = 	snop  }
0x3c: {  	p2 =	seq.s32 s10, $0x1;
	s10 =	sld [smem:$0x3FB9]  }
0x3d: {  	_ =	shalt  }
0x3e: {  	_ =	shalt  }
0x3f: {  	_ =	shalt  }
0x40: {  	_ =	shalt  }
0x41: {  	_ =	shalt  }
0x42: {  	_ =	shalt  }
0x43: {  	_ =	shalt  }
0x44: {  	_ =	shalt  }
0x45: {  	_ =	shalt  }
0x46: {  	_ =	shalt  }
0x47: {  	_ =	shalt  }
0x48: {  	_ =	shalt  }
0x49: {  	_ =	shalt  }
0x4a: {  	_ =	shalt  }
0x4b: {  	_ =	shalt  }
0x4c: {  	_ =	shalt  }
0x4d: {  	_ =	shalt  }
0x4e: {  	_ =	shalt  }
0x4f: {  	_ =	shalt  }
0x50: {  	_ =	shalt  }
0x51: {  	_ =	shalt  }
0x52: {  	_ =	shalt  }
0x53: {  	_ =	shalt  }
0x54: {  	_ =	shalt  }
0x55: {  	_ =	shalt  }
0x56: {  	_ =	shalt  }
0x57: {  	_ =	shalt  }
0x58: {  	_ =	shalt  }
0x59: {  	_ =	shalt  }
0x5a: {  	_ =	shalt  }
0x5b: {  	_ =	shalt  }
0x5c: {  	_ =	shalt  }
0x5d: {  	_ =	shalt  }
0x5e: {  	_ =	shalt  }
0x5f: {  	_ =	shalt  }
0x60: {  	_ =	shalt  }
0x61: {  	_ =	shalt  }
0x62: {  	_ =	shalt  }
0x63: {  	_ =	shalt  }
0x64: {  	_ =	shalt  }
0x65: {  	_ =	shalt  }
0x66: {  	_ =	shalt  }
0x67: {  	_ =	shalt  }
0x68: {  	_ =	shalt  }
0x69: {  	_ =	shalt  }
0x6a: {  	_ =	shalt  }
0x6b: {  	_ =	shalt  }
0x6c: {  	_ =	shalt  }
0x6d: {  	_ =	shalt  }
0x6e: {  	_ =	shalt  }
0x6f: {  	_ =	shalt  }
0x70: {  	_ =	shalt  }
0x71: {  	_ =	shalt  }
0x72: {  	_ =	shalt  }
0x73: {  	_ =	shalt  }
0x74: {  	_ =	shalt  }
0x75: {  	_ =	shalt  }
0x76: {  	_ =	shalt  }
0x77: {  	_ =	shalt  }
0x78: {  	_ =	shalt  }
0x79: {  	_ =	shalt  }
0x7a: {  	_ =	shalt  }
0x7b: {  	_ =	shalt  }
0x7c: {  	_ =	shalt  }
0x7d: {  	_ =	shalt  }
0x7e: {  	_ =	shalt  }
0x7f: {  	_ =	shalt  }
0x80: {  	_ =	shalt  }
0x81: {  	_ =	shalt  }
0x82: {  	_ =	shalt  }
0x83: {  	_ =	shalt  }
0x84: {  	_ =	shalt  }
0x85: {  	_ =	shalt  }
0x86: {  	_ =	shalt  }
0x87: {  	_ =	shalt  }
.Lfunc_end0:
.L_simem_size_0:
called_computation.4_lowered:
.L_overlay_start_0:
0x88: {  	s2 =	sld [smem:$0x3FD9]  }
0x89: {  	s3 =	sld [smem:$0x3FFE];
	_ =	sdelay $0x1  }
0x8a: {  	s1 =	srdreg.scid  }
0x8b: {  	s0 =	sand.u32 $0x1, s1  }
0x8c: {  	s16 =	sshll.u32 s0, $0xA;
	s2 =	sadd.s32 s3, s2  }
0x8d: {  	s2 =	sadd.s32 s2, s16  }
0x8e: {  	[smem:$0x3FC5] =	sst s2  }
0x8f: {  	_ = 	snop  }
0x90: {  	(tm) =	ssettm $0x1  }
0x91: {  	s17 =	sld [smem:$0x3FFB];
	_ =	sdelay $0x3  }
0x92: {  	_ =	strace s17  }
0x93: {  	s2 =	sld [smem:$0x3FFC];
	_ =	sdelay $0x3  }
0x94: {  	_ =	strace s2  }
0x95: {  	s2 =	sld [smem:$0x3FFD];
	_ =	sdelay $0x3  }
0x96: {  	_ =	strace s2  }
0x97: {  	_ =	strace $0x8FFFFFFF  }
0x98: {  	s18 =	sld [smem:$0x3FDB];
	_ =	sdelay $0x1  }
0x99: {  	s19 =	simm.s32 $_scs_section_size  }
0x9a: {  	s4 =	simm.s32 $_size__tile_overlayer_lowered;
	s5 =	simm.s32 $_tile_overlayer_lowered  }
0x9b: {  	s22 =	simm.s32 $0x1BFF;
	s21 =	sshll.u32 s5, $0x1;
	s2 =	sadd.s32 s19, s18  }
0x9c: {  	s6 =	simm.s32 $0x0;
	s20 =	sshll.u32 s4, $0x1;
	s4 =	sadd.s32 s21, s2  }
0x9d: {  	[timem:s6], [sflag:s22] =	dma.local [hbm:s4], s20  }
0x9e: {  	_ =	swait.ge [sflag:s22], s20  }
0x9f: {  	s3 =	ssub.s32 $0x0, s20;
	[sflag:s22] =	ssyncset.done $0x0  }
0xa0: {  	[sflag:s22] =	ssyncadd.s32 s3;
	_ =	sdelay $0x1  }
0xa1: {  	s23 =	simm.s32 $0x1B8B  }
0xa2: {  	_ =	swait.ge [sflag:s23], $0x1  }
0xa3: {  	[sflag:s23] =	ssyncset.done $0x0  }
0xa4: {  	s25 =	simm.s32 $0x1B8E;
	s24 =	sld [smem:$0x3FFE];
	[sflag:s23] =	ssyncadd.s32 $0xFFFFFFFF  }
0xa5: {  	s26 =	simm.s32 $execute0_lowered;
	[smem:$0x3FD2] =	sst s25  }
0xa6: {  	s4 =	sshll.u32 s26, $0x1;
	_ =	strace $0x80000046;
	[dreg:$0x1] =	wrdreg $0xFFFFFFFF  }
0xa7: {  	s28 =	simm.s32 $_size_execute0_lowered;
	s2 =	sadd.s32 s2, s4;
	[dreg:$0x0] =	wrdreg $0x0  }
0xa8: {  	s4 =	sshll.u32 s28, $0x1;
	[dreg:$0x2] =	wrdreg s2  }
0xa9: {  	[dreg:$0x3] =	wrdreg s4  }
0xaa: {  	[dreg:$0x4] =	wrdreg $0xC0  }
0xab: {  	_ =	task [dreg:s6], $0x5FFFF  }
0xac: {  	[dreg:$0x1] =	wrdreg $0xFFFFFFFF  }
0xad: {  	[dreg:$0x0] =	wrdreg $0x60  }
0xae: {  	[dreg:$0x2] =	wrdreg s24  }
0xaf: {  	[dreg:$0x3] =	wrdreg $0x9  }
0xb0: {  	_ =	task.clear_ibuf [dreg:s6], $0x4FFFF;
	_ =	strace $0x90000046  }
0xb1: {  	s29 =	simm.s32 $0x9;
	_ =	strace $0x80000048  }
0xb2: {  	_ =	swait.ge [sflag:s29], $0x1  }
0xb3: {  	[sflag:s29] =	ssyncadd.s32 $0xFFFFFFFF  }
0xb4: {  	_ =	strace $0x90000048  }
0xb5: {  	_ =	sfence  }
0xb6: {  	s30 =	sld [smem:$0x0];
	_ =	sdelay $0x2  }
0xb7: {  	s31 =	sshll.u32 s1, $0xD;
	s1 =	sshrl.u32 s1, $0x2  }
0xb8: {  	s3 =	sand.u32 $0x4000, s31;
	s1 =	sadd.s32 s1, s30  }
0xb9: {  	s0 =	sor.u32 s3, s0;
	s1 =	sshll.u32 s1, $0x11  }
0xba: {  	s0 =	sor.u32 s1, s0  }
0xbb: {  	s0 =	sadd.s32 $0x8F2B, s0  }
0xbc: {  	[sflag:s0] =	ssyncadd.remote.s32 $0x1  }
0xbd: {  	_ =	sfence.sel $0xFFFF  }
0xbe: {  	[dreg:$0x0] =	wrdreg $0xFFFFFFFF;
	(pc) =	sbr.abs _section_cstart, $3  }
0xbf: {  	[dreg:$0x1] =	wrdreg $0xFFFFFFFF  }
0xc0: {  	_ =	task.clear_ibuf [dreg:s6], $0x2FFFF;
	_ =	strace $0x9FFFFFFF  }
0xc1: {  	(tm) =	ssettm $0x7FFFFFFF  }
tec
execute0_lowered:
.L_overlay_start_1:
0x0: {  	(tag) =	ssettag $0x1  }
0x1: {  	s6 =	rddreg [dreg:$0x0]  }
0x2: {  	s0 =	rddreg [dreg:$0x1];
	s1 =	simm.s32 $0x0;
	s5 =	srdreg.scid  }
0x3: {  	s2 =	stileid.u32;
	s13 =	simm.s32 $0x180;
	s14 =	simm.s32 $0x1  }
0x4: {  	s15 =	simm.s32 $0x100;
	s16 =	simm.s32 $0x4180;
	s17 =	simm.s32 $0x0  }
0x5: {  	[smem:$0x7FF] =	sst s1;
	s3 =	sadd.s32 $0x10DCC00, s6;
	s4 =	sadd.s32 $0x3000, s6  }
0x6: {  	s9 =	sand.u32 $0x1, s5;
	s5 =	sadd.s32 $0x18CC00, s6;
	s7 =	sshll.u32 s2, $0x11  }
0x7: {  	s31 =	smul.u32 $0xC400, s2;
	s12 =	sshll.u32 s2, $0xA;
	_ =	strace $0x80000047  }
0x8: {  	s8 =	ssub.s32 $0x2, s9;
	s6 =	sadd.s32 s7, s6;
	s10 =	sshll.u32 s9, $0x10  }
0x9: {  	s11 =	smul.u32 $0x6200, s9;
	s9 =	sshll.u32 s9, $0x9;
	s29 =	sshrl.u32 s8, $0x1  }
0xa: {  	s30 =	sadd.s32 s10, s6;
	s9 =	sor.u32 s9, s12;
	s12 =	simm.s32 $0x80  }
0xb: {  	s7 =	ssub.s32 s8, s29;
	s8 =	sadd.s32 $0x190C00, s30;
	s10 =	sadd.s32 s11, s31  }
0xc: {  	s11 =	simm.s32 $0x2;
	s6 =	smax.u32 s7, $0x1;
	s7 =	sadd.s32 $0x390C00, s30  }
.LBB2_1:
0xd: {  	s18 =	sadd.s32 $0x0, s9;
	s19 =	sand.u32 $0x70, s1  }
0xe: {  	s18 =	sand.u32 $0x3F80, s18;
	s19 =	sadd.s32 s5, s19  }
0xf: {  	s18 =	sadd.s32 s18, s19  }
0x10: {  	[tilespmem:s1], [sflag:$0x2] =	stream.linear.gather [hbm4b:s18+s1], $0x80, $0x38;
	[tilespmem:$0x8180] =	vst v63  }
0x11: {  	_ =	swait.ge [sflag:s11], $0x80  }
0x12: {  	[sflag:s11] =	ssyncset.done $0x0  }
0x13: {  	[sflag:s11] =	ssyncadd.s32 $0xFFFFFF80  }
0x14: {  	v0 =	vld [tilespmem:$0x70]  }
0x15: {  	v1 =	vld [tilespmem:$0x60]  }
0x16: {  	v2 =	vld [tilespmem:$0x40]  }
0x17: {  	v3 =	vld [tilespmem:$0x0]  }
0x18: {  	v4 =	vld [tilespmem:$0x10]  }
0x19: {  	v57 =	vld [tilespmem:$0x20];
	[tilespmem:$0x170] =	vst v0  }
0x1a: {  	v58 =	vld [tilespmem:$0x50];
	[tilespmem:$0x160] =	vst v1  }
0x1b: {  	v6 =	vld [tilespmem:$0x30];
	[tilespmem:$0x140] =	vst v2  }
0x1c: {  	[tilespmem:$0x100] =	vst v3  }
0x1d: {  	[tilespmem:$0x110] =	vst v4  }
0x1e: {  	[tilespmem:$0x120] =	vst v57  }
0x1f: {  	[tilespmem:$0x150] =	vst v58  }
0x20: {  	v5 =	vadd.s32 s10, v0;
	[tilespmem:$0x130] =	vst v6  }
0x21: {  	v1 =	vadd.s32 s10, v1;
	[tilespmem:$0xF0] =	vst v5  }
0x22: {  	v59 =	vadd.s32 s10, v2;
	[tilespmem:$0xE0] =	vst v1  }
0x23: {  	v60 =	vadd.s32 s10, v58;
	[tilespmem:$0xC0] =	vst v59  }
0x24: {  	v0 =	vadd.s32 s10, v57;
	[tilespmem:$0xD0] =	vst v60  }
0x25: {  	v61 =	vadd.s32 s10, v6;
	[tilespmem:$0xA0] =	vst v0  }
0x26: {  	v62 =	vadd.s32 s10, v4;
	[tilespmem:$0xB0] =	vst v61  }
0x27: {  	s20 =	sadd.s32 $0x310, s10;
	s21 =	smov.u32 s7;
	s22 =	smov.u32 s8;
	v63 =	vadd.s32 s10, v3;
	[tilespmem:$0x90] =	vst v62  }
0x28: {  	s23 =	smov.u32 s7;
	s19 =	simm.s32 $0x10;
	s18 =	smov.u32 s8;
	[tilespmem:$0x80] =	vst v63  }
0x29: {  	[tilespmem:s13], [sflag:$0x1] =	stream.indirect.gather [hbm4b:s3+s12], $0x80, s12, s12, $0xb8;
	[tilespmem:$0x8180] =	vst v63  }
.LBB2_2:
0x2a: {  	_ =	swait.ge [sflag:s14], $0x4000  }
0x2b: {  	s21 =	sadd.s32 $0x800, s21;
	s22 =	sadd.s32 $0x800, s22;
	s24 =	smov.u32 s19  }
0x2c: {  	p0 =	sne.s32 s19, $0x1F0;
	s19 =	sadd.s32 $0x10, s19;
	[sflag:s14] =	ssyncset.done $0x0  }
0x2d: {  	[sflag:s14] =	ssyncadd.s32 $0xFFFFC000  }
0x2e: {  	[tilespmem:s16], [sflag:$0x1] =	stream.indirect.gather [hbm4b:s4+s12], $0x80, s15, s12, $0xb8;
	[tilespmem:$0x8180] =	vst v63  }
0x2f: {  	_ =	swait.ge [sflag:s14], $0x4000  }
0x30: {  	[sflag:s14] =	ssyncset.done $0x0  }
0x31: {  	[sflag:s14] =	ssyncadd.s32 $0xFFFFC000  }
0x32: {  	[hbm4b:s18+s1] =	stream.linear.scatter [tilespmem:s13], [sflag:$0x2], $0x4000, $0x38;
	[tilespmem:$0x8180] =	vst v63  }
0x33: {  	s18 =	smov.u32 s22;
	_ =	swait.ge [sflag:s11], $0x4000  }
0x34: {  	[sflag:s11] =	ssyncset.done $0x0  }
0x35: {  	[sflag:s11] =	ssyncadd.s32 $0xFFFFC000  }
0x36: {  	[hbm4b:s23+s1] =	stream.linear.scatter [tilespmem:s16], [sflag:$0x2], $0x4000, $0x38;
	[tilespmem:$0x8180] =	vst v63  }
0x37: {  	s23 =	sadd.s32 s24, s9;
	s24 =	sand.u32 $0x70, s24;
	_ =	swait.ge [sflag:s11], $0x4000  }
0x38: {  	s23 =	sand.u32 $0x3F80, s23;
	s24 =	sadd.s32 s5, s24;
	[sflag:s11] =	ssyncset.done $0x0  }
0x39: {  	s24 =	sadd.s32 s23, s24;
	s23 =	smov.u32 s21;
	[sflag:s11] =	ssyncadd.s32 $0xFFFFC000  }
0x3a: {  	[tilespmem:s1], [sflag:$0x2] =	stream.linear.gather [hbm4b:s24+s1], $0x80, $0x38;
	[tilespmem:$0x8180] =	vst v63  }
0x3b: {  	_ =	swait.ge [sflag:s11], $0x80  }
0x3c: {  	[sflag:s11] =	ssyncset.done $0x0  }
0x3d: {  	[sflag:s11] =	ssyncadd.s32 $0xFFFFFF80  }
0x3e: {  	v0 =	vld [tilespmem:$0x70]  }
0x3f: {  	v1 =	vld [tilespmem:$0x60]  }
0x40: {  	v2 =	vld [tilespmem:$0x10]  }
0x41: {  	v3 =	vld [tilespmem:$0x40]  }
0x42: {  	v4 =	vld [tilespmem:$0x0]  }
0x43: {  	v5 =	vld [tilespmem:$0x30];
	v6 =	vadd.s32 s20, v0;
	[tilespmem:$0x170] =	vst v0  }
0x44: {  	v0 =	vld [tilespmem:$0x20];
	v7 =	vadd.s32 s20, v1;
	[tilespmem:$0xF0] =	vst v6  }
0x45: {  	v6 =	vld [tilespmem:$0x50];
	[tilespmem:$0x160] =	vst v1  }
0x46: {  	v1 =	vadd.s32 s20, v3;
	[tilespmem:$0x140] =	vst v3  }
0x47: {  	v3 =	vadd.s32 s20, v2;
	[tilespmem:$0x100] =	vst v4  }
0x48: {  	[tilespmem:$0x110] =	vst v2;
	v2 =	vadd.s32 s20, v5  }
0x49: {  	v4 =	vadd.s32 s20, v4;
	v8 =	vadd.s32 s20, v0;
	[tilespmem:$0xE0] =	vst v7  }
0x4a: {  	[tilespmem:$0x120] =	vst v0;
	v0 =	vadd.s32 s20, v6  }
0x4b: {  	[tilespmem:$0x150] =	vst v6  }
0x4c: {  	[tilespmem:$0x130] =	vst v5  }
0x4d: {  	[tilespmem:$0xC0] =	vst v1  }
0x4e: {  	[tilespmem:$0xD0] =	vst v0  }
.Ltmp0:
0x4f: {  	[tilespmem:$0xA0] =	vst v8;
	(pc) =	sbr.rel @p0 .LBB2_2-.Ltmp0, $4  }
0x50: {  	[tilespmem:$0xB0] =	vst v2  }
0x51: {  	[tilespmem:$0x90] =	vst v3  }
0x52: {  	s20 =	sadd.s32 $0x310, s20;
	[tilespmem:$0x80] =	vst v4  }
0x53: {  	[tilespmem:s13], [sflag:$0x1] =	stream.indirect.gather [hbm4b:s3+s12], $0x80, s12, s12, $0xb8;
	[tilespmem:$0x8180] =	vst v63  }
0x54: {  	_ =	swait.ge [sflag:s14], $0x4000  }
0x55: {  	[sflag:s14] =	ssyncset.done $0x0  }
0x56: {  	[sflag:s14] =	ssyncadd.s32 $0xFFFFC000  }
0x57: {  	[tilespmem:s16], [sflag:$0x1] =	stream.indirect.gather [hbm4b:s4+s12], $0x80, s15, s12, $0xb8;
	[tilespmem:$0x8180] =	vst v63  }
0x58: {  	_ =	swait.ge [sflag:s14], $0x4000  }
0x59: {  	[sflag:s14] =	ssyncset.done $0x0  }
0x5a: {  	[sflag:s14] =	ssyncadd.s32 $0xFFFFC000  }
0x5b: {  	[hbm4b:s18+s1] =	stream.linear.scatter [tilespmem:s13], [sflag:$0x2], $0x4000, $0x38;
	[tilespmem:$0x8180] =	vst v63  }
0x5c: {  	s17 =	sadd.s32 $0x1, s17;
	_ =	swait.ge [sflag:s11], $0x4000  }
0x5d: {  	p0 =	sne.s32 s17, s6;
	[sflag:s11] =	ssyncset.done $0x0  }
.Ltmp1:
0x5e: {  	[sflag:s11] =	ssyncadd.s32 $0xFFFFC000;
	(pc) =	sbr.rel @p0 .LBB2_1-.Ltmp1, $4  }
0x5f: {  	[hbm4b:s23+s1] =	stream.linear.scatter [tilespmem:s16], [sflag:$0x2], $0x4000, $0x38;
	[tilespmem:$0x8180] =	vst v63  }
0x60: {  	_ =	swait.ge [sflag:s11], $0x4000  }
0x61: {  	[sflag:s11] =	ssyncset.done $0x0  }
0x62: {  	[sflag:s11] =	ssyncadd.s32 $0xFFFFC000  }
0x63: {  	_ =	sfence.sel $0x180000  }
0x64: {  	[bflag:$0x0] =	sbarrier.arrive $0xFFFF  }
0x65: {  	p0 =	sne.s32 s2, $0x0;
	_ =	strace $0x90000047  }
0x66: {  	s0 =	sadd.s32 @!p0 $0x100000, s0;
	[bflag:$0x2] =	sbarrier.arrive $0xFFFF  }
0x67: {  	[sflag:s0] =	ssyncadd.tile.s32 @!p0 $0x1;
	_ =	shalt  }
.Lfunc_end2:
_tile_overlayer_lowered:
.L_overlay_start_2:
0x68: {  	(tag) =	ssettag $0x2  }
0x69: {  	s0 =	rddreg [dreg:$0x0];
	s2 =	stileid.u32  }
0x6a: {  	s1 =	rddreg [dreg:$0x1];
	p0 =	sne.s32 s2, $0x0  }
0x6b: {  	s3 =	rddreg [dreg:$0x2];
	[bflag:$0x3] =	sbarrier.arrive $0xFFFF;
	s2 =	simm.s32 @!p0 $0x1C02  }
0x6c: {  	[timem:s3], [sflag:s2] =	dma.local @!p0 [hbm:s0], s1  }
0x6d: {  	s0 =	simm.s32 @!p0 $0x2  }
0x6e: {  	_ =	swait.ge @!p0 [sflag:s0], s1  }
0x6f: {  	s1 =	ssub.s32 @!p0 $0x0, s1;
	[sflag:s0] =	ssyncset.done @!p0 $0x0  }
0x70: {  	[sflag:s0] =	ssyncadd.s32 @!p0 s1  }
0x71: {  	[bflag:$0x3] =	sbarrier.arrive $0xFFFF  }
0x72: {  	_ =	shalt  }

// kernel: sparse-core-data-format-call.1.cloned.1.call-start
scs
called_computation.1_lowered:
.L_overlay_start_0:
0x0: {  	s1 =	sld [smem:$0x3FD9]  }
0x1: {  	s2 =	sld [smem:$0x3FFE];
	_ =	sdelay $0x1  }
0x2: {  	s3 =	srdreg.scid  }
0x3: {  	s0 =	sand.u32 $0x1, s3  }
0x4: {  	s17 =	sshll.u32 s0, $0xA;
	s1 =	sadd.s32 s2, s1  }
0x5: {  	s1 =	sadd.s32 s1, s17  }
0x6: {  	[smem:$0x3FC5] =	sst s1  }
0x7: {  	_ = 	snop  }
0x8: {  	(tm) =	ssettm $0x1  }
0x9: {  	s18 =	sld [smem:$0x3FFB];
	_ =	sdelay $0x3  }
0xa: {  	_ =	strace s18  }
0xb: {  	s1 =	sld [smem:$0x3FFC];
	_ =	sdelay $0x3  }
0xc: {  	_ =	strace s1  }
0xd: {  	s1 =	sld [smem:$0x3FFD];
	_ =	sdelay $0x3  }
0xe: {  	_ =	strace s1  }
0xf: {  	_ =	strace $0x8FFFFFFF  }
0x10: {  	s19 =	sld [smem:$0x3FDB];
	_ =	sdelay $0x1  }
0x11: {  	s20 =	simm.s32 $_scs_section_size  }
0x12: {  	s4 =	simm.s32 $_size__tile_overlayer_lowered;
	s5 =	simm.s32 $_tile_overlayer_lowered  }
0x13: {  	s23 =	simm.s32 $0x1BFF;
	s22 =	sshll.u32 s5, $0x1;
	s1 =	sadd.s32 s20, s19  }
0x14: {  	s6 =	simm.s32 $0x0;
	s21 =	sshll.u32 s4, $0x1;
	s4 =	sadd.s32 s22, s1  }
0x15: {  	[timem:s6], [sflag:s23] =	dma.local [hbm:s4], s21  }
0x16: {  	_ =	swait.ge [sflag:s23], s21  }
0x17: {  	s2 =	ssub.s32 $0x0, s21;
	[sflag:s23] =	ssyncset.done $0x0  }
0x18: {  	[sflag:s23] =	ssyncadd.s32 s2;
	_ =	sdelay $0x1  }
0x19: {  	s24 =	simm.s32 $0x1B8B  }
0x1a: {  	_ =	swait.ge [sflag:s24], $0x1  }
0x1b: {  	[sflag:s24] =	ssyncset.done $0x0  }
0x1c: {  	s26 =	simm.s32 $0x1B8E;
	s25 =	sld [smem:$0x3FFE];
	[sflag:s24] =	ssyncadd.s32 $0xFFFFFFFF  }
0x1d: {  	s27 =	simm.s32 $execute0_lowered;
	[smem:$0x3FD2] =	sst s26  }
0x1e: {  	s4 =	sshll.u32 s27, $0x1;
	_ =	strace $0x80000049;
	[dreg:$0x1] =	wrdreg $0xFFFFFFFF  }
0x1f: {  	s28 =	simm.s32 $_size_execute0_lowered;
	s1 =	sadd.s32 s1, s4;
	[dreg:$0x0] =	wrdreg $0x0  }
0x20: {  	s4 =	sshll.u32 s28, $0x1;
	[dreg:$0x2] =	wrdreg s1  }
0x21: {  	[dreg:$0x3] =	wrdreg s4  }
0x22: {  	[dreg:$0x4] =	wrdreg $0xC0  }
0x23: {  	_ =	task [dreg:s6], $0x5FFFF  }
0x24: {  	[dreg:$0x1] =	wrdreg $0xFFFFFFFF  }
0x25: {  	[dreg:$0x0] =	wrdreg $0x60  }
0x26: {  	[dreg:$0x2] =	wrdreg s25  }
0x27: {  	[dreg:$0x3] =	wrdreg $0xA  }
0x28: {  	_ =	task.clear_ibuf [dreg:s6], $0x4FFFF;
	_ =	strace $0x90000049  }
0x29: {  	s29 =	simm.s32 $0xA;
	_ =	strace $0x8000004B  }
0x2a: {  	_ =	swait.ge [sflag:s29], $0x1  }
0x2b: {  	[sflag:s29] =	ssyncadd.s32 $0xFFFFFFFF  }
0x2c: {  	_ =	strace $0x9000004B  }
0x2d: {  	_ =	sfence  }
0x2e: {  	s30 =	sld [smem:$0x0];
	_ =	sdelay $0x2  }
0x2f: {  	s31 =	sshll.u32 s3, $0xD;
	s3 =	sshrl.u32 s3, $0x2  }
0x30: {  	s2 =	sand.u32 $0x4000, s31;
	s1 =	sadd.s32 s3, s30  }
0x31: {  	s0 =	sor.u32 s2, s0;
	s1 =	sshll.u32 s1, $0x11  }
0x32: {  	s0 =	sor.u32 s1, s0  }
0x33: {  	s0 =	sadd.s32 $0x8F2B, s0  }
0x34: {  	[sflag:s0] =	ssyncadd.remote.s32 $0x1  }
0x35: {  	_ =	sfence.sel $0xFFFF  }
0x36: {  	[dreg:$0x0] =	wrdreg $0xFFFFFFFF;
	(pc) =	sbr.abs _section_cstart, $3  }
0x37: {  	[dreg:$0x1] =	wrdreg $0xFFFFFFFF  }
0x38: {  	_ =	task.clear_ibuf [dreg:s6], $0x2FFFF;
	_ =	strace $0x9FFFFFFF  }
0x39: {  	(tm) =	ssettm $0x7FFFFFFF  }
tec
execute0_lowered:
.L_overlay_start_1:
0x0: {  	(tag) =	ssettag $0x1  }
0x1: {  	s4 =	rddreg [dreg:$0x0]  }
0x2: {  	s1 =	stileid.u32;
	s0 =	rddreg [dreg:$0x1]  }
0x3: {  	_ =	strace $0x8000004A;
	s5 =	srdreg.scid;
	s31 =	simm.s32 $0x2  }
0x4: {  	s14 =	simm.s32 $0x0;
	s9 =	simm.s32 $0x4000;
	s16 =	simm.s32 $0x0  }
0x5: {  	s15 =	simm.s32 $0x0;
	s10 =	simm.s32 $0x0;
	s2 =	sshll.u32 s1, $0x7  }
0x6: {  	s13 =	simm.s32 $0x0;
	s5 =	sshll.u32 s5, $0x4;
	s2 =	sand.u32 $0x380, s2  }
0x7: {  	s3 =	sadd.s32 $0x590C00, s4;
	s5 =	sand.u32 $0x10, s5;
	s6 =	ssub.s32 $0x400, s2  }
0x8: {  	s4 =	sadd.s32 $0x18CC00, s4;
	s5 =	sor.u32 s1, s5;
	s7 =	sand.u32 $0x380, s6  }
.Ltmp0:
0x9: {  	p0 =	sne.s32 s7, $0x0;
	s7 =	simm.s32 $0x1;
	(pc) =	sbr.rel .LBB1_1-.Ltmp0, $4  }
0xa: {  	s12 =	smov.u32 s2;
	s8 =	sshrl.u32 s6, $0xA;
	s7 =	simm.s32 @!p0 $0x0  }
0xb: {  	s5 =	sshrl.u32 s5, $0x3;
	s6 =	simm.s32 $0x1;
	s7 =	sadd.s32 s7, s8  }
0xc: {  	[sflag:s6] =	ssyncpa.u1 $0x0;
	s11 =	smov.u32 s5;
	s7 =	sshll.u32 s7, $0x5  }
0xd: {  	[sflag:s31] =	ssyncpa.u1 $0x0;
	p0 =	por $0x0, $0x0;
	s8 =	sor.u32 $0x1, s7  }
.LBB1_4:
0xe: {  	v5 =	vld [tilespmem:s20+$0xFFFFFFD0];
	[tilespmem:s19+$0x2040 ss:$0x81] =	vst.msk $0xffff, v1  }
0xf: {  	v58 =	vld [tilespmem:s20+$0xFFFFFFE0];
	[tilespmem:s19+$0x2850 ss:$0x81] =	vst.msk $0xffff, v2  }
0x10: {  	s21 =	sshra.s32 s21, $0x2;
	v59 =	vld [tilespmem:s20+$0xFFFFFFF0];
	[tilespmem:s19+$0x3060 ss:$0x81] =	vst.msk $0xffff, v3  }
0x11: {  	v60 =	vld [tilespmem:s20+$0x0];
	[tilespmem:s19+$0x0 ss:$0x81] =	vst.msk $0xffff, v0;
	s18 =	sadd.s32 s21, s18  }
0x12: {  	v61 =	vld [tilespmem:s20+$0x10];
	[tilespmem:s18+$0x3870 ss:$0x81] =	vst.msk $0xffff, v4  }
0x13: {  	v62 =	vld [tilespmem:s20+$0x20];
	s26 =	sshll.u32 s16, $0xA;
	s27 =	sshll.u32 s15, $0x3;
	[tilespmem:s18+$0x810 ss:$0x81] =	vst.msk $0xffff, v5  }
0x14: {  	v63 =	vld [tilespmem:s20+$0xFFFFFFC0];
	s29 =	sshll.u32 s16, $0x7;
	s30 =	sand.u32 $0x78, s15;
	s14 =	sshll.u32 s14, $0xB;
	[tilespmem:s18+$0x1020 ss:$0x81] =	vst.msk $0xffff, v58  }
0x15: {  	s19 =	sand.u32 $0x2000, s26;
	s28 =	sand.u32 $0x3C00, s27;
	s16 =	sand.u32 $0x380, s29;
	[tilespmem:s18+$0x1830 ss:$0x81] =	vst.msk $0xffff, v59  }
0x16: {  	s31 =	sand.u32 $0x7, s15;
	s19 =	sadd.s32 s28, s19;
	s16 =	sor.u32 s30, s16;
	[tilespmem:s18+$0x2040 ss:$0x81] =	vst.msk $0xffff, v60  }
0x17: {  	s14 =	sadd.s32 s4, s14;
	s19 =	sshrl.u32 s19, $0x3;
	s16 =	sshrl.u32 s16, $0x3;
	[tilespmem:s18+$0x2850 ss:$0x81] =	vst.msk $0xffff, v61  }
0x18: {  	s15 =	sshll.u32 s31, $0x12;
	s19 =	sand.u32 $0x780, s19;
	s14 =	sadd.s32 s16, s14;
	[tilespmem:s18+$0x3060 ss:$0x81] =	vst.msk $0xffff, v62  }
0x19: {  	s15 =	sor.u32 $0x80, s15;
	[tilespmem:s18+$0x0 ss:$0x81] =	vst.msk $0xffff, v63;
	s14 =	sadd.s32 s19, s14  }
0x1a: {  	[hbm4b:s14+s15] =	stream.strided.scatter [tilespmem:s17], [sflag:$0x2], $0x4000, s9, s15, $0x20;
	[tilespmem:$0x10100] =	vst v63  }
.LBB1_5:
0x1b: {  	s17 =	sadd.s32 $0x80, s10  }
0x1c: {  	s14 =	sadd.s32 $0x4, s11;
	s18 =	smov.u32 s11;
	p2 =	sgt.s32 s17, $0x3FF  }
0x1d: {  	s18 =	smov.u32 @p2 s14  }
0x1e: {  	s20 =	smov.u32 s12;
	s14 =	sadd.s32 $0x400, s12;
	p3 =	sgt.s32 s18, $0xF  }
0x1f: {  	s20 =	smov.u32 @p3 s14  }
0x20: {  	s17 =	simm.s32 @p2 $0x0;
	p2 =	sgt.s32 s20, $0x3FF  }
0x21: {  	p1 =	slt.u32 s13, $0x2;
	s20 =	smov.u32 @p2 s2;
	p2 =	sne.s32 s13, s8  }
.Ltmp1:
0x22: {  	s19 =	simm.s32 @!p1 $0x2;
	(pc) =	sbr.rel @!p2 .LBB1_6-.Ltmp1, $4  }
0x23: {  	s16 =	smov.u32 s11;
	s15 =	smov.u32 s12;
	_ =	swait.ge @!p1 [sflag:s19], $0x4000  }
0x24: {  	p0 =	por !p0, !p0;
	[sflag:s19] =	ssyncset.done @!p1 $0x0;
	s18 =	smov.u32 @p3 s5  }
0x25: {  	s14 =	smov.u32 s10;
	[sflag:s19] =	ssyncadd.s32 @!p1 $0xFFFFC000;
	s10 =	smov.u32 s17  }
0x26: {  	s11 =	smov.u32 s18;
	s13 =	sadd.s32 $0x1, s13;
	s12 =	smov.u32 s20  }
.LBB1_1:
0x27: {  	p1 =	sge.u32 s13, s7  }
0x28: {  	s31 =	sadd.s32 $0xFFFFFFFF, s13;
	s17 =	sshll.u32 @!p1 s11, $0x7  }
0x29: {  	s18 =	sxor.u32 @!p1 $0xFFFFFFFF, s13;
	s19 =	sand.u32 @!p1 $0x78, s10;
	s20 =	sand.u32 @!p1 $0x380, s17  }
0x2a: {  	s18 =	sshll.u32 @!p1 s18, $0xE;
	s19 =	sor.u32 @!p1 s19, s20;
	s20 =	sshll.u32 @!p1 s12, $0xB  }
0x2b: {  	s17 =	sand.u32 @!p1 $0x400, s17;
	s19 =	sshrl.u32 @!p1 s19, $0x3;
	s20 =	sadd.s32 @!p1 s3, s20  }
0x2c: {  	s17 =	sadd.s32 @!p1 s10, s17;
	s19 =	sadd.s32 @!p1 s19, s20;
	s20 =	sand.u32 @!p1 $0x7, s10  }
0x2d: {  	s18 =	sand.u32 @!p1 $0x4000, s18;
	s17 =	sand.u32 @!p1 $0x780, s17;
	s20 =	sshll.u32 @!p1 s20, $0x12  }
0x2e: {  	s17 =	sadd.s32 @!p1 s17, s19;
	s19 =	sor.u32 @!p1 $0x80, s20;
	s20 =	simm.s32 @!p1 $0x4000  }
0x2f: {  	[tilespmem:s18], [sflag:$0x1] =	stream.strided.gather @!p1 [hbm4b:s17+s19], $0x4000, s20, s19, $0x38;
	[tilespmem:$0x10100] =	vst v63  }
0x30: {  	p1 =	sge.u32 s31, s7  }
.Ltmp2:
0x31: {  	_ = 	snop;
	(pc) =	sbr.rel @p1 .LBB1_5-.Ltmp2, $1  }
0x32: {  	_ =	sdelay $0x3  }
0x33: {  	s17 =	simm.s32 $0x1  }
0x34: {  	_ =	swait.ge [sflag:s6], $0x4000;
	s17 =	simm.s32 @!p0 $0x0  }
0x35: {  	[sflag:s6] =	ssyncset.done $0x0;
	s18 =	sshll.u32 s17, $0xE  }
0x36: {  	[sflag:s6] =	ssyncadd.s32 $0xFFFFC000;
	s20 =	sor.u32 $0x40, s18  }
0x37: {  	s17 =	smul.u32 $0x10200, s17;
	v0 =	vld [tilespmem:s20+$0x30]  }
0x38: {  	v3 =	vld [tilespmem:s20+$0xFFFFFFD0]  }
0x39: {  	s17 =	sshrl.u32 s17, $0x2;
	v4 =	vld [tilespmem:s20+$0xFFFFFFE0]  }
0x3a: {  	v5 =	vld [tilespmem:s20+$0xFFFFFFF0];
	s18 =	sor.u32 $0x8000, s17  }
0x3b: {  	s31 =	sand.u32 $0x1, s13;
	v1 =	vld [tilespmem:s20+$0x0];
	s19 =	sadd.s32 $0x0, s18  }
0x3c: {  	v2 =	vld [tilespmem:s20+$0x10];
	s17 =	smul.u32 $0x10200, s31;
	[tilespmem:s19+$0x3870 ss:$0x81] =	vst.msk $0xffff, v0  }
0x3d: {  	[tilespmem:s19+$0x810 ss:$0x81] =	vst.msk $0xffff, v3;
	v3 =	vld [tilespmem:s20+$0x20]  }
0x3e: {  	s17 =	sshrl.u32 s17, $0x2;
	v0 =	vld [tilespmem:s20+$0xFFFFFFC0];
	[tilespmem:s19+$0x1020 ss:$0x81] =	vst.msk $0xffff, v4;
	s20 =	sadd.s32 $0x80, s20  }
0x3f: {  	s21 =	simm.s32 $0x4;
	s22 =	simm.s32 $0x8;
	s17 =	sor.u32 $0x8000, s17;
	[tilespmem:s19+$0x1830 ss:$0x81] =	vst.msk $0xffff, v5;
	v4 =	vld [tilespmem:s20+$0x30]  }
.LBB1_3:
0x40: {  	p1 =	sne.s32 s22, $0x1FC;
	v5 =	vld [tilespmem:s20+$0xFFFFFFD0];
	[tilespmem:s19+$0x2040 ss:$0x81] =	vst.msk $0xffff, v1  }
0x41: {  	v6 =	vld [tilespmem:s20+$0xFFFFFFE0];
	[tilespmem:s19+$0x2850 ss:$0x81] =	vst.msk $0xffff, v2  }
0x42: {  	s23 =	sshra.s32 s21, $0x2;
	s21 =	smov.u32 s22;
	v7 =	vld [tilespmem:s20+$0xFFFFFFF0];
	[tilespmem:s19+$0x3060 ss:$0x81] =	vst.msk $0xffff, v3  }
.Ltmp3:
0x43: {  	v1 =	vld [tilespmem:s20+$0x0];
	[tilespmem:s19+$0x0 ss:$0x81] =	vst.msk $0xffff, v0;
	s19 =	sadd.s32 s23, s18;
	(pc) =	sbr.rel @p1 .LBB1_3-.Ltmp3, $4  }
0x44: {  	v2 =	vld [tilespmem:s20+$0x10];
	[tilespmem:s19+$0x3870 ss:$0x81] =	vst.msk $0xffff, v4  }
0x45: {  	[tilespmem:s19+$0x810 ss:$0x81] =	vst.msk $0xffff, v5;
	v3 =	vld [tilespmem:s20+$0x20]  }
0x46: {  	v0 =	vld [tilespmem:s20+$0xFFFFFFC0];
	[tilespmem:s19+$0x1020 ss:$0x81] =	vst.msk $0xffff, v6;
	s20 =	sadd.s32 $0x80, s20  }
0x47: {  	s22 =	sadd.s32 $0x4, s22;
	v4 =	vld [tilespmem:s20+$0x30];
	[tilespmem:s19+$0x1830 ss:$0x81] =	vst.msk $0xffff, v7  }
.Ltmp4:
0x48: {  	_ = 	snop;
	(pc) =	sbr.rel .LBB1_4-.Ltmp4, $1  }
0x49: {  	_ =	sdelay $0x3  }
.LBB1_6:
0x4a: {  	_ =	sfence.sel $0x180000  }
0x4b: {  	s2 =	simm.s32 $0x1;
	[bflag:$0x0] =	sbarrier.arrive $0xFFFF  }
0x4c: {  	s31 =	simm.s32 $0x2;
	[sflag:s2] =	ssyncpa.u1 $0x1  }
0x4d: {  	[sflag:s31] =	ssyncpa.u1 $0x1  }
0x4e: {  	p0 =	sne.s32 s1, $0x0;
	_ =	strace $0x9000004A  }
0x4f: {  	s0 =	sadd.s32 @!p0 $0x100000, s0;
	[bflag:$0x2] =	sbarrier.arrive $0xFFFF  }
0x50: {  	[sflag:s0] =	ssyncadd.tile.s32 @!p0 $0x1;
	_ =	shalt  }
.Lfunc_end1:
_tile_overlayer_lowered:
.L_overlay_start_2:
0x51: {  	(tag) =	ssettag $0x2  }
0x52: {  	s0 =	rddreg [dreg:$0x0];
	s2 =	stileid.u32  }
0x53: {  	s1 =	rddreg [dreg:$0x1];
	p0 =	sne.s32 s2, $0x0  }
0x54: {  	s3 =	rddreg [dreg:$0x2];
	[bflag:$0x3] =	sbarrier.arrive $0xFFFF;
	s2 =	simm.s32 @!p0 $0x1C01  }
0x55: {  	[timem:s3], [sflag:s2] =	dma.local @!p0 [hbm:s0], s1  }
0x56: {  	s0 =	simm.s32 @!p0 $0x1  }
0x57: {  	_ =	swait.ge @!p0 [sflag:s0], s1  }
0x58: {  	s1 =	ssub.s32 @!p0 $0x0, s1;
	[sflag:s0] =	ssyncset.done @!p0 $0x0  }
0x59: {  	[sflag:s0] =	ssyncadd.s32 @!p0 s1  }
0x5a: {  	[bflag:$0x3] =	sbarrier.arrive $0xFFFF  }
0x5b: {  	_ =	shalt  }

// kernel: sparse-core-data-format-call.cloned.1.call-start
scs
called_computation_lowered:
.L_overlay_start_0:
0x0: {  	s2 =	sld [smem:$0x3FD9]  }
0x1: {  	s3 =	sld [smem:$0x3FFE];
	_ =	sdelay $0x1  }
0x2: {  	s1 =	srdreg.scid  }
0x3: {  	s0 =	sand.u32 $0x1, s1  }
0x4: {  	s18 =	sshll.u32 s0, $0xA;
	s2 =	sadd.s32 s3, s2  }
0x5: {  	s2 =	sadd.s32 s2, s18  }
0x6: {  	[smem:$0x3FC5] =	sst s2  }
0x7: {  	_ = 	snop  }
0x8: {  	(tm) =	ssettm $0x1  }
0x9: {  	s19 =	sld [smem:$0x3FFB];
	_ =	sdelay $0x3  }
0xa: {  	_ =	strace s19  }
0xb: {  	s2 =	sld [smem:$0x3FFC];
	_ =	sdelay $0x3  }
0xc: {  	_ =	strace s2  }
0xd: {  	s2 =	sld [smem:$0x3FFD];
	_ =	sdelay $0x3  }
0xe: {  	_ =	strace s2  }
0xf: {  	_ =	strace $0x8FFFFFFF  }
0x10: {  	s20 =	sld [smem:$0x3FDB];
	_ =	sdelay $0x1  }
0x11: {  	s21 =	simm.s32 $_scs_section_size  }
0x12: {  	s4 =	simm.s32 $_size__tile_overlayer_lowered;
	s5 =	simm.s32 $_tile_overlayer_lowered  }
0x13: {  	s6 =	simm.s32 $0x1BFF;
	s22 =	sshll.u32 s5, $0x1;
	s3 =	sadd.s32 s21, s20  }
0x14: {  	s23 =	simm.s32 $0x0;
	s4 =	sshll.u32 s4, $0x1;
	s5 =	sadd.s32 s22, s3  }
0x15: {  	[timem:s23], [sflag:s6] =	dma.local [hbm:s5], s4  }
0x16: {  	_ =	swait.ge [sflag:s6], s4  }
0x17: {  	s4 =	ssub.s32 $0x0, s4;
	[sflag:s6] =	ssyncset.done $0x0  }
0x18: {  	[sflag:s6] =	ssyncadd.s32 s4;
	_ =	sdelay $0x1  }
0x19: {  	s24 =	simm.s32 $0x1B8B  }
0x1a: {  	_ =	swait.ge [sflag:s24], $0x1  }
0x1b: {  	[sflag:s24] =	ssyncset.done $0x0  }
0x1c: {  	[sflag:s24] =	ssyncadd.s32 $0xFFFFFFFF  }
0x1d: {  	s4 =	sld [smem:$0x0]  }
0x1e: {  	s5 =	sand.u32 $0xFFFFFFFE, s1  }
0x1f: {  	p0 =	sne.s32 s1, s5  }
0x20: {  	s5 =	sshll.u32 @p0 s5, $0xE  }
0x21: {  	s5 =	sadd.s32 @p0 $0x11B8D, s5;
	s6 =	sshll.u32 @p0 s4, $0x11  }
0x22: {  	s5 =	sor.u32 @p0 s6, s5  }
0x23: {  	[sflag:s5] =	ssyncadd.remote.s32 @p0 $0x1;
	_ =	sdelay $0x1  }
0x24: {  	s5 =	simm.s32 @p0 $0x1B8D  }
0x25: {  	_ =	swait.eq @p0 [sflag:s5], $0x1  }
0x26: {  	[sflag:s5] =	ssyncadd.s32 @p0 $0xFFFFFFFF  }
0x27: {  	s6 =	sshll.u32 @!p0 s1, $0xE  }
0x28: {  	s6 =	sor.u32 @!p0 $0x4000, s6;
	s5 =	simm.s32 @!p0 $0x1B8D  }
0x29: {  	s4 =	sshll.u32 @!p0 s4, $0x11;
	s6 =	sadd.s32 @!p0 $0x11B8D, s6;
	_ =	swait.eq @!p0 [sflag:s5], $0x1  }
0x2a: {  	s4 =	sor.u32 @!p0 s4, s6;
	[sflag:s5] =	ssyncadd.s32 @!p0 $0xFFFFFFFF  }
0x2b: {  	s26 =	simm.s32 $0x1B8E;
	s25 =	sld [smem:$0x3FFE];
	[sflag:s4] =	ssyncadd.remote.s32 @!p0 $0x1  }
0x2c: {  	s27 =	simm.s32 $execute0_lowered;
	[smem:$0x3FD2] =	sst s26  }
0x2d: {  	s5 =	sshll.u32 s27, $0x1;
	_ =	strace $0x8000004C;
	[dreg:$0x1] =	wrdreg $0xFFFFFFFF  }
0x2e: {  	s28 =	simm.s32 $_size_execute0_lowered;
	s3 =	sadd.s32 s3, s5;
	[dreg:$0x0] =	wrdreg $0x0  }
0x2f: {  	s5 =	sshll.u32 s28, $0x1;
	[dreg:$0x2] =	wrdreg s3  }
0x30: {  	[dreg:$0x3] =	wrdreg s5  }
0x31: {  	[dreg:$0x4] =	wrdreg $0xC0  }
0x32: {  	_ =	task [dreg:s23], $0x5FFFF  }
0x33: {  	[dreg:$0x1] =	wrdreg $0xFFFFFFFF  }
0x34: {  	[dreg:$0x0] =	wrdreg $0x60  }
0x35: {  	[dreg:$0x2] =	wrdreg s25  }
0x36: {  	[dreg:$0x3] =	wrdreg $0x9  }
0x37: {  	_ =	task.clear_ibuf [dreg:s23], $0x4FFFF;
	_ =	strace $0x9000004C  }
0x38: {  	s29 =	simm.s32 $0x9;
	_ =	strace $0x8000004E  }
0x39: {  	_ =	swait.ge [sflag:s29], $0x1  }
0x3a: {  	[sflag:s29] =	ssyncadd.s32 $0xFFFFFFFF  }
0x3b: {  	_ =	strace $0x9000004E  }
0x3c: {  	_ =	sfence  }
0x3d: {  	s30 =	sld [smem:$0x0];
	_ =	sdelay $0x2  }
0x3e: {  	s31 =	sshll.u32 s1, $0xD;
	s1 =	sshrl.u32 s1, $0x2  }
0x3f: {  	s4 =	sand.u32 $0x4000, s31;
	s1 =	sadd.s32 s1, s30  }
0x40: {  	s0 =	sor.u32 s4, s0;
	s1 =	sshll.u32 s1, $0x11  }
0x41: {  	s0 =	sor.u32 s1, s0  }
0x42: {  	s0 =	sadd.s32 $0x8F2B, s0  }
0x43: {  	[sflag:s0] =	ssyncadd.remote.s32 $0x1  }
0x44: {  	_ =	sfence.sel $0xFFFF  }
0x45: {  	[dreg:$0x0] =	wrdreg $0xFFFFFFFF;
	(pc) =	sbr.abs _section_cstart, $3  }
0x46: {  	[dreg:$0x1] =	wrdreg $0xFFFFFFFF  }
0x47: {  	_ =	task.clear_ibuf [dreg:s23], $0x2FFFF;
	_ =	strace $0x9FFFFFFF  }
0x48: {  	(tm) =	ssettm $0x7FFFFFFF  }
0x49: {  	_ =	shalt  }
tec
execute0_lowered:
.L_overlay_start_1:
0x0: {  	(tag) =	ssettag $0x1  }
0x1: {  	s4 =	rddreg [dreg:$0x0]  }
0x2: {  	s1 =	stileid.u32;
	s0 =	rddreg [dreg:$0x1]  }
0x3: {  	_ =	strace $0x8000004D;
	s5 =	srdreg.scid;
	s31 =	simm.s32 $0x2  }
0x4: {  	s14 =	simm.s32 $0x0;
	s9 =	simm.s32 $0x4000;
	s16 =	simm.s32 $0x0  }
0x5: {  	s15 =	simm.s32 $0x0;
	s10 =	simm.s32 $0x0;
	s2 =	sshll.u32 s1, $0x7  }
0x6: {  	s13 =	simm.s32 $0x0;
	s5 =	sshll.u32 s5, $0x4;
	s2 =	sand.u32 $0x380, s2  }
0x7: {  	s3 =	sadd.s32 $0x790C00, s4;
	s5 =	sand.u32 $0x10, s5;
	s6 =	ssub.s32 $0x400, s2  }
0x8: {  	s4 =	sadd.s32 $0x390C00, s4;
	s5 =	sor.u32 s1, s5;
	s7 =	sand.u32 $0x380, s6  }
.Ltmp0:
0x9: {  	p0 =	sne.s32 s7, $0x0;
	s7 =	simm.s32 $0x1;
	(pc) =	sbr.rel .LBB1_1-.Ltmp0, $4  }
0xa: {  	s12 =	smov.u32 s2;
	s8 =	sshrl.u32 s6, $0xA;
	s7 =	simm.s32 @!p0 $0x0  }
0xb: {  	s5 =	sshrl.u32 s5, $0x3;
	s6 =	simm.s32 $0x1;
	s7 =	sadd.s32 s7, s8  }
0xc: {  	[sflag:s6] =	ssyncpa.u1 $0x0;
	s11 =	smov.u32 s5;
	s7 =	sshll.u32 s7, $0x5  }
0xd: {  	[sflag:s31] =	ssyncpa.u1 $0x0;
	p0 =	por $0x0, $0x0;
	s8 =	sor.u32 $0x1, s7  }
.LBB1_4:
0xe: {  	v5 =	vld [tilespmem:s20+$0xFFFFFFD0];
	[tilespmem:s19+$0x2040 ss:$0x81] =	vst.msk $0xffff, v1  }
0xf: {  	v58 =	vld [tilespmem:s20+$0xFFFFFFE0];
	[tilespmem:s19+$0x2850 ss:$0x81] =	vst.msk $0xffff, v2  }
0x10: {  	s21 =	sshra.s32 s21, $0x2;
	v59 =	vld [tilespmem:s20+$0xFFFFFFF0];
	[tilespmem:s19+$0x3060 ss:$0x81] =	vst.msk $0xffff, v3  }
0x11: {  	v60 =	vld [tilespmem:s20+$0x0];
	[tilespmem:s19+$0x0 ss:$0x81] =	vst.msk $0xffff, v0;
	s18 =	sadd.s32 s21, s18  }
0x12: {  	v61 =	vld [tilespmem:s20+$0x10];
	[tilespmem:s18+$0x3870 ss:$0x81] =	vst.msk $0xffff, v4  }
0x13: {  	v62 =	vld [tilespmem:s20+$0x20];
	s26 =	sshll.u32 s16, $0xA;
	s27 =	sshll.u32 s15, $0x3;
	[tilespmem:s18+$0x810 ss:$0x81] =	vst.msk $0xffff, v5  }
0x14: {  	v63 =	vld [tilespmem:s20+$0xFFFFFFC0];
	s29 =	sshll.u32 s16, $0x7;
	s30 =	sand.u32 $0x78, s15;
	s14 =	sshll.u32 s14, $0xB;
	[tilespmem:s18+$0x1020 ss:$0x81] =	vst.msk $0xffff, v58  }
0x15: {  	s19 =	sand.u32 $0x2000, s26;
	s28 =	sand.u32 $0x3C00, s27;
	s16 =	sand.u32 $0x380, s29;
	[tilespmem:s18+$0x1830 ss:$0x81] =	vst.msk $0xffff, v59  }
0x16: {  	s31 =	sand.u32 $0x7, s15;
	s19 =	sadd.s32 s28, s19;
	s16 =	sor.u32 s30, s16;
	[tilespmem:s18+$0x2040 ss:$0x81] =	vst.msk $0xffff, v60  }
0x17: {  	s14 =	sadd.s32 s4, s14;
	s19 =	sshrl.u32 s19, $0x3;
	s16 =	sshrl.u32 s16, $0x3;
	[tilespmem:s18+$0x2850 ss:$0x81] =	vst.msk $0xffff, v61  }
0x18: {  	s15 =	sshll.u32 s31, $0x12;
	s19 =	sand.u32 $0x780, s19;
	s14 =	sadd.s32 s16, s14;
	[tilespmem:s18+$0x3060 ss:$0x81] =	vst.msk $0xffff, v62  }
0x19: {  	s15 =	sor.u32 $0x80, s15;
	[tilespmem:s18+$0x0 ss:$0x81] =	vst.msk $0xffff, v63;
	s14 =	sadd.s32 s19, s14  }
0x1a: {  	[hbm4b:s14+s15] =	stream.strided.scatter [tilespmem:s17], [sflag:$0x2], $0x4000, s9, s15, $0x20;
	[tilespmem:$0x10100] =	vst v63  }
.LBB1_5:
0x1b: {  	s17 =	sadd.s32 $0x80, s10  }
0x1c: {  	s14 =	sadd.s32 $0x4, s11;
	s18 =	smov.u32 s11;
	p2 =	sgt.s32 s17, $0x3FF  }
0x1d: {  	s18 =	smov.u32 @p2 s14  }
0x1e: {  	s20 =	smov.u32 s12;
	s14 =	sadd.s32 $0x400, s12;
	p3 =	sgt.s32 s18, $0xF  }
0x1f: {  	s20 =	smov.u32 @p3 s14  }
0x20: {  	s17 =	simm.s32 @p2 $0x0;
	p2 =	sgt.s32 s20, $0x3FF  }
0x21: {  	p1 =	slt.u32 s13, $0x2;
	s20 =	smov.u32 @p2 s2;
	p2 =	sne.s32 s13, s8  }
.Ltmp1:
0x22: {  	s19 =	simm.s32 @!p1 $0x2;
	(pc) =	sbr.rel @!p2 .LBB1_6-.Ltmp1, $4  }
0x23: {  	s16 =	smov.u32 s11;
	s15 =	smov.u32 s12;
	_ =	swait.ge @!p1 [sflag:s19], $0x4000  }
0x24: {  	p0 =	por !p0, !p0;
	[sflag:s19] =	ssyncset.done @!p1 $0x0;
	s18 =	smov.u32 @p3 s5  }
0x25: {  	s14 =	smov.u32 s10;
	[sflag:s19] =	ssyncadd.s32 @!p1 $0xFFFFC000;
	s10 =	smov.u32 s17  }
0x26: {  	s11 =	smov.u32 s18;
	s13 =	sadd.s32 $0x1, s13;
	s12 =	smov.u32 s20  }
.LBB1_1:
0x27: {  	p1 =	sge.u32 s13, s7  }
0x28: {  	s31 =	sadd.s32 $0xFFFFFFFF, s13;
	s17 =	sshll.u32 @!p1 s11, $0x7  }
0x29: {  	s18 =	sxor.u32 @!p1 $0xFFFFFFFF, s13;
	s19 =	sand.u32 @!p1 $0x78, s10;
	s20 =	sand.u32 @!p1 $0x380, s17  }
0x2a: {  	s18 =	sshll.u32 @!p1 s18, $0xE;
	s19 =	sor.u32 @!p1 s19, s20;
	s20 =	sshll.u32 @!p1 s12, $0xB  }
0x2b: {  	s17 =	sand.u32 @!p1 $0x400, s17;
	s19 =	sshrl.u32 @!p1 s19, $0x3;
	s20 =	sadd.s32 @!p1 s3, s20  }
0x2c: {  	s17 =	sadd.s32 @!p1 s10, s17;
	s19 =	sadd.s32 @!p1 s19, s20;
	s20 =	sand.u32 @!p1 $0x7, s10  }
0x2d: {  	s18 =	sand.u32 @!p1 $0x4000, s18;
	s17 =	sand.u32 @!p1 $0x780, s17;
	s20 =	sshll.u32 @!p1 s20, $0x12  }
0x2e: {  	s17 =	sadd.s32 @!p1 s17, s19;
	s19 =	sor.u32 @!p1 $0x80, s20;
	s20 =	simm.s32 @!p1 $0x4000  }
0x2f: {  	[tilespmem:s18], [sflag:$0x1] =	stream.strided.gather @!p1 [hbm4b:s17+s19], $0x4000, s20, s19, $0x38;
	[tilespmem:$0x10100] =	vst v63  }
0x30: {  	p1 =	sge.u32 s31, s7  }
.Ltmp2:
0x31: {  	_ = 	snop;
	(pc) =	sbr.rel @p1 .LBB1_5-.Ltmp2, $1  }
0x32: {  	_ =	sdelay $0x3  }
0x33: {  	s17 =	simm.s32 $0x1  }
0x34: {  	_ =	swait.ge [sflag:s6], $0x4000;
	s17 =	simm.s32 @!p0 $0x0  }
0x35: {  	[sflag:s6] =	ssyncset.done $0x0;
	s18 =	sshll.u32 s17, $0xE  }
0x36: {  	[sflag:s6] =	ssyncadd.s32 $0xFFFFC000;
	s20 =	sor.u32 $0x40, s18  }
0x37: {  	s17 =	smul.u32 $0x10200, s17;
	v0 =	vld [tilespmem:s20+$0x30]  }
0x38: {  	v3 =	vld [tilespmem:s20+$0xFFFFFFD0]  }
0x39: {  	s17 =	sshrl.u32 s17, $0x2;
	v4 =	vld [tilespmem:s20+$0xFFFFFFE0]  }
0x3a: {  	v5 =	vld [tilespmem:s20+$0xFFFFFFF0];
	s18 =	sor.u32 $0x8000, s17  }
0x3b: {  	s31 =	sand.u32 $0x1, s13;
	v1 =	vld [tilespmem:s20+$0x0];
	s19 =	sadd.s32 $0x0, s18  }
0x3c: {  	v2 =	vld [tilespmem:s20+$0x10];
	s17 =	smul.u32 $0x10200, s31;
	[tilespmem:s19+$0x3870 ss:$0x81] =	vst.msk $0xffff, v0  }
0x3d: {  	[tilespmem:s19+$0x810 ss:$0x81] =	vst.msk $0xffff, v3;
	v3 =	vld [tilespmem:s20+$0x20]  }
0x3e: {  	s17 =	sshrl.u32 s17, $0x2;
	v0 =	vld [tilespmem:s20+$0xFFFFFFC0];
	[tilespmem:s19+$0x1020 ss:$0x81] =	vst.msk $0xffff, v4;
	s20 =	sadd.s32 $0x80, s20  }
0x3f: {  	s21 =	simm.s32 $0x4;
	s22 =	simm.s32 $0x8;
	s17 =	sor.u32 $0x8000, s17;
	[tilespmem:s19+$0x1830 ss:$0x81] =	vst.msk $0xffff, v5;
	v4 =	vld [tilespmem:s20+$0x30]  }
.LBB1_3:
0x40: {  	p1 =	sne.s32 s22, $0x1FC;
	v5 =	vld [tilespmem:s20+$0xFFFFFFD0];
	[tilespmem:s19+$0x2040 ss:$0x81] =	vst.msk $0xffff, v1  }
0x41: {  	v6 =	vld [tilespmem:s20+$0xFFFFFFE0];
	[tilespmem:s19+$0x2850 ss:$0x81] =	vst.msk $0xffff, v2  }
0x42: {  	s23 =	sshra.s32 s21, $0x2;
	s21 =	smov.u32 s22;
	v7 =	vld [tilespmem:s20+$0xFFFFFFF0];
	[tilespmem:s19+$0x3060 ss:$0x81] =	vst.msk $0xffff, v3  }
.Ltmp3:
0x43: {  	v1 =	vld [tilespmem:s20+$0x0];
	[tilespmem:s19+$0x0 ss:$0x81] =	vst.msk $0xffff, v0;
	s19 =	sadd.s32 s23, s18;
	(pc) =	sbr.rel @p1 .LBB1_3-.Ltmp3, $4  }
0x44: {  	v2 =	vld [tilespmem:s20+$0x10];
	[tilespmem:s19+$0x3870 ss:$0x81] =	vst.msk $0xffff, v4  }
0x45: {  	[tilespmem:s19+$0x810 ss:$0x81] =	vst.msk $0xffff, v5;
	v3 =	vld [tilespmem:s20+$0x20]  }
0x46: {  	v0 =	vld [tilespmem:s20+$0xFFFFFFC0];
	[tilespmem:s19+$0x1020 ss:$0x81] =	vst.msk $0xffff, v6;
	s20 =	sadd.s32 $0x80, s20  }
0x47: {  	s22 =	sadd.s32 $0x4, s22;
	v4 =	vld [tilespmem:s20+$0x30];
	[tilespmem:s19+$0x1830 ss:$0x81] =	vst.msk $0xffff, v7  }
.Ltmp4:
0x48: {  	_ = 	snop;
	(pc) =	sbr.rel .LBB1_4-.Ltmp4, $1  }
0x49: {  	_ =	sdelay $0x3  }
.LBB1_6:
0x4a: {  	_ =	sfence.sel $0x180000  }
0x4b: {  	s2 =	simm.s32 $0x1;
	[bflag:$0x0] =	sbarrier.arrive $0xFFFF  }
0x4c: {  	s31 =	simm.s32 $0x2;
	[sflag:s2] =	ssyncpa.u1 $0x1  }
0x4d: {  	[sflag:s31] =	ssyncpa.u1 $0x1  }
0x4e: {  	p0 =	sne.s32 s1, $0x0;
	_ =	strace $0x9000004D  }
0x4f: {  	s0 =	sadd.s32 @!p0 $0x100000, s0;
	[bflag:$0x2] =	sbarrier.arrive $0xFFFF  }
0x50: {  	[sflag:s0] =	ssyncadd.tile.s32 @!p0 $0x1;
	_ =	shalt  }
.Lfunc_end1:
_tile_overlayer_lowered:
.L_overlay_start_2:
0x51: {  	(tag) =	ssettag $0x2  }
0x52: {  	s0 =	rddreg [dreg:$0x0];
	s2 =	stileid.u32  }
0x53: {  	s1 =	rddreg [dreg:$0x1];
	p0 =	sne.s32 s2, $0x0  }
0x54: {  	s3 =	rddreg [dreg:$0x2];
	[bflag:$0x3] =	sbarrier.arrive $0xFFFF;
	s2 =	simm.s32 @!p0 $0x1C01  }
0x55: {  	[timem:s3], [sflag:s2] =	dma.local @!p0 [hbm:s0], s1  }
0x56: {  	s0 =	simm.s32 @!p0 $0x1  }
0x57: {  	_ =	swait.ge @!p0 [sflag:s0], s1  }
0x58: {  	s1 =	ssub.s32 @!p0 $0x0, s1;
	[sflag:s0] =	ssyncset.done @!p0 $0x0  }
0x59: {  	[sflag:s0] =	ssyncadd.s32 @!p0 s1  }
0x5a: {  	[bflag:$0x3] =	sbarrier.arrive $0xFFFF  }
0x5b: {  	_ =	shalt  }

</sc_bundles>
